<compile_context>
chip_gen: v7x
topology: tpu7x:2x2x1
jax: 0.10.2.dev20260603
libtpu: 0.0.44.dev20260713+nightly
codegen_flags: <defaults>
</compile_context>

<pallas_src>
import functools

import jax
import jax.numpy as jnp
from jax import lax
from jax.experimental import pallas as pl
from jax.experimental.pallas import tpu as pltpu
from jax.experimental.pallas import tpu_sc as plsc

BLOCK_ROWS = 1024
N_EXPERTS = 16
TOPK = 2
NC, NS, LANES = 2, 16, 16
NW = NC * NS
CHUNK_ROWS = (12288, 4096)


def _logits_block(x_ref, w_ref, b_ref, logits_ref):
    logits_ref[...] = jnp.dot(x_ref[...], w_ref[...],
                              preferred_element_type=jnp.float32) + b_ref[...]


def _tc_logits_chunk(x, W, b2, base_row, chunk_rows):
    blocks = chunk_rows // BLOCK_ROWS
    base_block = base_row // BLOCK_ROWS
    return pl.pallas_call(
        _logits_block,
        grid=(blocks,),
        in_specs=[
            pl.BlockSpec((BLOCK_ROWS, x.shape[1]),
                         lambda i: (base_block + i, 0)),
            pl.BlockSpec((x.shape[1], N_EXPERTS), lambda i: (0, 0)),
            pl.BlockSpec((1, N_EXPERTS), lambda i: (0, 0)),
        ],
        out_specs=pl.BlockSpec((BLOCK_ROWS, N_EXPERTS), lambda i: (i, 0)),
        out_shape=jax.ShapeDtypeStruct((chunk_rows, N_EXPERTS), jnp.float32),
    )(x, W, b2)


def _sc_route(logits):
    rows = logits.shape[0]
    rpw = rows // NW
    groups = rpw // 16
    mesh = plsc.VectorSubcoreMesh(core_axis_name="c", subcore_axis_name="s",
                                  num_cores=NC, num_subcores=NS)

    @functools.partial(
        pl.kernel,
        out_type=[
            jax.ShapeDtypeStruct((rows, N_EXPERTS), jnp.float32),
            jax.ShapeDtypeStruct((rows * TOPK,), jnp.int32),
        ],
        mesh=mesh,
        scratch_types=[
            pltpu.VMEM((rpw, N_EXPERTS), jnp.float32),
            pltpu.VMEM((rpw * TOPK,), jnp.int32),
        ],
    )
    def route(logits_hbm, gates_hbm, idx_hbm, lg_v, idx_v):
        wid = lax.axis_index("s") * NC + lax.axis_index("c")
        base = wid * rpw
        pltpu.sync_copy(logits_hbm.at[pl.ds(base, rpw)], lg_v)
        lane = lax.iota(jnp.int32, 16)
        zero = jnp.zeros((16,), jnp.float32)
        zero_i = jnp.zeros((16,), jnp.int32)

        dnums = lax.GatherDimensionNumbers(offset_dims=(),
                                           collapsed_slice_dims=(0,),
                                           start_index_map=(0,))

        def shuffle(v, idx):
            return lax.gather(v, idx[:, None], dnums, (1,),
                              mode=lax.GatherScatterMode.PROMISE_IN_BOUNDS)

        perm = {k: lane ^ k for k in (1, 2, 4, 8)}
        hibit = {k: (lane & k) != 0 for k in (1, 2, 4, 8)}

        def transpose16(v):
            v = list(v)
            for k in (1, 2, 4, 8):
                for r in range(16):
                    if r & k == 0:
                        a, b = v[r], v[r ^ k]
                        v[r] = jnp.where(hibit[k], shuffle(b, perm[k]), a)
                        v[r ^ k] = jnp.where(hibit[k], b, shuffle(a, perm[k]))
            return v

        def group_body(g, _):
            rows = [lg_v[g * 16 + j] for j in range(16)]
            t = transpose16(rows)
            m1, i1 = t[0], zero_i
            m2, i2 = jnp.full((16,), -jnp.inf, jnp.float32), zero_i
            for e in range(1, N_EXPERTS):
                c = t[e]
                gt1 = c > m1
                gt2 = c > m2
                m2 = jnp.where(gt1, m1, jnp.where(gt2, c, m2))
                i2 = jnp.where(gt1, i1, jnp.where(gt2, e, i2))
                m1 = jnp.where(gt1, c, m1)
                i1 = jnp.where(gt1, e, i1)
            ex = jnp.exp(m2 - m1)
            g2 = ex / (1.0 + ex)
            g1 = 1.0 - g2
            cols = [jnp.where(i1 == e, g1, jnp.where(i2 == e, g2, zero))
                    for e in range(N_EXPERTS)]
            gates_rows = transpose16(cols)
            for j in range(16):
                lg_v[g * 16 + j] = gates_rows[j]
            idx_v[pl.ds(g * 16, 16)] = i1
            idx_v[pl.ds(rpw + g * 16, 16)] = i2
            return 0

        lax.fori_loop(0, groups, group_body, 0)
        pltpu.sync_copy(lg_v, gates_hbm.at[pl.ds(base, rpw)])
        pltpu.sync_copy(idx_v, idx_hbm.at[pl.ds(base * TOPK, rpw * TOPK)])

    gates, idx_flat = route(logits)
    idx = idx_flat.reshape(NW, TOPK, rpw).transpose(0, 2, 1).reshape(rows, TOPK)
    return gates, idx


@jax.jit
def kernel(x, W, b):
    x = x.astype(jnp.float32)
    Wf = W.astype(jnp.float32)
    rows = x.shape[0]
    b2 = b.reshape(1, N_EXPERTS).astype(jnp.float32)
    gates_parts, idx_parts = [], []
    base_row = 0
    for chunk_rows in CHUNK_ROWS:
        logits_c = _tc_logits_chunk(x, Wf, b2, base_row, chunk_rows)
        gates_c, idx_c = _sc_route(logits_c)
        gates_parts.append(gates_c)
        idx_parts.append(idx_c)
        base_row += chunk_rows
    gates = jnp.concatenate(gates_parts, axis=0)
    idx = jnp.concatenate(idx_parts, axis=0)
    return gates, idx

# --- scband reference (transcript-rebuilt; emitter-appended) ---
"""Pipeline reference for scband-simple-gate-89687507075576 (READ-ONLY COPY).

The authoritative reference and input builder live on the scoring server;
editing this copy changes nothing except your own understanding.
"""

import jax, jax.numpy as jnp
import numpy as np

TOP_K = 2

def setup_inputs(seed: int = 0) -> dict:
    key = jax.random.key(seed)
    k1, k2 = jax.random.split(key, 2)
    x = jax.random.normal(k1, (16384, 2048), dtype=jnp.float32)
    # gate_layer params: nn.Linear(input_dim=2048, n_experts=16)
    W = jax.random.normal(k2, (2048, 16), dtype=jnp.float32) * 0.02
    b = jnp.zeros((16,), dtype=jnp.float32)
    return {"x": x, "W": W, "b": b}

def reference(x, W, b):
    x = x.astype(jnp.float32)
    # x is already 2D with last dim == input_dim, so no reshape/pad/truncate needed
    gate_logits = x @ W + b
    top_k_logits, top_k_indices = jax.lax.top_k(gate_logits, TOP_K)
    top_k_gates = jax.nn.softmax(top_k_logits, axis=-1)
    rows = jnp.arange(gate_logits.shape[0])[:, None]
    gates = jnp.zeros_like(gate_logits).at[rows, top_k_indices].set(top_k_gates)
    return (gates, top_k_indices)

if __name__ == "__main__":
    import jax
    _d = setup_inputs()
    print(jax.jit(kernel)(*tuple(_d.values())))

</pallas_src>

<mosaic_0001>
#map = affine_map<(d0, d1) -> (0, 0)>
#map1 = affine_map<(d0, d1) -> (0)>
module attributes {stable_mosaic.version = 14 : i64} {
  func.func @route(%arg0: i32, %arg1: i32, %arg2: memref<4096x16xf32, #tpu.memory_space<hbm>>, %arg3: memref<4096x16xf32, #tpu.memory_space<hbm>>, %arg4: memref<8192xi32, #tpu.memory_space<hbm>>, %arg5: memref<128x16xf32, #tpu.memory_space<vmem>>, %arg6: memref<256xi32, #tpu.memory_space<vmem>>) attributes {dimension_semantics = [#tpu.dimension_semantics<core_parallel>, #tpu.dimension_semantics<subcore_parallel>], iteration_bounds = array<i64: 2, 16>, scalar_prefetch = 0 : i64, scratch_operands = 2 : i64, tpu.core_type = #tpu.core_type<sc_vector_subcore>, window_params = [{transform_indices = #map}, {transform_indices = #map}, {transform_indices = #map1}]} {
    %mul3A = arith.constant 2 : i32
    %mul3A_0 = arith.muli %arg1, %mul3A : i32
    %add3A = arith.addi %mul3A_0, %arg0 : i32
    %mul3A_1 = arith.constant 128 : i32
    %mul3A_2 = arith.muli %add3A, %mul3A_1 : i32
    "tpu.region"() ({
      %run_scoped3A = tpu.sem_alloc : memref<!tpu.dma_semaphore, #tpu.memory_space<semaphore_mem>>
      %dma_start3A = arith.constant 0 : i32
      %dma_start3A_47 = tpu.memref_slice %arg2[%mul3A_2, %dma_start3A] : memref<4096x16xf32, #tpu.memory_space<hbm>> -> memref<128x16xf32, #tpu.memory_space<hbm>>
      %dma_start3A_48 = arith.constant 0 : i32
      %dma_start3A_49 = tpu.memref_slice %arg2[%mul3A_2, %dma_start3A_48] : memref<4096x16xf32, #tpu.memory_space<hbm>> -> memref<128x16xf32, #tpu.memory_space<hbm>>
      tpu.enqueue_dma source(%dma_start3A_49 : memref<128x16xf32, #tpu.memory_space<hbm>>) target(%arg5 : memref<128x16xf32, #tpu.memory_space<vmem>>) target_semaphore(%run_scoped3A : memref<!tpu.dma_semaphore, #tpu.memory_space<semaphore_mem>>)
      %dma_wait3A = arith.constant 0 : i32
      %dma_wait3A_50 = tpu.memref_slice %arg2[%mul3A_2, %dma_wait3A] : memref<4096x16xf32, #tpu.memory_space<hbm>> -> memref<128x16xf32, #tpu.memory_space<hbm>>
      %dma_wait3A_51 = arith.constant 0 : i32
      %dma_wait3A_52 = tpu.memref_slice %arg2[%mul3A_2, %dma_wait3A_51] : memref<4096x16xf32, #tpu.memory_space<hbm>> -> memref<128x16xf32, #tpu.memory_space<hbm>>
      tpu.wait_dma2 semaphore(%run_scoped3A : memref<!tpu.dma_semaphore, #tpu.memory_space<semaphore_mem>>) src(%dma_wait3A_52 : memref<128x16xf32, #tpu.memory_space<hbm>>) dst(%arg5 : memref<128x16xf32, #tpu.memory_space<vmem>>)
      tpu.yield
    }) : () -> ()
    %iota3A = tpu.iota {dimensions = array<i32: 0>} : vector<16xi32>
    %broadcast_in_dim3A = arith.constant 0.000000e+00 : f32
    %broadcast_in_dim3A_3 = vector.broadcast %broadcast_in_dim3A : f32 to vector<16xf32>
    %broadcast_in_dim3A_4 = arith.constant 0 : i32
    %broadcast_in_dim3A_5 = vector.broadcast %broadcast_in_dim3A_4 : i32 to vector<16xi32>
    %xor3A = arith.constant 1 : i32
    %xor3A_6 = vector.broadcast %xor3A : i32 to vector<16xi32>
    %xor3A_7 = arith.xori %iota3A, %xor3A_6 : vector<16xi32>
    %xor3A_8 = arith.constant 2 : i32
    %xor3A_9 = vector.broadcast %xor3A_8 : i32 to vector<16xi32>
    %xor3A_10 = arith.xori %iota3A, %xor3A_9 : vector<16xi32>
    %xor3A_11 = arith.constant 4 : i32
    %xor3A_12 = vector.broadcast %xor3A_11 : i32 to vector<16xi32>
    %xor3A_13 = arith.xori %iota3A, %xor3A_12 : vector<16xi32>
    %xor3A_14 = arith.constant 8 : i32
    %xor3A_15 = vector.broadcast %xor3A_14 : i32 to vector<16xi32>
    %xor3A_16 = arith.xori %iota3A, %xor3A_15 : vector<16xi32>
    %and3A = arith.constant 1 : i32
    %and3A_17 = vector.broadcast %and3A : i32 to vector<16xi32>
    %and3A_18 = arith.andi %iota3A, %and3A_17 : vector<16xi32>
    %ne3A = arith.constant 0 : i32
    %ne3A_19 = vector.broadcast %ne3A : i32 to vector<16xi32>
    %ne3A_20 = arith.cmpi ne, %and3A_18, %ne3A_19 : vector<16xi32>
    %and3A_21 = arith.constant 2 : i32
    %and3A_22 = vector.broadcast %and3A_21 : i32 to vector<16xi32>
    %and3A_23 = arith.andi %iota3A, %and3A_22 : vector<16xi32>
    %ne3A_24 = arith.constant 0 : i32
    %ne3A_25 = vector.broadcast %ne3A_24 : i32 to vector<16xi32>
    %ne3A_26 = arith.cmpi ne, %and3A_23, %ne3A_25 : vector<16xi32>
    %and3A_27 = arith.constant 4 : i32
    %and3A_28 = vector.broadcast %and3A_27 : i32 to vector<16xi32>
    %and3A_29 = arith.andi %iota3A, %and3A_28 : vector<16xi32>
    %ne3A_30 = arith.constant 0 : i32
    %ne3A_31 = vector.broadcast %ne3A_30 : i32 to vector<16xi32>
    %ne3A_32 = arith.cmpi ne, %and3A_29, %ne3A_31 : vector<16xi32>
    %and3A_33 = arith.constant 8 : i32
    %and3A_34 = vector.broadcast %and3A_33 : i32 to vector<16xi32>
    %and3A_35 = arith.andi %iota3A, %and3A_34 : vector<16xi32>
    %ne3A_36 = arith.constant 0 : i32
    %ne3A_37 = vector.broadcast %ne3A_36 : i32 to vector<16xi32>
    %ne3A_38 = arith.cmpi ne, %and3A_35, %ne3A_37 : vector<16xi32>
    %scan3A = arith.constant 0 : i32
    %scan3A_39 = arith.constant 0 : i32
    %scan3A_40 = arith.constant 8 : i32
    %scan3A_41 = arith.addi %scan3A_39, %scan3A_40 : i32
    %scan3A_42 = arith.constant 1 : i32
    %scan3A_43 = scf.for %scan3A_47 = %scan3A_39 to %scan3A_41 step %scan3A_42 iter_args(%scan3A_48 = %scan3A) -> (i32)  : i32 {
      %mul3A_49 = arith.constant 16 : i32
      %mul3A_50 = arith.muli %scan3A_47, %mul3A_49 : i32
      %add3A_51 = arith.constant 0 : i32
      %add3A_52 = arith.addi %mul3A_50, %add3A_51 : i32
      %get3A = arith.index_cast %add3A_52 : i32 to index
      %get3A_53 = arith.constant 0 : index
      %get3A_54 = tpu.vector_load %arg5[%get3A, %get3A_53] {strides = array<i32>} : memref<128x16xf32, #tpu.memory_space<vmem>>, vector<1x16xf32>,
      %get3A_55 = vector.shape_cast %get3A_54 : vector<1x16xf32> to vector<16xf32>
      %mul3A_56 = arith.constant 16 : i32
      %mul3A_57 = arith.muli %scan3A_47, %mul3A_56 : i32
      %add3A_58 = arith.constant 1 : i32
      %add3A_59 = arith.addi %mul3A_57, %add3A_58 : i32
      %get3A_60 = arith.index_cast %add3A_59 : i32 to index
      %get3A_61 = arith.constant 0 : index
      %get3A_62 = tpu.vector_load %arg5[%get3A_60, %get3A_61] {strides = array<i32>} : memref<128x16xf32, #tpu.memory_space<vmem>>, vector<1x16xf32>,
      %get3A_63 = vector.shape_cast %get3A_62 : vector<1x16xf32> to vector<16xf32>
      %mul3A_64 = arith.constant 16 : i32
      %mul3A_65 = arith.muli %scan3A_47, %mul3A_64 : i32
      %add3A_66 = arith.constant 2 : i32
      %add3A_67 = arith.addi %mul3A_65, %add3A_66 : i32
      %get3A_68 = arith.index_cast %add3A_67 : i32 to index
      %get3A_69 = arith.constant 0 : index
      %get3A_70 = tpu.vector_load %arg5[%get3A_68, %get3A_69] {strides = array<i32>} : memref<128x16xf32, #tpu.memory_space<vmem>>, vector<1x16xf32>,
      %get3A_71 = vector.shape_cast %get3A_70 : vector<1x16xf32> to vector<16xf32>
      %mul3A_72 = arith.constant 16 : i32
      %mul3A_73 = arith.muli %scan3A_47, %mul3A_72 : i32
      %add3A_74 = arith.constant 3 : i32
      %add3A_75 = arith.addi %mul3A_73, %add3A_74 : i32
      %get3A_76 = arith.index_cast %add3A_75 : i32 to index
      %get3A_77 = arith.constant 0 : index
      %get3A_78 = tpu.vector_load %arg5[%get3A_76, %get3A_77] {strides = array<i32>} : memref<128x16xf32, #tpu.memory_space<vmem>>, vector<1x16xf32>,
      %get3A_79 = vector.shape_cast %get3A_78 : vector<1x16xf32> to vector<16xf32>
      %mul3A_80 = arith.constant 16 : i32
      %mul3A_81 = arith.muli %scan3A_47, %mul3A_80 : i32
      %add3A_82 = arith.constant 4 : i32
      %add3A_83 = arith.addi %mul3A_81, %add3A_82 : i32
      %get3A_84 = arith.index_cast %add3A_83 : i32 to index
      %get3A_85 = arith.constant 0 : index
      %get3A_86 = tpu.vector_load %arg5[%get3A_84, %get3A_85] {strides = array<i32>} : memref<128x16xf32, #tpu.memory_space<vmem>>, vector<1x16xf32>,
      %get3A_87 = vector.shape_cast %get3A_86 : vector<1x16xf32> to vector<16xf32>
      %mul3A_88 = arith.constant 16 : i32
      %mul3A_89 = arith.muli %scan3A_47, %mul3A_88 : i32
      %add3A_90 = arith.constant 5 : i32
      %add3A_91 = arith.addi %mul3A_89, %add3A_90 : i32
      %get3A_92 = arith.index_cast %add3A_91 : i32 to index
      %get3A_93 = arith.constant 0 : index
      %get3A_94 = tpu.vector_load %arg5[%get3A_92, %get3A_93] {strides = array<i32>} : memref<128x16xf32, #tpu.memory_space<vmem>>, vector<1x16xf32>,
      %get3A_95 = vector.shape_cast %get3A_94 : vector<1x16xf32> to vector<16xf32>
      %mul3A_96 = arith.constant 16 : i32
      %mul3A_97 = arith.muli %scan3A_47, %mul3A_96 : i32
      %add3A_98 = arith.constant 6 : i32
      %add3A_99 = arith.addi %mul3A_97, %add3A_98 : i32
      %get3A_100 = arith.index_cast %add3A_99 : i32 to index
      %get3A_101 = arith.constant 0 : index
      %get3A_102 = tpu.vector_load %arg5[%get3A_100, %get3A_101] {strides = array<i32>} : memref<128x16xf32, #tpu.memory_space<vmem>>, vector<1x16xf32>,
      %get3A_103 = vector.shape_cast %get3A_102 : vector<1x16xf32> to vector<16xf32>
      %mul3A_104 = arith.constant 16 : i32
      %mul3A_105 = arith.muli %scan3A_47, %mul3A_104 : i32
      %add3A_106 = arith.constant 7 : i32
      %add3A_107 = arith.addi %mul3A_105, %add3A_106 : i32
      %get3A_108 = arith.index_cast %add3A_107 : i32 to index
      %get3A_109 = arith.constant 0 : index
      %get3A_110 = tpu.vector_load %arg5[%get3A_108, %get3A_109] {strides = array<i32>} : memref<128x16xf32, #tpu.memory_space<vmem>>, vector<1x16xf32>,
      %get3A_111 = vector.shape_cast %get3A_110 : vector<1x16xf32> to vector<16xf32>
      %mul3A_112 = arith.constant 16 : i32
      %mul3A_113 = arith.muli %scan3A_47, %mul3A_112 : i32
      %add3A_114 = arith.constant 8 : i32
      %add3A_115 = arith.addi %mul3A_113, %add3A_114 : i32
      %get3A_116 = arith.index_cast %add3A_115 : i32 to index
      %get3A_117 = arith.constant 0 : index
      %get3A_118 = tpu.vector_load %arg5[%get3A_116, %get3A_117] {strides = array<i32>} : memref<128x16xf32, #tpu.memory_space<vmem>>, vector<1x16xf32>,
      %get3A_119 = vector.shape_cast %get3A_118 : vector<1x16xf32> to vector<16xf32>
      %mul3A_120 = arith.constant 16 : i32
      %mul3A_121 = arith.muli %scan3A_47, %mul3A_120 : i32
      %add3A_122 = arith.constant 9 : i32
      %add3A_123 = arith.addi %mul3A_121, %add3A_122 : i32
      %get3A_124 = arith.index_cast %add3A_123 : i32 to index
      %get3A_125 = arith.constant 0 : index
      %get3A_126 = tpu.vector_load %arg5[%get3A_124, %get3A_125] {strides = array<i32>} : memref<128x16xf32, #tpu.memory_space<vmem>>, vector<1x16xf32>,
      %get3A_127 = vector.shape_cast %get3A_126 : vector<1x16xf32> to vector<16xf32>
      %mul3A_128 = arith.constant 16 : i32
      %mul3A_129 = arith.muli %scan3A_47, %mul3A_128 : i32
      %add3A_130 = arith.constant 10 : i32
      %add3A_131 = arith.addi %mul3A_129, %add3A_130 : i32
      %get3A_132 = arith.index_cast %add3A_131 : i32 to index
      %get3A_133 = arith.constant 0 : index
      %get3A_134 = tpu.vector_load %arg5[%get3A_132, %get3A_133] {strides = array<i32>} : memref<128x16xf32, #tpu.memory_space<vmem>>, vector<1x16xf32>,
      %get3A_135 = vector.shape_cast %get3A_134 : vector<1x16xf32> to vector<16xf32>
      %mul3A_136 = arith.constant 16 : i32
      %mul3A_137 = arith.muli %scan3A_47, %mul3A_136 : i32
      %add3A_138 = arith.constant 11 : i32
      %add3A_139 = arith.addi %mul3A_137, %add3A_138 : i32
      %get3A_140 = arith.index_cast %add3A_139 : i32 to index
      %get3A_141 = arith.constant 0 : index
      %get3A_142 = tpu.vector_load %arg5[%get3A_140, %get3A_141] {strides = array<i32>} : memref<128x16xf32, #tpu.memory_space<vmem>>, vector<1x16xf32>,
      %get3A_143 = vector.shape_cast %get3A_142 : vector<1x16xf32> to vector<16xf32>
      %mul3A_144 = arith.constant 16 : i32
      %mul3A_145 = arith.muli %scan3A_47, %mul3A_144 : i32
      %add3A_146 = arith.constant 12 : i32
      %add3A_147 = arith.addi %mul3A_145, %add3A_146 : i32
      %get3A_148 = arith.index_cast %add3A_147 : i32 to index
      %get3A_149 = arith.constant 0 : index
      %get3A_150 = tpu.vector_load %arg5[%get3A_148, %get3A_149] {strides = array<i32>} : memref<128x16xf32, #tpu.memory_space<vmem>>, vector<1x16xf32>,
      %get3A_151 = vector.shape_cast %get3A_150 : vector<1x16xf32> to vector<16xf32>
      %mul3A_152 = arith.constant 16 : i32
      %mul3A_153 = arith.muli %scan3A_47, %mul3A_152 : i32
      %add3A_154 = arith.constant 13 : i32
      %add3A_155 = arith.addi %mul3A_153, %add3A_154 : i32
      %get3A_156 = arith.index_cast %add3A_155 : i32 to index
      %get3A_157 = arith.constant 0 : index
      %get3A_158 = tpu.vector_load %arg5[%get3A_156, %get3A_157] {strides = array<i32>} : memref<128x16xf32, #tpu.memory_space<vmem>>, vector<1x16xf32>,
      %get3A_159 = vector.shape_cast %get3A_158 : vector<1x16xf32> to vector<16xf32>
      %mul3A_160 = arith.constant 16 : i32
      %mul3A_161 = arith.muli %scan3A_47, %mul3A_160 : i32
      %add3A_162 = arith.constant 14 : i32
      %add3A_163 = arith.addi %mul3A_161, %add3A_162 : i32
      %get3A_164 = arith.index_cast %add3A_163 : i32 to index
      %get3A_165 = arith.constant 0 : index
      %get3A_166 = tpu.vector_load %arg5[%get3A_164, %get3A_165] {strides = array<i32>} : memref<128x16xf32, #tpu.memory_space<vmem>>, vector<1x16xf32>,
      %get3A_167 = vector.shape_cast %get3A_166 : vector<1x16xf32> to vector<16xf32>
      %mul3A_168 = arith.constant 16 : i32
      %mul3A_169 = arith.muli %scan3A_47, %mul3A_168 : i32
      %add3A_170 = arith.constant 15 : i32
      %add3A_171 = arith.addi %mul3A_169, %add3A_170 : i32
      %get3A_172 = arith.index_cast %add3A_171 : i32 to index
      %get3A_173 = arith.constant 0 : index
      %get3A_174 = tpu.vector_load %arg5[%get3A_172, %get3A_173] {strides = array<i32>} : memref<128x16xf32, #tpu.memory_space<vmem>>, vector<1x16xf32>,
      %get3A_175 = vector.shape_cast %get3A_174 : vector<1x16xf32> to vector<16xf32>
      %broadcast_in_dim3A_176 = vector.shape_cast %xor3A_7 : vector<16xi32> to vector<16x1xi32>
      %gather3A = vector.shape_cast %broadcast_in_dim3A_176 : vector<16x1xi32> to vector<16xi32>
      %gather3A_177 = tpu.dynamic_gather %get3A_63[%gather3A] in [0] : vector<16xf32>, vector<16xi32> -> vector<16xf32>
      %select_n3A = arith.select %ne3A_20, %gather3A_177, %get3A_55 : vector<16xi1>, vector<16xf32>
      %broadcast_in_dim3A_178 = vector.shape_cast %xor3A_7 : vector<16xi32> to vector<16x1xi32>
      %gather3A_179 = vector.shape_cast %broadcast_in_dim3A_178 : vector<16x1xi32> to vector<16xi32>
      %gather3A_180 = tpu.dynamic_gather %get3A_55[%gather3A_179] in [0] : vector<16xf32>, vector<16xi32> -> vector<16xf32>
      %select_n3A_181 = arith.select %ne3A_20, %get3A_63, %gather3A_180 : vector<16xi1>, vector<16xf32>
      %broadcast_in_dim3A_182 = vector.shape_cast %xor3A_7 : vector<16xi32> to vector<16x1xi32>
      %gather3A_183 = vector.shape_cast %broadcast_in_dim3A_182 : vector<16x1xi32> to vector<16xi32>
      %gather3A_184 = tpu.dynamic_gather %get3A_79[%gather3A_183] in [0] : vector<16xf32>, vector<16xi32> -> vector<16xf32>
      %select_n3A_185 = arith.select %ne3A_20, %gather3A_184, %get3A_71 : vector<16xi1>, vector<16xf32>
      %broadcast_in_dim3A_186 = vector.shape_cast %xor3A_7 : vector<16xi32> to vector<16x1xi32>
      %gather3A_187 = vector.shape_cast %broadcast_in_dim3A_186 : vector<16x1xi32> to vector<16xi32>
      %gather3A_188 = tpu.dynamic_gather %get3A_71[%gather3A_187] in [0] : vector<16xf32>, vector<16xi32> -> vector<16xf32>
      %select_n3A_189 = arith.select %ne3A_20, %get3A_79, %gather3A_188 : vector<16xi1>, vector<16xf32>
      %broadcast_in_dim3A_190 = vector.shape_cast %xor3A_7 : vector<16xi32> to vector<16x1xi32>
      %gather3A_191 = vector.shape_cast %broadcast_in_dim3A_190 : vector<16x1xi32> to vector<16xi32>
      %gather3A_192 = tpu.dynamic_gather %get3A_95[%gather3A_191] in [0] : vector<16xf32>, vector<16xi32> -> vector<16xf32>
      %select_n3A_193 = arith.select %ne3A_20, %gather3A_192, %get3A_87 : vector<16xi1>, vector<16xf32>
      %broadcast_in_dim3A_194 = vector.shape_cast %xor3A_7 : vector<16xi32> to vector<16x1xi32>
      %gather3A_195 = vector.shape_cast %broadcast_in_dim3A_194 : vector<16x1xi32> to vector<16xi32>
      %gather3A_196 = tpu.dynamic_gather %get3A_87[%gather3A_195] in [0] : vector<16xf32>, vector<16xi32> -> vector<16xf32>
      %select_n3A_197 = arith.select %ne3A_20, %get3A_95, %gather3A_196 : vector<16xi1>, vector<16xf32>
      %broadcast_in_dim3A_198 = vector.shape_cast %xor3A_7 : vector<16xi32> to vector<16x1xi32>
      %gather3A_199 = vector.shape_cast %broadcast_in_dim3A_198 : vector<16x1xi32> to vector<16xi32>
      %gather3A_200 = tpu.dynamic_gather %get3A_111[%gather3A_199] in [0] : vector<16xf32>, vector<16xi32> -> vector<16xf32>
      %select_n3A_201 = arith.select %ne3A_20, %gather3A_200, %get3A_103 : vector<16xi1>, vector<16xf32>
      %broadcast_in_dim3A_202 = vector.shape_cast %xor3A_7 : vector<16xi32> to vector<16x1xi32>
      %gather3A_203 = vector.shape_cast %broadcast_in_dim3A_202 : vector<16x1xi32> to vector<16xi32>
      %gather3A_204 = tpu.dynamic_gather %get3A_103[%gather3A_203] in [0] : vector<16xf32>, vector<16xi32> -> vector<16xf32>
      %select_n3A_205 = arith.select %ne3A_20, %get3A_111, %gather3A_204 : vector<16xi1>, vector<16xf32>
      %broadcast_in_dim3A_206 = vector.shape_cast %xor3A_7 : vector<16xi32> to vector<16x1xi32>
      %gather3A_207 = vector.shape_cast %broadcast_in_dim3A_206 : vector<16x1xi32> to vector<16xi32>
      %gather3A_208 = tpu.dynamic_gather %get3A_127[%gather3A_207] in [0] : vector<16xf32>, vector<16xi32> -> vector<16xf32>
      %select_n3A_209 = arith.select %ne3A_20, %gather3A_208, %get3A_119 : vector<16xi1>, vector<16xf32>
      %broadcast_in_dim3A_210 = vector.shape_cast %xor3A_7 : vector<16xi32> to vector<16x1xi32>
      %gather3A_211 = vector.shape_cast %broadcast_in_dim3A_210 : vector<16x1xi32> to vector<16xi32>
      %gather3A_212 = tpu.dynamic_gather %get3A_119[%gather3A_211] in [0] : vector<16xf32>, vector<16xi32> -> vector<16xf32>
      %select_n3A_213 = arith.select %ne3A_20, %get3A_127, %gather3A_212 : vector<16xi1>, vector<16xf32>
      %broadcast_in_dim3A_214 = vector.shape_cast %xor3A_7 : vector<16xi32> to vector<16x1xi32>
      %gather3A_215 = vector.shape_cast %broadcast_in_dim3A_214 : vector<16x1xi32> to vector<16xi32>
      %gather3A_216 = tpu.dynamic_gather %get3A_143[%gather3A_215] in [0] : vector<16xf32>, vector<16xi32> -> vector<16xf32>
      %select_n3A_217 = arith.select %ne3A_20, %gather3A_216, %get3A_135 : vector<16xi1>, vector<16xf32>
      %broadcast_in_dim3A_218 = vector.shape_cast %xor3A_7 : vector<16xi32> to vector<16x1xi32>
      %gather3A_219 = vector.shape_cast %broadcast_in_dim3A_218 : vector<16x1xi32> to vector<16xi32>
      %gather3A_220 = tpu.dynamic_gather %get3A_135[%gather3A_219] in [0] : vector<16xf32>, vector<16xi32> -> vector<16xf32>
      %select_n3A_221 = arith.select %ne3A_20, %get3A_143, %gather3A_220 : vector<16xi1>, vector<16xf32>
      %broadcast_in_dim3A_222 = vector.shape_cast %xor3A_7 : vector<16xi32> to vector<16x1xi32>
      %gather3A_223 = vector.shape_cast %broadcast_in_dim3A_222 : vector<16x1xi32> to vector<16xi32>
      %gather3A_224 = tpu.dynamic_gather %get3A_159[%gather3A_223] in [0] : vector<16xf32>, vector<16xi32> -> vector<16xf32>
      %select_n3A_225 = arith.select %ne3A_20, %gather3A_224, %get3A_151 : vector<16xi1>, vector<16xf32>
      %broadcast_in_dim3A_226 = vector.shape_cast %xor3A_7 : vector<16xi32> to vector<16x1xi32>
      %gather3A_227 = vector.shape_cast %broadcast_in_dim3A_226 : vector<16x1xi32> to vector<16xi32>
      %gather3A_228 = tpu.dynamic_gather %get3A_151[%gather3A_227] in [0] : vector<16xf32>, vector<16xi32> -> vector<16xf32>
      %select_n3A_229 = arith.select %ne3A_20, %get3A_159, %gather3A_228 : vector<16xi1>, vector<16xf32>
      %broadcast_in_dim3A_230 = vector.shape_cast %xor3A_7 : vector<16xi32> to vector<16x1xi32>
      %gather3A_231 = vector.shape_cast %broadcast_in_dim3A_230 : vector<16x1xi32> to vector<16xi32>
      %gather3A_232 = tpu.dynamic_gather %get3A_175[%gather3A_231] in [0] : vector<16xf32>, vector<16xi32> -> vector<16xf32>
      %select_n3A_233 = arith.select %ne3A_20, %gather3A_232, %get3A_167 : vector<16xi1>, vector<16xf32>
      %broadcast_in_dim3A_234 = vector.shape_cast %xor3A_7 : vector<16xi32> to vector<16x1xi32>
      %gather3A_235 = vector.shape_cast %broadcast_in_dim3A_234 : vector<16x1xi32> to vector<16xi32>
      %gather3A_236 = tpu.dynamic_gather %get3A_167[%gather3A_235] in [0] : vector<16xf32>, vector<16xi32> -> vector<16xf32>
      %select_n3A_237 = arith.select %ne3A_20, %get3A_175, %gather3A_236 : vector<16xi1>, vector<16xf32>
      %broadcast_in_dim3A_238 = vector.shape_cast %xor3A_10 : vector<16xi32> to vector<16x1xi32>
      %gather3A_239 = vector.shape_cast %broadcast_in_dim3A_238 : vector<16x1xi32> to vector<16xi32>
      %gather3A_240 = tpu.dynamic_gather %select_n3A_185[%gather3A_239] in [0] : vector<16xf32>, vector<16xi32> -> vector<16xf32>
      %select_n3A_241 = arith.select %ne3A_26, %gather3A_240, %select_n3A : vector<16xi1>, vector<16xf32>
      %broadcast_in_dim3A_242 = vector.shape_cast %xor3A_10 : vector<16xi32> to vector<16x1xi32>
      %gather3A_243 = vector.shape_cast %broadcast_in_dim3A_242 : vector<16x1xi32> to vector<16xi32>
      %gather3A_244 = tpu.dynamic_gather %select_n3A[%gather3A_243] in [0] : vector<16xf32>, vector<16xi32> -> vector<16xf32>
      %select_n3A_245 = arith.select %ne3A_26, %select_n3A_185, %gather3A_244 : vector<16xi1>, vector<16xf32>
      %broadcast_in_dim3A_246 = vector.shape_cast %xor3A_10 : vector<16xi32> to vector<16x1xi32>
      %gather3A_247 = vector.shape_cast %broadcast_in_dim3A_246 : vector<16x1xi32> to vector<16xi32>
      %gather3A_248 = tpu.dynamic_gather %select_n3A_189[%gather3A_247] in [0] : vector<16xf32>, vector<16xi32> -> vector<16xf32>
      %select_n3A_249 = arith.select %ne3A_26, %gather3A_248, %select_n3A_181 : vector<16xi1>, vector<16xf32>
      %broadcast_in_dim3A_250 = vector.shape_cast %xor3A_10 : vector<16xi32> to vector<16x1xi32>
      %gather3A_251 = vector.shape_cast %broadcast_in_dim3A_250 : vector<16x1xi32> to vector<16xi32>
      %gather3A_252 = tpu.dynamic_gather %select_n3A_181[%gather3A_251] in [0] : vector<16xf32>, vector<16xi32> -> vector<16xf32>
      %select_n3A_253 = arith.select %ne3A_26, %select_n3A_189, %gather3A_252 : vector<16xi1>, vector<16xf32>
      %broadcast_in_dim3A_254 = vector.shape_cast %xor3A_10 : vector<16xi32> to vector<16x1xi32>
      %gather3A_255 = vector.shape_cast %broadcast_in_dim3A_254 : vector<16x1xi32> to vector<16xi32>
      %gather3A_256 = tpu.dynamic_gather %select_n3A_201[%gather3A_255] in [0] : vector<16xf32>, vector<16xi32> -> vector<16xf32>
      %select_n3A_257 = arith.select %ne3A_26, %gather3A_256, %select_n3A_193 : vector<16xi1>, vector<16xf32>
      %broadcast_in_dim3A_258 = vector.shape_cast %xor3A_10 : vector<16xi32> to vector<16x1xi32>
      %gather3A_259 = vector.shape_cast %broadcast_in_dim3A_258 : vector<16x1xi32> to vector<16xi32>
      %gather3A_260 = tpu.dynamic_gather %select_n3A_193[%gather3A_259] in [0] : vector<16xf32>, vector<16xi32> -> vector<16xf32>
      %select_n3A_261 = arith.select %ne3A_26, %select_n3A_201, %gather3A_260 : vector<16xi1>, vector<16xf32>
      %broadcast_in_dim3A_262 = vector.shape_cast %xor3A_10 : vector<16xi32> to vector<16x1xi32>
      %gather3A_263 = vector.shape_cast %broadcast_in_dim3A_262 : vector<16x1xi32> to vector<16xi32>
      %gather3A_264 = tpu.dynamic_gather %select_n3A_205[%gather3A_263] in [0] : vector<16xf32>, vector<16xi32> -> vector<16xf32>
      %select_n3A_265 = arith.select %ne3A_26, %gather3A_264, %select_n3A_197 : vector<16xi1>, vector<16xf32>
      %broadcast_in_dim3A_266 = vector.shape_cast %xor3A_10 : vector<16xi32> to vector<16x1xi32>
      %gather3A_267 = vector.shape_cast %broadcast_in_dim3A_266 : vector<16x1xi32> to vector<16xi32>
      %gather3A_268 = tpu.dynamic_gather %select_n3A_197[%gather3A_267] in [0] : vector<16xf32>, vector<16xi32> -> vector<16xf32>
      %select_n3A_269 = arith.select %ne3A_26, %select_n3A_205, %gather3A_268 : vector<16xi1>, vector<16xf32>
      %broadcast_in_dim3A_270 = vector.shape_cast %xor3A_10 : vector<16xi32> to vector<16x1xi32>
      %gather3A_271 = vector.shape_cast %broadcast_in_dim3A_270 : vector<16x1xi32> to vector<16xi32>
      %gather3A_272 = tpu.dynamic_gather %select_n3A_217[%gather3A_271] in [0] : vector<16xf32>, vector<16xi32> -> vector<16xf32>
      %select_n3A_273 = arith.select %ne3A_26, %gather3A_272, %select_n3A_209 : vector<16xi1>, vector<16xf32>
      %broadcast_in_dim3A_274 = vector.shape_cast %xor3A_10 : vector<16xi32> to vector<16x1xi32>
      %gather3A_275 = vector.shape_cast %broadcast_in_dim3A_274 : vector<16x1xi32> to vector<16xi32>
      %gather3A_276 = tpu.dynamic_gather %select_n3A_209[%gather3A_275] in [0] : vector<16xf32>, vector<16xi32> -> vector<16xf32>
      %select_n3A_277 = arith.select %ne3A_26, %select_n3A_217, %gather3A_276 : vector<16xi1>, vector<16xf32>
      %broadcast_in_dim3A_278 = vector.shape_cast %xor3A_10 : vector<16xi32> to vector<16x1xi32>
      %gather3A_279 = vector.shape_cast %broadcast_in_dim3A_278 : vector<16x1xi32> to vector<16xi32>
      %gather3A_280 = tpu.dynamic_gather %select_n3A_221[%gather3A_279] in [0] : vector<16xf32>, vector<16xi32> -> vector<16xf32>
      %select_n3A_281 = arith.select %ne3A_26, %gather3A_280, %select_n3A_213 : vector<16xi1>, vector<16xf32>
      %broadcast_in_dim3A_282 = vector.shape_cast %xor3A_10 : vector<16xi32> to vector<16x1xi32>
      %gather3A_283 = vector.shape_cast %broadcast_in_dim3A_282 : vector<16x1xi32> to vector<16xi32>
      %gather3A_284 = tpu.dynamic_gather %select_n3A_213[%gather3A_283] in [0] : vector<16xf32>, vector<16xi32> -> vector<16xf32>
      %select_n3A_285 = arith.select %ne3A_26, %select_n3A_221, %gather3A_284 : vector<16xi1>, vector<16xf32>
      %broadcast_in_dim3A_286 = vector.shape_cast %xor3A_10 : vector<16xi32> to vector<16x1xi32>
      %gather3A_287 = vector.shape_cast %broadcast_in_dim3A_286 : vector<16x1xi32> to vector<16xi32>
      %gather3A_288 = tpu.dynamic_gather %select_n3A_233[%gather3A_287] in [0] : vector<16xf32>, vector<16xi32> -> vector<16xf32>
      %select_n3A_289 = arith.select %ne3A_26, %gather3A_288, %select_n3A_225 : vector<16xi1>, vector<16xf32>
      %broadcast_in_dim3A_290 = vector.shape_cast %xor3A_10 : vector<16xi32> to vector<16x1xi32>
      %gather3A_291 = vector.shape_cast %broadcast_in_dim3A_290 : vector<16x1xi32> to vector<16xi32>
      %gather3A_292 = tpu.dynamic_gather %select_n3A_225[%gather3A_291] in [0] : vector<16xf32>, vector<16xi32> -> vector<16xf32>
      %select_n3A_293 = arith.select %ne3A_26, %select_n3A_233, %gather3A_292 : vector<16xi1>, vector<16xf32>
      %broadcast_in_dim3A_294 = vector.shape_cast %xor3A_10 : vector<16xi32> to vector<16x1xi32>
      %gather3A_295 = vector.shape_cast %broadcast_in_dim3A_294 : vector<16x1xi32> to vector<16xi32>
      %gather3A_296 = tpu.dynamic_gather %select_n3A_237[%gather3A_295] in [0] : vector<16xf32>, vector<16xi32> -> vector<16xf32>
      %select_n3A_297 = arith.select %ne3A_26, %gather3A_296, %select_n3A_229 : vector<16xi1>, vector<16xf32>
      %broadcast_in_dim3A_298 = vector.shape_cast %xor3A_10 : vector<16xi32> to vector<16x1xi32>
      %gather3A_299 = vector.shape_cast %broadcast_in_dim3A_298 : vector<16x1xi32> to vector<16xi32>
      %gather3A_300 = tpu.dynamic_gather %select_n3A_229[%gather3A_299] in [0] : vector<16xf32>, vector<16xi32> -> vector<16xf32>
      %select_n3A_301 = arith.select %ne3A_26, %select_n3A_237, %gather3A_300 : vector<16xi1>, vector<16xf32>
      %broadcast_in_dim3A_302 = vector.shape_cast %xor3A_13 : vector<16xi32> to vector<16x1xi32>
      %gather3A_303 = vector.shape_cast %broadcast_in_dim3A_302 : vector<16x1xi32> to vector<16xi32>
      %gather3A_304 = tpu.dynamic_gather %select_n3A_257[%gather3A_303] in [0] : vector<16xf32>, vector<16xi32> -> vector<16xf32>
      %select_n3A_305 = arith.select %ne3A_32, %gather3A_304, %select_n3A_241 : vector<16xi1>, vector<16xf32>
      %broadcast_in_dim3A_306 = vector.shape_cast %xor3A_13 : vector<16xi32> to vector<16x1xi32>
      %gather3A_307 = vector.shape_cast %broadcast_in_dim3A_306 : vector<16x1xi32> to vector<16xi32>
      %gather3A_308 = tpu.dynamic_gather %select_n3A_241[%gather3A_307] in [0] : vector<16xf32>, vector<16xi32> -> vector<16xf32>
      %select_n3A_309 = arith.select %ne3A_32, %select_n3A_257, %gather3A_308 : vector<16xi1>, vector<16xf32>
      %broadcast_in_dim3A_310 = vector.shape_cast %xor3A_13 : vector<16xi32> to vector<16x1xi32>
      %gather3A_311 = vector.shape_cast %broadcast_in_dim3A_310 : vector<16x1xi32> to vector<16xi32>
      %gather3A_312 = tpu.dynamic_gather %select_n3A_265[%gather3A_311] in [0] : vector<16xf32>, vector<16xi32> -> vector<16xf32>
      %select_n3A_313 = arith.select %ne3A_32, %gather3A_312, %select_n3A_249 : vector<16xi1>, vector<16xf32>
      %broadcast_in_dim3A_314 = vector.shape_cast %xor3A_13 : vector<16xi32> to vector<16x1xi32>
      %gather3A_315 = vector.shape_cast %broadcast_in_dim3A_314 : vector<16x1xi32> to vector<16xi32>
      %gather3A_316 = tpu.dynamic_gather %select_n3A_249[%gather3A_315] in [0] : vector<16xf32>, vector<16xi32> -> vector<16xf32>
      %select_n3A_317 = arith.select %ne3A_32, %select_n3A_265, %gather3A_316 : vector<16xi1>, vector<16xf32>
      %broadcast_in_dim3A_318 = vector.shape_cast %xor3A_13 : vector<16xi32> to vector<16x1xi32>
      %gather3A_319 = vector.shape_cast %broadcast_in_dim3A_318 : vector<16x1xi32> to vector<16xi32>
      %gather3A_320 = tpu.dynamic_gather %select_n3A_261[%gather3A_319] in [0] : vector<16xf32>, vector<16xi32> -> vector<16xf32>
      %select_n3A_321 = arith.select %ne3A_32, %gather3A_320, %select_n3A_245 : vector<16xi1>, vector<16xf32>
      %broadcast_in_dim3A_322 = vector.shape_cast %xor3A_13 : vector<16xi32> to vector<16x1xi32>
      %gather3A_323 = vector.shape_cast %broadcast_in_dim3A_322 : vector<16x1xi32> to vector<16xi32>
      %gather3A_324 = tpu.dynamic_gather %select_n3A_245[%gather3A_323] in [0] : vector<16xf32>, vector<16xi32> -> vector<16xf32>
      %select_n3A_325 = arith.select %ne3A_32, %select_n3A_261, %gather3A_324 : vector<16xi1>, vector<16xf32>
      %broadcast_in_dim3A_326 = vector.shape_cast %xor3A_13 : vector<16xi32> to vector<16x1xi32>
      %gather3A_327 = vector.shape_cast %broadcast_in_dim3A_326 : vector<16x1xi32> to vector<16xi32>
      %gather3A_328 = tpu.dynamic_gather %select_n3A_269[%gather3A_327] in [0] : vector<16xf32>, vector<16xi32> -> vector<16xf32>
      %select_n3A_329 = arith.select %ne3A_32, %gather3A_328, %select_n3A_253 : vector<16xi1>, vector<16xf32>
      %broadcast_in_dim3A_330 = vector.shape_cast %xor3A_13 : vector<16xi32> to vector<16x1xi32>
      %gather3A_331 = vector.shape_cast %broadcast_in_dim3A_330 : vector<16x1xi32> to vector<16xi32>
      %gather3A_332 = tpu.dynamic_gather %select_n3A_253[%gather3A_331] in [0] : vector<16xf32>, vector<16xi32> -> vector<16xf32>
      %select_n3A_333 = arith.select %ne3A_32, %select_n3A_269, %gather3A_332 : vector<16xi1>, vector<16xf32>
      %broadcast_in_dim3A_334 = vector.shape_cast %xor3A_13 : vector<16xi32> to vector<16x1xi32>
      %gather3A_335 = vector.shape_cast %broadcast_in_dim3A_334 : vector<16x1xi32> to vector<16xi32>
      %gather3A_336 = tpu.dynamic_gather %select_n3A_289[%gather3A_335] in [0] : vector<16xf32>, vector<16xi32> -> vector<16xf32>
      %select_n3A_337 = arith.select %ne3A_32, %gather3A_336, %select_n3A_273 : vector<16xi1>, vector<16xf32>
      %broadcast_in_dim3A_338 = vector.shape_cast %xor3A_13 : vector<16xi32> to vector<16x1xi32>
      %gather3A_339 = vector.shape_cast %broadcast_in_dim3A_338 : vector<16x1xi32> to vector<16xi32>
      %gather3A_340 = tpu.dynamic_gather %select_n3A_273[%gather3A_339] in [0] : vector<16xf32>, vector<16xi32> -> vector<16xf32>
      %select_n3A_341 = arith.select %ne3A_32, %select_n3A_289, %gather3A_340 : vector<16xi1>, vector<16xf32>
      %broadcast_in_dim3A_342 = vector.shape_cast %xor3A_13 : vector<16xi32> to vector<16x1xi32>
      %gather3A_343 = vector.shape_cast %broadcast_in_dim3A_342 : vector<16x1xi32> to vector<16xi32>
      %gather3A_344 = tpu.dynamic_gather %select_n3A_297[%gather3A_343] in [0] : vector<16xf32>, vector<16xi32> -> vector<16xf32>
      %select_n3A_345 = arith.select %ne3A_32, %gather3A_344, %select_n3A_281 : vector<16xi1>, vector<16xf32>
      %broadcast_in_dim3A_346 = vector.shape_cast %xor3A_13 : vector<16xi32> to vector<16x1xi32>
      %gather3A_347 = vector.shape_cast %broadcast_in_dim3A_346 : vector<16x1xi32> to vector<16xi32>
      %gather3A_348 = tpu.dynamic_gather %select_n3A_281[%gather3A_347] in [0] : vector<16xf32>, vector<16xi32> -> vector<16xf32>
      %select_n3A_349 = arith.select %ne3A_32, %select_n3A_297, %gather3A_348 : vector<16xi1>, vector<16xf32>
      %broadcast_in_dim3A_350 = vector.shape_cast %xor3A_13 : vector<16xi32> to vector<16x1xi32>
      %gather3A_351 = vector.shape_cast %broadcast_in_dim3A_350 : vector<16x1xi32> to vector<16xi32>
      %gather3A_352 = tpu.dynamic_gather %select_n3A_293[%gather3A_351] in [0] : vector<16xf32>, vector<16xi32> -> vector<16xf32>
      %select_n3A_353 = arith.select %ne3A_32, %gather3A_352, %select_n3A_277 : vector<16xi1>, vector<16xf32>
      %broadcast_in_dim3A_354 = vector.shape_cast %xor3A_13 : vector<16xi32> to vector<16x1xi32>
      %gather3A_355 = vector.shape_cast %broadcast_in_dim3A_354 : vector<16x1xi32> to vector<16xi32>
      %gather3A_356 = tpu.dynamic_gather %select_n3A_277[%gather3A_355] in [0] : vector<16xf32>, vector<16xi32> -> vector<16xf32>
      %select_n3A_357 = arith.select %ne3A_32, %select_n3A_293, %gather3A_356 : vector<16xi1>, vector<16xf32>
      %broadcast_in_dim3A_358 = vector.shape_cast %xor3A_13 : vector<16xi32> to vector<16x1xi32>
      %gather3A_359 = vector.shape_cast %broadcast_in_dim3A_358 : vector<16x1xi32> to vector<16xi32>
      %gather3A_360 = tpu.dynamic_gather %select_n3A_301[%gather3A_359] in [0] : vector<16xf32>, vector<16xi32> -> vector<16xf32>
      %select_n3A_361 = arith.select %ne3A_32, %gather3A_360, %select_n3A_285 : vector<16xi1>, vector<16xf32>
      %broadcast_in_dim3A_362 = vector.shape_cast %xor3A_13 : vector<16xi32> to vector<16x1xi32>
      %gather3A_363 = vector.shape_cast %broadcast_in_dim3A_362 : vector<16x1xi32> to vector<16xi32>
      %gather3A_364 = tpu.dynamic_gather %select_n3A_285[%gather3A_363] in [0] : vector<16xf32>, vector<16xi32> -> vector<16xf32>
      %select_n3A_365 = arith.select %ne3A_32, %select_n3A_301, %gather3A_364 : vector<16xi1>, vector<16xf32>
      %broadcast_in_dim3A_366 = vector.shape_cast %xor3A_16 : vector<16xi32> to vector<16x1xi32>
      %gather3A_367 = vector.shape_cast %broadcast_in_dim3A_366 : vector<16x1xi32> to vector<16xi32>
      %gather3A_368 = tpu.dynamic_gather %select_n3A_337[%gather3A_367] in [0] : vector<16xf32>, vector<16xi32> -> vector<16xf32>
      %select_n3A_369 = arith.select %ne3A_38, %gather3A_368, %select_n3A_305 : vector<16xi1>, vector<16xf32>
      %broadcast_in_dim3A_370 = vector.shape_cast %xor3A_16 : vector<16xi32> to vector<16x1xi32>
      %gather3A_371 = vector.shape_cast %broadcast_in_dim3A_370 : vector<16x1xi32> to vector<16xi32>
      %gather3A_372 = tpu.dynamic_gather %select_n3A_305[%gather3A_371] in [0] : vector<16xf32>, vector<16xi32> -> vector<16xf32>
      %select_n3A_373 = arith.select %ne3A_38, %select_n3A_337, %gather3A_372 : vector<16xi1>, vector<16xf32>
      %broadcast_in_dim3A_374 = vector.shape_cast %xor3A_16 : vector<16xi32> to vector<16x1xi32>
      %gather3A_375 = vector.shape_cast %broadcast_in_dim3A_374 : vector<16x1xi32> to vector<16xi32>
      %gather3A_376 = tpu.dynamic_gather %select_n3A_345[%gather3A_375] in [0] : vector<16xf32>, vector<16xi32> -> vector<16xf32>
      %select_n3A_377 = arith.select %ne3A_38, %gather3A_376, %select_n3A_313 : vector<16xi1>, vector<16xf32>
      %broadcast_in_dim3A_378 = vector.shape_cast %xor3A_16 : vector<16xi32> to vector<16x1xi32>
      %gather3A_379 = vector.shape_cast %broadcast_in_dim3A_378 : vector<16x1xi32> to vector<16xi32>
      %gather3A_380 = tpu.dynamic_gather %select_n3A_313[%gather3A_379] in [0] : vector<16xf32>, vector<16xi32> -> vector<16xf32>
      %select_n3A_381 = arith.select %ne3A_38, %select_n3A_345, %gather3A_380 : vector<16xi1>, vector<16xf32>
      %broadcast_in_dim3A_382 = vector.shape_cast %xor3A_16 : vector<16xi32> to vector<16x1xi32>
      %gather3A_383 = vector.shape_cast %broadcast_in_dim3A_382 : vector<16x1xi32> to vector<16xi32>
      %gather3A_384 = tpu.dynamic_gather %select_n3A_353[%gather3A_383] in [0] : vector<16xf32>, vector<16xi32> -> vector<16xf32>
      %select_n3A_385 = arith.select %ne3A_38, %gather3A_384, %select_n3A_321 : vector<16xi1>, vector<16xf32>
      %broadcast_in_dim3A_386 = vector.shape_cast %xor3A_16 : vector<16xi32> to vector<16x1xi32>
      %gather3A_387 = vector.shape_cast %broadcast_in_dim3A_386 : vector<16x1xi32> to vector<16xi32>
      %gather3A_388 = tpu.dynamic_gather %select_n3A_321[%gather3A_387] in [0] : vector<16xf32>, vector<16xi32> -> vector<16xf32>
      %select_n3A_389 = arith.select %ne3A_38, %select_n3A_353, %gather3A_388 : vector<16xi1>, vector<16xf32>
      %broadcast_in_dim3A_390 = vector.shape_cast %xor3A_16 : vector<16xi32> to vector<16x1xi32>
      %gather3A_391 = vector.shape_cast %broadcast_in_dim3A_390 : vector<16x1xi32> to vector<16xi32>
      %gather3A_392 = tpu.dynamic_gather %select_n3A_361[%gather3A_391] in [0] : vector<16xf32>, vector<16xi32> -> vector<16xf32>
      %select_n3A_393 = arith.select %ne3A_38, %gather3A_392, %select_n3A_329 : vector<16xi1>, vector<16xf32>
      %broadcast_in_dim3A_394 = vector.shape_cast %xor3A_16 : vector<16xi32> to vector<16x1xi32>
      %gather3A_395 = vector.shape_cast %broadcast_in_dim3A_394 : vector<16x1xi32> to vector<16xi32>
      %gather3A_396 = tpu.dynamic_gather %select_n3A_329[%gather3A_395] in [0] : vector<16xf32>, vector<16xi32> -> vector<16xf32>
      %select_n3A_397 = arith.select %ne3A_38, %select_n3A_361, %gather3A_396 : vector<16xi1>, vector<16xf32>
      %broadcast_in_dim3A_398 = vector.shape_cast %xor3A_16 : vector<16xi32> to vector<16x1xi32>
      %gather3A_399 = vector.shape_cast %broadcast_in_dim3A_398 : vector<16x1xi32> to vector<16xi32>
      %gather3A_400 = tpu.dynamic_gather %select_n3A_341[%gather3A_399] in [0] : vector<16xf32>, vector<16xi32> -> vector<16xf32>
      %select_n3A_401 = arith.select %ne3A_38, %gather3A_400, %select_n3A_309 : vector<16xi1>, vector<16xf32>
      %broadcast_in_dim3A_402 = vector.shape_cast %xor3A_16 : vector<16xi32> to vector<16x1xi32>
      %gather3A_403 = vector.shape_cast %broadcast_in_dim3A_402 : vector<16x1xi32> to vector<16xi32>
      %gather3A_404 = tpu.dynamic_gather %select_n3A_309[%gather3A_403] in [0] : vector<16xf32>, vector<16xi32> -> vector<16xf32>
      %select_n3A_405 = arith.select %ne3A_38, %select_n3A_341, %gather3A_404 : vector<16xi1>, vector<16xf32>
      %broadcast_in_dim3A_406 = vector.shape_cast %xor3A_16 : vector<16xi32> to vector<16x1xi32>
      %gather3A_407 = vector.shape_cast %broadcast_in_dim3A_406 : vector<16x1xi32> to vector<16xi32>
      %gather3A_408 = tpu.dynamic_gather %select_n3A_349[%gather3A_407] in [0] : vector<16xf32>, vector<16xi32> -> vector<16xf32>
      %select_n3A_409 = arith.select %ne3A_38, %gather3A_408, %select_n3A_317 : vector<16xi1>, vector<16xf32>
      %broadcast_in_dim3A_410 = vector.shape_cast %xor3A_16 : vector<16xi32> to vector<16x1xi32>
      %gather3A_411 = vector.shape_cast %broadcast_in_dim3A_410 : vector<16x1xi32> to vector<16xi32>
      %gather3A_412 = tpu.dynamic_gather %select_n3A_317[%gather3A_411] in [0] : vector<16xf32>, vector<16xi32> -> vector<16xf32>
      %select_n3A_413 = arith.select %ne3A_38, %select_n3A_349, %gather3A_412 : vector<16xi1>, vector<16xf32>
      %broadcast_in_dim3A_414 = vector.shape_cast %xor3A_16 : vector<16xi32> to vector<16x1xi32>
      %gather3A_415 = vector.shape_cast %broadcast_in_dim3A_414 : vector<16x1xi32> to vector<16xi32>
      %gather3A_416 = tpu.dynamic_gather %select_n3A_357[%gather3A_415] in [0] : vector<16xf32>, vector<16xi32> -> vector<16xf32>
      %select_n3A_417 = arith.select %ne3A_38, %gather3A_416, %select_n3A_325 : vector<16xi1>, vector<16xf32>
      %broadcast_in_dim3A_418 = vector.shape_cast %xor3A_16 : vector<16xi32> to vector<16x1xi32>
      %gather3A_419 = vector.shape_cast %broadcast_in_dim3A_418 : vector<16x1xi32> to vector<16xi32>
      %gather3A_420 = tpu.dynamic_gather %select_n3A_325[%gather3A_419] in [0] : vector<16xf32>, vector<16xi32> -> vector<16xf32>
      %select_n3A_421 = arith.select %ne3A_38, %select_n3A_357, %gather3A_420 : vector<16xi1>, vector<16xf32>
      %broadcast_in_dim3A_422 = vector.shape_cast %xor3A_16 : vector<16xi32> to vector<16x1xi32>
      %gather3A_423 = vector.shape_cast %broadcast_in_dim3A_422 : vector<16x1xi32> to vector<16xi32>
      %gather3A_424 = tpu.dynamic_gather %select_n3A_365[%gather3A_423] in [0] : vector<16xf32>, vector<16xi32> -> vector<16xf32>
      %select_n3A_425 = arith.select %ne3A_38, %gather3A_424, %select_n3A_333 : vector<16xi1>, vector<16xf32>
      %broadcast_in_dim3A_426 = vector.shape_cast %xor3A_16 : vector<16xi32> to vector<16x1xi32>
      %gather3A_427 = vector.shape_cast %broadcast_in_dim3A_426 : vector<16x1xi32> to vector<16xi32>
      %gather3A_428 = tpu.dynamic_gather %select_n3A_333[%gather3A_427] in [0] : vector<16xf32>, vector<16xi32> -> vector<16xf32>
      %select_n3A_429 = arith.select %ne3A_38, %select_n3A_365, %gather3A_428 : vector<16xi1>, vector<16xf32>
      %broadcast_in_dim3A_430 = arith.constant 0xFF800000 : f32
      %broadcast_in_dim3A_431 = vector.broadcast %broadcast_in_dim3A_430 : f32 to vector<16xf32>
      %gt3A = arith.cmpf ogt, %select_n3A_377, %select_n3A_369 : vector<16xf32>
      %gt3A_432 = arith.cmpf ogt, %select_n3A_377, %broadcast_in_dim3A_431 : vector<16xf32>
      %select_n3A_433 = arith.select %gt3A_432, %select_n3A_377, %broadcast_in_dim3A_431 : vector<16xi1>, vector<16xf32>
      %select_n3A_434 = arith.select %gt3A, %select_n3A_369, %select_n3A_433 : vector<16xi1>, vector<16xf32>
      %jit3A = arith.constant 1 : i32
      %broadcast_in_dim3A_435 = vector.broadcast %jit3A : i32 to vector<16xi32>
      %select_n3A_436 = arith.select %gt3A_432, %broadcast_in_dim3A_435, %broadcast_in_dim3A_5 : vector<16xi1>, vector<16xi32>
      %select_n3A_437 = arith.select %gt3A, %broadcast_in_dim3A_5, %select_n3A_436 : vector<16xi1>, vector<16xi32>
      %select_n3A_438 = arith.select %gt3A, %select_n3A_377, %select_n3A_369 : vector<16xi1>, vector<16xf32>
      %jit3A_439 = arith.constant 1 : i32
      %broadcast_in_dim3A_440 = vector.broadcast %jit3A_439 : i32 to vector<16xi32>
      %select_n3A_441 = arith.select %gt3A, %broadcast_in_dim3A_440, %broadcast_in_dim3A_5 : vector<16xi1>, vector<16xi32>
      %gt3A_442 = arith.cmpf ogt, %select_n3A_385, %select_n3A_438 : vector<16xf32>
      %gt3A_443 = arith.cmpf ogt, %select_n3A_385, %select_n3A_434 : vector<16xf32>
      %select_n3A_444 = arith.select %gt3A_443, %select_n3A_385, %select_n3A_434 : vector<16xi1>, vector<16xf32>
      %select_n3A_445 = arith.select %gt3A_442, %select_n3A_438, %select_n3A_444 : vector<16xi1>, vector<16xf32>
      %jit3A_446 = arith.constant 2 : i32
      %broadcast_in_dim3A_447 = vector.broadcast %jit3A_446 : i32 to vector<16xi32>
      %select_n3A_448 = arith.select %gt3A_443, %broadcast_in_dim3A_447, %select_n3A_437 : vector<16xi1>, vector<16xi32>
      %select_n3A_449 = arith.select %gt3A_442, %select_n3A_441, %select_n3A_448 : vector<16xi1>, vector<16xi32>
      %select_n3A_450 = arith.select %gt3A_442, %select_n3A_385, %select_n3A_438 : vector<16xi1>, vector<16xf32>
      %jit3A_451 = arith.constant 2 : i32
      %broadcast_in_dim3A_452 = vector.broadcast %jit3A_451 : i32 to vector<16xi32>
      %select_n3A_453 = arith.select %gt3A_442, %broadcast_in_dim3A_452, %select_n3A_441 : vector<16xi1>, vector<16xi32>
      %gt3A_454 = arith.cmpf ogt, %select_n3A_393, %select_n3A_450 : vector<16xf32>
      %gt3A_455 = arith.cmpf ogt, %select_n3A_393, %select_n3A_445 : vector<16xf32>
      %select_n3A_456 = arith.select %gt3A_455, %select_n3A_393, %select_n3A_445 : vector<16xi1>, vector<16xf32>
      %select_n3A_457 = arith.select %gt3A_454, %select_n3A_450, %select_n3A_456 : vector<16xi1>, vector<16xf32>
      %jit3A_458 = arith.constant 3 : i32
      %broadcast_in_dim3A_459 = vector.broadcast %jit3A_458 : i32 to vector<16xi32>
      %select_n3A_460 = arith.select %gt3A_455, %broadcast_in_dim3A_459, %select_n3A_449 : vector<16xi1>, vector<16xi32>
      %select_n3A_461 = arith.select %gt3A_454, %select_n3A_453, %select_n3A_460 : vector<16xi1>, vector<16xi32>
      %select_n3A_462 = arith.select %gt3A_454, %select_n3A_393, %select_n3A_450 : vector<16xi1>, vector<16xf32>
      %jit3A_463 = arith.constant 3 : i32
      %broadcast_in_dim3A_464 = vector.broadcast %jit3A_463 : i32 to vector<16xi32>
      %select_n3A_465 = arith.select %gt3A_454, %broadcast_in_dim3A_464, %select_n3A_453 : vector<16xi1>, vector<16xi32>
      %gt3A_466 = arith.cmpf ogt, %select_n3A_401, %select_n3A_462 : vector<16xf32>
      %gt3A_467 = arith.cmpf ogt, %select_n3A_401, %select_n3A_457 : vector<16xf32>
      %select_n3A_468 = arith.select %gt3A_467, %select_n3A_401, %select_n3A_457 : vector<16xi1>, vector<16xf32>
      %select_n3A_469 = arith.select %gt3A_466, %select_n3A_462, %select_n3A_468 : vector<16xi1>, vector<16xf32>
      %jit3A_470 = arith.constant 4 : i32
      %broadcast_in_dim3A_471 = vector.broadcast %jit3A_470 : i32 to vector<16xi32>
      %select_n3A_472 = arith.select %gt3A_467, %broadcast_in_dim3A_471, %select_n3A_461 : vector<16xi1>, vector<16xi32>
      %select_n3A_473 = arith.select %gt3A_466, %select_n3A_465, %select_n3A_472 : vector<16xi1>, vector<16xi32>
      %select_n3A_474 = arith.select %gt3A_466, %select_n3A_401, %select_n3A_462 : vector<16xi1>, vector<16xf32>
      %jit3A_475 = arith.constant 4 : i32
      %broadcast_in_dim3A_476 = vector.broadcast %jit3A_475 : i32 to vector<16xi32>
      %select_n3A_477 = arith.select %gt3A_466, %broadcast_in_dim3A_476, %select_n3A_465 : vector<16xi1>, vector<16xi32>
      %gt3A_478 = arith.cmpf ogt, %select_n3A_409, %select_n3A_474 : vector<16xf32>
      %gt3A_479 = arith.cmpf ogt, %select_n3A_409, %select_n3A_469 : vector<16xf32>
      %select_n3A_480 = arith.select %gt3A_479, %select_n3A_409, %select_n3A_469 : vector<16xi1>, vector<16xf32>
      %select_n3A_481 = arith.select %gt3A_478, %select_n3A_474, %select_n3A_480 : vector<16xi1>, vector<16xf32>
      %jit3A_482 = arith.constant 5 : i32
      %broadcast_in_dim3A_483 = vector.broadcast %jit3A_482 : i32 to vector<16xi32>
      %select_n3A_484 = arith.select %gt3A_479, %broadcast_in_dim3A_483, %select_n3A_473 : vector<16xi1>, vector<16xi32>
      %select_n3A_485 = arith.select %gt3A_478, %select_n3A_477, %select_n3A_484 : vector<16xi1>, vector<16xi32>
      %select_n3A_486 = arith.select %gt3A_478, %select_n3A_409, %select_n3A_474 : vector<16xi1>, vector<16xf32>
      %jit3A_487 = arith.constant 5 : i32
      %broadcast_in_dim3A_488 = vector.broadcast %jit3A_487 : i32 to vector<16xi32>
      %select_n3A_489 = arith.select %gt3A_478, %broadcast_in_dim3A_488, %select_n3A_477 : vector<16xi1>, vector<16xi32>
      %gt3A_490 = arith.cmpf ogt, %select_n3A_417, %select_n3A_486 : vector<16xf32>
      %gt3A_491 = arith.cmpf ogt, %select_n3A_417, %select_n3A_481 : vector<16xf32>
      %select_n3A_492 = arith.select %gt3A_491, %select_n3A_417, %select_n3A_481 : vector<16xi1>, vector<16xf32>
      %select_n3A_493 = arith.select %gt3A_490, %select_n3A_486, %select_n3A_492 : vector<16xi1>, vector<16xf32>
      %jit3A_494 = arith.constant 6 : i32
      %broadcast_in_dim3A_495 = vector.broadcast %jit3A_494 : i32 to vector<16xi32>
      %select_n3A_496 = arith.select %gt3A_491, %broadcast_in_dim3A_495, %select_n3A_485 : vector<16xi1>, vector<16xi32>
      %select_n3A_497 = arith.select %gt3A_490, %select_n3A_489, %select_n3A_496 : vector<16xi1>, vector<16xi32>
      %select_n3A_498 = arith.select %gt3A_490, %select_n3A_417, %select_n3A_486 : vector<16xi1>, vector<16xf32>
      %jit3A_499 = arith.constant 6 : i32
      %broadcast_in_dim3A_500 = vector.broadcast %jit3A_499 : i32 to vector<16xi32>
      %select_n3A_501 = arith.select %gt3A_490, %broadcast_in_dim3A_500, %select_n3A_489 : vector<16xi1>, vector<16xi32>
      %gt3A_502 = arith.cmpf ogt, %select_n3A_425, %select_n3A_498 : vector<16xf32>
      %gt3A_503 = arith.cmpf ogt, %select_n3A_425, %select_n3A_493 : vector<16xf32>
      %select_n3A_504 = arith.select %gt3A_503, %select_n3A_425, %select_n3A_493 : vector<16xi1>, vector<16xf32>
      %select_n3A_505 = arith.select %gt3A_502, %select_n3A_498, %select_n3A_504 : vector<16xi1>, vector<16xf32>
      %jit3A_506 = arith.constant 7 : i32
      %broadcast_in_dim3A_507 = vector.broadcast %jit3A_506 : i32 to vector<16xi32>
      %select_n3A_508 = arith.select %gt3A_503, %broadcast_in_dim3A_507, %select_n3A_497 : vector<16xi1>, vector<16xi32>
      %select_n3A_509 = arith.select %gt3A_502, %select_n3A_501, %select_n3A_508 : vector<16xi1>, vector<16xi32>
      %select_n3A_510 = arith.select %gt3A_502, %select_n3A_425, %select_n3A_498 : vector<16xi1>, vector<16xf32>
      %jit3A_511 = arith.constant 7 : i32
      %broadcast_in_dim3A_512 = vector.broadcast %jit3A_511 : i32 to vector<16xi32>
      %select_n3A_513 = arith.select %gt3A_502, %broadcast_in_dim3A_512, %select_n3A_501 : vector<16xi1>, vector<16xi32>
      %gt3A_514 = arith.cmpf ogt, %select_n3A_373, %select_n3A_510 : vector<16xf32>
      %gt3A_515 = arith.cmpf ogt, %select_n3A_373, %select_n3A_505 : vector<16xf32>
      %select_n3A_516 = arith.select %gt3A_515, %select_n3A_373, %select_n3A_505 : vector<16xi1>, vector<16xf32>
      %select_n3A_517 = arith.select %gt3A_514, %select_n3A_510, %select_n3A_516 : vector<16xi1>, vector<16xf32>
      %jit3A_518 = arith.constant 8 : i32
      %broadcast_in_dim3A_519 = vector.broadcast %jit3A_518 : i32 to vector<16xi32>
      %select_n3A_520 = arith.select %gt3A_515, %broadcast_in_dim3A_519, %select_n3A_509 : vector<16xi1>, vector<16xi32>
      %select_n3A_521 = arith.select %gt3A_514, %select_n3A_513, %select_n3A_520 : vector<16xi1>, vector<16xi32>
      %select_n3A_522 = arith.select %gt3A_514, %select_n3A_373, %select_n3A_510 : vector<16xi1>, vector<16xf32>
      %jit3A_523 = arith.constant 8 : i32
      %broadcast_in_dim3A_524 = vector.broadcast %jit3A_523 : i32 to vector<16xi32>
      %select_n3A_525 = arith.select %gt3A_514, %broadcast_in_dim3A_524, %select_n3A_513 : vector<16xi1>, vector<16xi32>
      %gt3A_526 = arith.cmpf ogt, %select_n3A_381, %select_n3A_522 : vector<16xf32>
      %gt3A_527 = arith.cmpf ogt, %select_n3A_381, %select_n3A_517 : vector<16xf32>
      %select_n3A_528 = arith.select %gt3A_527, %select_n3A_381, %select_n3A_517 : vector<16xi1>, vector<16xf32>
      %select_n3A_529 = arith.select %gt3A_526, %select_n3A_522, %select_n3A_528 : vector<16xi1>, vector<16xf32>
      %jit3A_530 = arith.constant 9 : i32
      %broadcast_in_dim3A_531 = vector.broadcast %jit3A_530 : i32 to vector<16xi32>
      %select_n3A_532 = arith.select %gt3A_527, %broadcast_in_dim3A_531, %select_n3A_521 : vector<16xi1>, vector<16xi32>
      %select_n3A_533 = arith.select %gt3A_526, %select_n3A_525, %select_n3A_532 : vector<16xi1>, vector<16xi32>
      %select_n3A_534 = arith.select %gt3A_526, %select_n3A_381, %select_n3A_522 : vector<16xi1>, vector<16xf32>
      %jit3A_535 = arith.constant 9 : i32
      %broadcast_in_dim3A_536 = vector.broadcast %jit3A_535 : i32 to vector<16xi32>
      %select_n3A_537 = arith.select %gt3A_526, %broadcast_in_dim3A_536, %select_n3A_525 : vector<16xi1>, vector<16xi32>
      %gt3A_538 = arith.cmpf ogt, %select_n3A_389, %select_n3A_534 : vector<16xf32>
      %gt3A_539 = arith.cmpf ogt, %select_n3A_389, %select_n3A_529 : vector<16xf32>
      %select_n3A_540 = arith.select %gt3A_539, %select_n3A_389, %select_n3A_529 : vector<16xi1>, vector<16xf32>
      %select_n3A_541 = arith.select %gt3A_538, %select_n3A_534, %select_n3A_540 : vector<16xi1>, vector<16xf32>
      %jit3A_542 = arith.constant 10 : i32
      %broadcast_in_dim3A_543 = vector.broadcast %jit3A_542 : i32 to vector<16xi32>
      %select_n3A_544 = arith.select %gt3A_539, %broadcast_in_dim3A_543, %select_n3A_533 : vector<16xi1>, vector<16xi32>
      %select_n3A_545 = arith.select %gt3A_538, %select_n3A_537, %select_n3A_544 : vector<16xi1>, vector<16xi32>
      %select_n3A_546 = arith.select %gt3A_538, %select_n3A_389, %select_n3A_534 : vector<16xi1>, vector<16xf32>
      %jit3A_547 = arith.constant 10 : i32
      %broadcast_in_dim3A_548 = vector.broadcast %jit3A_547 : i32 to vector<16xi32>
      %select_n3A_549 = arith.select %gt3A_538, %broadcast_in_dim3A_548, %select_n3A_537 : vector<16xi1>, vector<16xi32>
      %gt3A_550 = arith.cmpf ogt, %select_n3A_397, %select_n3A_546 : vector<16xf32>
      %gt3A_551 = arith.cmpf ogt, %select_n3A_397, %select_n3A_541 : vector<16xf32>
      %select_n3A_552 = arith.select %gt3A_551, %select_n3A_397, %select_n3A_541 : vector<16xi1>, vector<16xf32>
      %select_n3A_553 = arith.select %gt3A_550, %select_n3A_546, %select_n3A_552 : vector<16xi1>, vector<16xf32>
      %jit3A_554 = arith.constant 11 : i32
      %broadcast_in_dim3A_555 = vector.broadcast %jit3A_554 : i32 to vector<16xi32>
      %select_n3A_556 = arith.select %gt3A_551, %broadcast_in_dim3A_555, %select_n3A_545 : vector<16xi1>, vector<16xi32>
      %select_n3A_557 = arith.select %gt3A_550, %select_n3A_549, %select_n3A_556 : vector<16xi1>, vector<16xi32>
      %select_n3A_558 = arith.select %gt3A_550, %select_n3A_397, %select_n3A_546 : vector<16xi1>, vector<16xf32>
      %jit3A_559 = arith.constant 11 : i32
      %broadcast_in_dim3A_560 = vector.broadcast %jit3A_559 : i32 to vector<16xi32>
      %select_n3A_561 = arith.select %gt3A_550, %broadcast_in_dim3A_560, %select_n3A_549 : vector<16xi1>, vector<16xi32>
      %gt3A_562 = arith.cmpf ogt, %select_n3A_405, %select_n3A_558 : vector<16xf32>
      %gt3A_563 = arith.cmpf ogt, %select_n3A_405, %select_n3A_553 : vector<16xf32>
      %select_n3A_564 = arith.select %gt3A_563, %select_n3A_405, %select_n3A_553 : vector<16xi1>, vector<16xf32>
      %select_n3A_565 = arith.select %gt3A_562, %select_n3A_558, %select_n3A_564 : vector<16xi1>, vector<16xf32>
      %jit3A_566 = arith.constant 12 : i32
      %broadcast_in_dim3A_567 = vector.broadcast %jit3A_566 : i32 to vector<16xi32>
      %select_n3A_568 = arith.select %gt3A_563, %broadcast_in_dim3A_567, %select_n3A_557 : vector<16xi1>, vector<16xi32>
      %select_n3A_569 = arith.select %gt3A_562, %select_n3A_561, %select_n3A_568 : vector<16xi1>, vector<16xi32>
      %select_n3A_570 = arith.select %gt3A_562, %select_n3A_405, %select_n3A_558 : vector<16xi1>, vector<16xf32>
      %jit3A_571 = arith.constant 12 : i32
      %broadcast_in_dim3A_572 = vector.broadcast %jit3A_571 : i32 to vector<16xi32>
      %select_n3A_573 = arith.select %gt3A_562, %broadcast_in_dim3A_572, %select_n3A_561 : vector<16xi1>, vector<16xi32>
      %gt3A_574 = arith.cmpf ogt, %select_n3A_413, %select_n3A_570 : vector<16xf32>
      %gt3A_575 = arith.cmpf ogt, %select_n3A_413, %select_n3A_565 : vector<16xf32>
      %select_n3A_576 = arith.select %gt3A_575, %select_n3A_413, %select_n3A_565 : vector<16xi1>, vector<16xf32>
      %select_n3A_577 = arith.select %gt3A_574, %select_n3A_570, %select_n3A_576 : vector<16xi1>, vector<16xf32>
      %jit3A_578 = arith.constant 13 : i32
      %broadcast_in_dim3A_579 = vector.broadcast %jit3A_578 : i32 to vector<16xi32>
      %select_n3A_580 = arith.select %gt3A_575, %broadcast_in_dim3A_579, %select_n3A_569 : vector<16xi1>, vector<16xi32>
      %select_n3A_581 = arith.select %gt3A_574, %select_n3A_573, %select_n3A_580 : vector<16xi1>, vector<16xi32>
      %select_n3A_582 = arith.select %gt3A_574, %select_n3A_413, %select_n3A_570 : vector<16xi1>, vector<16xf32>
      %jit3A_583 = arith.constant 13 : i32
      %broadcast_in_dim3A_584 = vector.broadcast %jit3A_583 : i32 to vector<16xi32>
      %select_n3A_585 = arith.select %gt3A_574, %broadcast_in_dim3A_584, %select_n3A_573 : vector<16xi1>, vector<16xi32>
      %gt3A_586 = arith.cmpf ogt, %select_n3A_421, %select_n3A_582 : vector<16xf32>
      %gt3A_587 = arith.cmpf ogt, %select_n3A_421, %select_n3A_577 : vector<16xf32>
      %select_n3A_588 = arith.select %gt3A_587, %select_n3A_421, %select_n3A_577 : vector<16xi1>, vector<16xf32>
      %select_n3A_589 = arith.select %gt3A_586, %select_n3A_582, %select_n3A_588 : vector<16xi1>, vector<16xf32>
      %jit3A_590 = arith.constant 14 : i32
      %broadcast_in_dim3A_591 = vector.broadcast %jit3A_590 : i32 to vector<16xi32>
      %select_n3A_592 = arith.select %gt3A_587, %broadcast_in_dim3A_591, %select_n3A_581 : vector<16xi1>, vector<16xi32>
      %select_n3A_593 = arith.select %gt3A_586, %select_n3A_585, %select_n3A_592 : vector<16xi1>, vector<16xi32>
      %select_n3A_594 = arith.select %gt3A_586, %select_n3A_421, %select_n3A_582 : vector<16xi1>, vector<16xf32>
      %jit3A_595 = arith.constant 14 : i32
      %broadcast_in_dim3A_596 = vector.broadcast %jit3A_595 : i32 to vector<16xi32>
      %select_n3A_597 = arith.select %gt3A_586, %broadcast_in_dim3A_596, %select_n3A_585 : vector<16xi1>, vector<16xi32>
      %gt3A_598 = arith.cmpf ogt, %select_n3A_429, %select_n3A_594 : vector<16xf32>
      %gt3A_599 = arith.cmpf ogt, %select_n3A_429, %select_n3A_589 : vector<16xf32>
      %select_n3A_600 = arith.select %gt3A_599, %select_n3A_429, %select_n3A_589 : vector<16xi1>, vector<16xf32>
      %select_n3A_601 = arith.select %gt3A_598, %select_n3A_594, %select_n3A_600 : vector<16xi1>, vector<16xf32>
      %jit3A_602 = arith.constant 15 : i32
      %broadcast_in_dim3A_603 = vector.broadcast %jit3A_602 : i32 to vector<16xi32>
      %select_n3A_604 = arith.select %gt3A_599, %broadcast_in_dim3A_603, %select_n3A_593 : vector<16xi1>, vector<16xi32>
      %select_n3A_605 = arith.select %gt3A_598, %select_n3A_597, %select_n3A_604 : vector<16xi1>, vector<16xi32>
      %select_n3A_606 = arith.select %gt3A_598, %select_n3A_429, %select_n3A_594 : vector<16xi1>, vector<16xf32>
      %jit3A_607 = arith.constant 15 : i32
      %broadcast_in_dim3A_608 = vector.broadcast %jit3A_607 : i32 to vector<16xi32>
      %select_n3A_609 = arith.select %gt3A_598, %broadcast_in_dim3A_608, %select_n3A_597 : vector<16xi1>, vector<16xi32>
      %sub3A = arith.subf %select_n3A_601, %select_n3A_606 : vector<16xf32>
      %exp3A = math.exp %sub3A : vector<16xf32>
      %add3A_610 = arith.constant 1.000000e+00 : f32
      %add3A_611 = vector.broadcast %add3A_610 : f32 to vector<16xf32>
      %add3A_612 = arith.addf %add3A_611, %exp3A : vector<16xf32>
      %div3A = arith.divf %exp3A, %add3A_612 : vector<16xf32>
      %sub3A_613 = arith.constant 1.000000e+00 : f32
      %sub3A_614 = vector.broadcast %sub3A_613 : f32 to vector<16xf32>
      %sub3A_615 = arith.subf %sub3A_614, %div3A : vector<16xf32>
      %eq3A = arith.constant 0 : i32
      %eq3A_616 = vector.broadcast %eq3A : i32 to vector<16xi32>
      %eq3A_617 = arith.cmpi eq, %select_n3A_609, %eq3A_616 : vector<16xi32>
      %eq3A_618 = arith.constant 0 : i32
      %eq3A_619 = vector.broadcast %eq3A_618 : i32 to vector<16xi32>
      %eq3A_620 = arith.cmpi eq, %select_n3A_605, %eq3A_619 : vector<16xi32>
      %select_n3A_621 = arith.select %eq3A_620, %div3A, %broadcast_in_dim3A_3 : vector<16xi1>, vector<16xf32>
      %select_n3A_622 = arith.select %eq3A_617, %sub3A_615, %select_n3A_621 : vector<16xi1>, vector<16xf32>
      %eq3A_623 = arith.constant 1 : i32
      %eq3A_624 = vector.broadcast %eq3A_623 : i32 to vector<16xi32>
      %eq3A_625 = arith.cmpi eq, %select_n3A_609, %eq3A_624 : vector<16xi32>
      %eq3A_626 = arith.constant 1 : i32
      %eq3A_627 = vector.broadcast %eq3A_626 : i32 to vector<16xi32>
      %eq3A_628 = arith.cmpi eq, %select_n3A_605, %eq3A_627 : vector<16xi32>
      %select_n3A_629 = arith.select %eq3A_628, %div3A, %broadcast_in_dim3A_3 : vector<16xi1>, vector<16xf32>
      %select_n3A_630 = arith.select %eq3A_625, %sub3A_615, %select_n3A_629 : vector<16xi1>, vector<16xf32>
      %eq3A_631 = arith.constant 2 : i32
      %eq3A_632 = vector.broadcast %eq3A_631 : i32 to vector<16xi32>
      %eq3A_633 = arith.cmpi eq, %select_n3A_609, %eq3A_632 : vector<16xi32>
      %eq3A_634 = arith.constant 2 : i32
      %eq3A_635 = vector.broadcast %eq3A_634 : i32 to vector<16xi32>
      %eq3A_636 = arith.cmpi eq, %select_n3A_605, %eq3A_635 : vector<16xi32>
      %select_n3A_637 = arith.select %eq3A_636, %div3A, %broadcast_in_dim3A_3 : vector<16xi1>, vector<16xf32>
      %select_n3A_638 = arith.select %eq3A_633, %sub3A_615, %select_n3A_637 : vector<16xi1>, vector<16xf32>
      %eq3A_639 = arith.constant 3 : i32
      %eq3A_640 = vector.broadcast %eq3A_639 : i32 to vector<16xi32>
      %eq3A_641 = arith.cmpi eq, %select_n3A_609, %eq3A_640 : vector<16xi32>
      %eq3A_642 = arith.constant 3 : i32
      %eq3A_643 = vector.broadcast %eq3A_642 : i32 to vector<16xi32>
      %eq3A_644 = arith.cmpi eq, %select_n3A_605, %eq3A_643 : vector<16xi32>
      %select_n3A_645 = arith.select %eq3A_644, %div3A, %broadcast_in_dim3A_3 : vector<16xi1>, vector<16xf32>
      %select_n3A_646 = arith.select %eq3A_641, %sub3A_615, %select_n3A_645 : vector<16xi1>, vector<16xf32>
      %eq3A_647 = arith.constant 4 : i32
      %eq3A_648 = vector.broadcast %eq3A_647 : i32 to vector<16xi32>
      %eq3A_649 = arith.cmpi eq, %select_n3A_609, %eq3A_648 : vector<16xi32>
      %eq3A_650 = arith.constant 4 : i32
      %eq3A_651 = vector.broadcast %eq3A_650 : i32 to vector<16xi32>
      %eq3A_652 = arith.cmpi eq, %select_n3A_605, %eq3A_651 : vector<16xi32>
      %select_n3A_653 = arith.select %eq3A_652, %div3A, %broadcast_in_dim3A_3 : vector<16xi1>, vector<16xf32>
      %select_n3A_654 = arith.select %eq3A_649, %sub3A_615, %select_n3A_653 : vector<16xi1>, vector<16xf32>
      %eq3A_655 = arith.constant 5 : i32
      %eq3A_656 = vector.broadcast %eq3A_655 : i32 to vector<16xi32>
      %eq3A_657 = arith.cmpi eq, %select_n3A_609, %eq3A_656 : vector<16xi32>
      %eq3A_658 = arith.constant 5 : i32
      %eq3A_659 = vector.broadcast %eq3A_658 : i32 to vector<16xi32>
      %eq3A_660 = arith.cmpi eq, %select_n3A_605, %eq3A_659 : vector<16xi32>
      %select_n3A_661 = arith.select %eq3A_660, %div3A, %broadcast_in_dim3A_3 : vector<16xi1>, vector<16xf32>
      %select_n3A_662 = arith.select %eq3A_657, %sub3A_615, %select_n3A_661 : vector<16xi1>, vector<16xf32>
      %eq3A_663 = arith.constant 6 : i32
      %eq3A_664 = vector.broadcast %eq3A_663 : i32 to vector<16xi32>
      %eq3A_665 = arith.cmpi eq, %select_n3A_609, %eq3A_664 : vector<16xi32>
      %eq3A_666 = arith.constant 6 : i32
      %eq3A_667 = vector.broadcast %eq3A_666 : i32 to vector<16xi32>
      %eq3A_668 = arith.cmpi eq, %select_n3A_605, %eq3A_667 : vector<16xi32>
      %select_n3A_669 = arith.select %eq3A_668, %div3A, %broadcast_in_dim3A_3 : vector<16xi1>, vector<16xf32>
      %select_n3A_670 = arith.select %eq3A_665, %sub3A_615, %select_n3A_669 : vector<16xi1>, vector<16xf32>
      %eq3A_671 = arith.constant 7 : i32
      %eq3A_672 = vector.broadcast %eq3A_671 : i32 to vector<16xi32>
      %eq3A_673 = arith.cmpi eq, %select_n3A_609, %eq3A_672 : vector<16xi32>
      %eq3A_674 = arith.constant 7 : i32
      %eq3A_675 = vector.broadcast %eq3A_674 : i32 to vector<16xi32>
      %eq3A_676 = arith.cmpi eq, %select_n3A_605, %eq3A_675 : vector<16xi32>
      %select_n3A_677 = arith.select %eq3A_676, %div3A, %broadcast_in_dim3A_3 : vector<16xi1>, vector<16xf32>
      %select_n3A_678 = arith.select %eq3A_673, %sub3A_615, %select_n3A_677 : vector<16xi1>, vector<16xf32>
      %eq3A_679 = arith.constant 8 : i32
      %eq3A_680 = vector.broadcast %eq3A_679 : i32 to vector<16xi32>
      %eq3A_681 = arith.cmpi eq, %select_n3A_609, %eq3A_680 : vector<16xi32>
      %eq3A_682 = arith.constant 8 : i32
      %eq3A_683 = vector.broadcast %eq3A_682 : i32 to vector<16xi32>
      %eq3A_684 = arith.cmpi eq, %select_n3A_605, %eq3A_683 : vector<16xi32>
      %select_n3A_685 = arith.select %eq3A_684, %div3A, %broadcast_in_dim3A_3 : vector<16xi1>, vector<16xf32>
      %select_n3A_686 = arith.select %eq3A_681, %sub3A_615, %select_n3A_685 : vector<16xi1>, vector<16xf32>
      %eq3A_687 = arith.constant 9 : i32
      %eq3A_688 = vector.broadcast %eq3A_687 : i32 to vector<16xi32>
      %eq3A_689 = arith.cmpi eq, %select_n3A_609, %eq3A_688 : vector<16xi32>
      %eq3A_690 = arith.constant 9 : i32
      %eq3A_691 = vector.broadcast %eq3A_690 : i32 to vector<16xi32>
      %eq3A_692 = arith.cmpi eq, %select_n3A_605, %eq3A_691 : vector<16xi32>
      %select_n3A_693 = arith.select %eq3A_692, %div3A, %broadcast_in_dim3A_3 : vector<16xi1>, vector<16xf32>
      %select_n3A_694 = arith.select %eq3A_689, %sub3A_615, %select_n3A_693 : vector<16xi1>, vector<16xf32>
      %eq3A_695 = arith.constant 10 : i32
      %eq3A_696 = vector.broadcast %eq3A_695 : i32 to vector<16xi32>
      %eq3A_697 = arith.cmpi eq, %select_n3A_609, %eq3A_696 : vector<16xi32>
      %eq3A_698 = arith.constant 10 : i32
      %eq3A_699 = vector.broadcast %eq3A_698 : i32 to vector<16xi32>
      %eq3A_700 = arith.cmpi eq, %select_n3A_605, %eq3A_699 : vector<16xi32>
      %select_n3A_701 = arith.select %eq3A_700, %div3A, %broadcast_in_dim3A_3 : vector<16xi1>, vector<16xf32>
      %select_n3A_702 = arith.select %eq3A_697, %sub3A_615, %select_n3A_701 : vector<16xi1>, vector<16xf32>
      %eq3A_703 = arith.constant 11 : i32
      %eq3A_704 = vector.broadcast %eq3A_703 : i32 to vector<16xi32>
      %eq3A_705 = arith.cmpi eq, %select_n3A_609, %eq3A_704 : vector<16xi32>
      %eq3A_706 = arith.constant 11 : i32
      %eq3A_707 = vector.broadcast %eq3A_706 : i32 to vector<16xi32>
      %eq3A_708 = arith.cmpi eq, %select_n3A_605, %eq3A_707 : vector<16xi32>
      %select_n3A_709 = arith.select %eq3A_708, %div3A, %broadcast_in_dim3A_3 : vector<16xi1>, vector<16xf32>
      %select_n3A_710 = arith.select %eq3A_705, %sub3A_615, %select_n3A_709 : vector<16xi1>, vector<16xf32>
      %eq3A_711 = arith.constant 12 : i32
      %eq3A_712 = vector.broadcast %eq3A_711 : i32 to vector<16xi32>
      %eq3A_713 = arith.cmpi eq, %select_n3A_609, %eq3A_712 : vector<16xi32>
      %eq3A_714 = arith.constant 12 : i32
      %eq3A_715 = vector.broadcast %eq3A_714 : i32 to vector<16xi32>
      %eq3A_716 = arith.cmpi eq, %select_n3A_605, %eq3A_715 : vector<16xi32>
      %select_n3A_717 = arith.select %eq3A_716, %div3A, %broadcast_in_dim3A_3 : vector<16xi1>, vector<16xf32>
      %select_n3A_718 = arith.select %eq3A_713, %sub3A_615, %select_n3A_717 : vector<16xi1>, vector<16xf32>
      %eq3A_719 = arith.constant 13 : i32
      %eq3A_720 = vector.broadcast %eq3A_719 : i32 to vector<16xi32>
      %eq3A_721 = arith.cmpi eq, %select_n3A_609, %eq3A_720 : vector<16xi32>
      %eq3A_722 = arith.constant 13 : i32
      %eq3A_723 = vector.broadcast %eq3A_722 : i32 to vector<16xi32>
      %eq3A_724 = arith.cmpi eq, %select_n3A_605, %eq3A_723 : vector<16xi32>
      %select_n3A_725 = arith.select %eq3A_724, %div3A, %broadcast_in_dim3A_3 : vector<16xi1>, vector<16xf32>
      %select_n3A_726 = arith.select %eq3A_721, %sub3A_615, %select_n3A_725 : vector<16xi1>, vector<16xf32>
      %eq3A_727 = arith.constant 14 : i32
      %eq3A_728 = vector.broadcast %eq3A_727 : i32 to vector<16xi32>
      %eq3A_729 = arith.cmpi eq, %select_n3A_609, %eq3A_728 : vector<16xi32>
      %eq3A_730 = arith.constant 14 : i32
      %eq3A_731 = vector.broadcast %eq3A_730 : i32 to vector<16xi32>
      %eq3A_732 = arith.cmpi eq, %select_n3A_605, %eq3A_731 : vector<16xi32>
      %select_n3A_733 = arith.select %eq3A_732, %div3A, %broadcast_in_dim3A_3 : vector<16xi1>, vector<16xf32>
      %select_n3A_734 = arith.select %eq3A_729, %sub3A_615, %select_n3A_733 : vector<16xi1>, vector<16xf32>
      %eq3A_735 = arith.constant 15 : i32
      %eq3A_736 = vector.broadcast %eq3A_735 : i32 to vector<16xi32>
      %eq3A_737 = arith.cmpi eq, %select_n3A_609, %eq3A_736 : vector<16xi32>
      %eq3A_738 = arith.constant 15 : i32
      %eq3A_739 = vector.broadcast %eq3A_738 : i32 to vector<16xi32>
      %eq3A_740 = arith.cmpi eq, %select_n3A_605, %eq3A_739 : vector<16xi32>
      %select_n3A_741 = arith.select %eq3A_740, %div3A, %broadcast_in_dim3A_3 : vector<16xi1>, vector<16xf32>
      %select_n3A_742 = arith.select %eq3A_737, %sub3A_615, %select_n3A_741 : vector<16xi1>, vector<16xf32>
      %broadcast_in_dim3A_743 = vector.shape_cast %xor3A_7 : vector<16xi32> to vector<16x1xi32>
      %gather3A_744 = vector.shape_cast %broadcast_in_dim3A_743 : vector<16x1xi32> to vector<16xi32>
      %gather3A_745 = tpu.dynamic_gather %select_n3A_630[%gather3A_744] in [0] : vector<16xf32>, vector<16xi32> -> vector<16xf32>
      %select_n3A_746 = arith.select %ne3A_20, %gather3A_745, %select_n3A_622 : vector<16xi1>, vector<16xf32>
      %broadcast_in_dim3A_747 = vector.shape_cast %xor3A_7 : vector<16xi32> to vector<16x1xi32>
      %gather3A_748 = vector.shape_cast %broadcast_in_dim3A_747 : vector<16x1xi32> to vector<16xi32>
      %gather3A_749 = tpu.dynamic_gather %select_n3A_622[%gather3A_748] in [0] : vector<16xf32>, vector<16xi32> -> vector<16xf32>
      %select_n3A_750 = arith.select %ne3A_20, %select_n3A_630, %gather3A_749 : vector<16xi1>, vector<16xf32>
      %broadcast_in_dim3A_751 = vector.shape_cast %xor3A_7 : vector<16xi32> to vector<16x1xi32>
      %gather3A_752 = vector.shape_cast %broadcast_in_dim3A_751 : vector<16x1xi32> to vector<16xi32>
      %gather3A_753 = tpu.dynamic_gather %select_n3A_646[%gather3A_752] in [0] : vector<16xf32>, vector<16xi32> -> vector<16xf32>
      %select_n3A_754 = arith.select %ne3A_20, %gather3A_753, %select_n3A_638 : vector<16xi1>, vector<16xf32>
      %broadcast_in_dim3A_755 = vector.shape_cast %xor3A_7 : vector<16xi32> to vector<16x1xi32>
      %gather3A_756 = vector.shape_cast %broadcast_in_dim3A_755 : vector<16x1xi32> to vector<16xi32>
      %gather3A_757 = tpu.dynamic_gather %select_n3A_638[%gather3A_756] in [0] : vector<16xf32>, vector<16xi32> -> vector<16xf32>
      %select_n3A_758 = arith.select %ne3A_20, %select_n3A_646, %gather3A_757 : vector<16xi1>, vector<16xf32>
      %broadcast_in_dim3A_759 = vector.shape_cast %xor3A_7 : vector<16xi32> to vector<16x1xi32>
      %gather3A_760 = vector.shape_cast %broadcast_in_dim3A_759 : vector<16x1xi32> to vector<16xi32>
      %gather3A_761 = tpu.dynamic_gather %select_n3A_662[%gather3A_760] in [0] : vector<16xf32>, vector<16xi32> -> vector<16xf32>
      %select_n3A_762 = arith.select %ne3A_20, %gather3A_761, %select_n3A_654 : vector<16xi1>, vector<16xf32>
      %broadcast_in_dim3A_763 = vector.shape_cast %xor3A_7 : vector<16xi32> to vector<16x1xi32>
      %gather3A_764 = vector.shape_cast %broadcast_in_dim3A_763 : vector<16x1xi32> to vector<16xi32>
      %gather3A_765 = tpu.dynamic_gather %select_n3A_654[%gather3A_764] in [0] : vector<16xf32>, vector<16xi32> -> vector<16xf32>
      %select_n3A_766 = arith.select %ne3A_20, %select_n3A_662, %gather3A_765 : vector<16xi1>, vector<16xf32>
      %broadcast_in_dim3A_767 = vector.shape_cast %xor3A_7 : vector<16xi32> to vector<16x1xi32>
      %gather3A_768 = vector.shape_cast %broadcast_in_dim3A_767 : vector<16x1xi32> to vector<16xi32>
      %gather3A_769 = tpu.dynamic_gather %select_n3A_678[%gather3A_768] in [0] : vector<16xf32>, vector<16xi32> -> vector<16xf32>
      %select_n3A_770 = arith.select %ne3A_20, %gather3A_769, %select_n3A_670 : vector<16xi1>, vector<16xf32>
      %broadcast_in_dim3A_771 = vector.shape_cast %xor3A_7 : vector<16xi32> to vector<16x1xi32>
      %gather3A_772 = vector.shape_cast %broadcast_in_dim3A_771 : vector<16x1xi32> to vector<16xi32>
      %gather3A_773 = tpu.dynamic_gather %select_n3A_670[%gather3A_772] in [0] : vector<16xf32>, vector<16xi32> -> vector<16xf32>
      %select_n3A_774 = arith.select %ne3A_20, %select_n3A_678, %gather3A_773 : vector<16xi1>, vector<16xf32>
      %broadcast_in_dim3A_775 = vector.shape_cast %xor3A_7 : vector<16xi32> to vector<16x1xi32>
      %gather3A_776 = vector.shape_cast %broadcast_in_dim3A_775 : vector<16x1xi32> to vector<16xi32>
      %gather3A_777 = tpu.dynamic_gather %select_n3A_694[%gather3A_776] in [0] : vector<16xf32>, vector<16xi32> -> vector<16xf32>
      %select_n3A_778 = arith.select %ne3A_20, %gather3A_777, %select_n3A_686 : vector<16xi1>, vector<16xf32>
      %broadcast_in_dim3A_779 = vector.shape_cast %xor3A_7 : vector<16xi32> to vector<16x1xi32>
      %gather3A_780 = vector.shape_cast %broadcast_in_dim3A_779 : vector<16x1xi32> to vector<16xi32>
      %gather3A_781 = tpu.dynamic_gather %select_n3A_686[%gather3A_780] in [0] : vector<16xf32>, vector<16xi32> -> vector<16xf32>
      %select_n3A_782 = arith.select %ne3A_20, %select_n3A_694, %gather3A_781 : vector<16xi1>, vector<16xf32>
      %broadcast_in_dim3A_783 = vector.shape_cast %xor3A_7 : vector<16xi32> to vector<16x1xi32>
      %gather3A_784 = vector.shape_cast %broadcast_in_dim3A_783 : vector<16x1xi32> to vector<16xi32>
      %gather3A_785 = tpu.dynamic_gather %select_n3A_710[%gather3A_784] in [0] : vector<16xf32>, vector<16xi32> -> vector<16xf32>
      %select_n3A_786 = arith.select %ne3A_20, %gather3A_785, %select_n3A_702 : vector<16xi1>, vector<16xf32>
      %broadcast_in_dim3A_787 = vector.shape_cast %xor3A_7 : vector<16xi32> to vector<16x1xi32>
      %gather3A_788 = vector.shape_cast %broadcast_in_dim3A_787 : vector<16x1xi32> to vector<16xi32>
      %gather3A_789 = tpu.dynamic_gather %select_n3A_702[%gather3A_788] in [0] : vector<16xf32>, vector<16xi32> -> vector<16xf32>
      %select_n3A_790 = arith.select %ne3A_20, %select_n3A_710, %gather3A_789 : vector<16xi1>, vector<16xf32>
      %broadcast_in_dim3A_791 = vector.shape_cast %xor3A_7 : vector<16xi32> to vector<16x1xi32>
      %gather3A_792 = vector.shape_cast %broadcast_in_dim3A_791 : vector<16x1xi32> to vector<16xi32>
      %gather3A_793 = tpu.dynamic_gather %select_n3A_726[%gather3A_792] in [0] : vector<16xf32>, vector<16xi32> -> vector<16xf32>
      %select_n3A_794 = arith.select %ne3A_20, %gather3A_793, %select_n3A_718 : vector<16xi1>, vector<16xf32>
      %broadcast_in_dim3A_795 = vector.shape_cast %xor3A_7 : vector<16xi32> to vector<16x1xi32>
      %gather3A_796 = vector.shape_cast %broadcast_in_dim3A_795 : vector<16x1xi32> to vector<16xi32>
      %gather3A_797 = tpu.dynamic_gather %select_n3A_718[%gather3A_796] in [0] : vector<16xf32>, vector<16xi32> -> vector<16xf32>
      %select_n3A_798 = arith.select %ne3A_20, %select_n3A_726, %gather3A_797 : vector<16xi1>, vector<16xf32>
      %broadcast_in_dim3A_799 = vector.shape_cast %xor3A_7 : vector<16xi32> to vector<16x1xi32>
      %gather3A_800 = vector.shape_cast %broadcast_in_dim3A_799 : vector<16x1xi32> to vector<16xi32>
      %gather3A_801 = tpu.dynamic_gather %select_n3A_742[%gather3A_800] in [0] : vector<16xf32>, vector<16xi32> -> vector<16xf32>
      %select_n3A_802 = arith.select %ne3A_20, %gather3A_801, %select_n3A_734 : vector<16xi1>, vector<16xf32>
      %broadcast_in_dim3A_803 = vector.shape_cast %xor3A_7 : vector<16xi32> to vector<16x1xi32>
      %gather3A_804 = vector.shape_cast %broadcast_in_dim3A_803 : vector<16x1xi32> to vector<16xi32>
      %gather3A_805 = tpu.dynamic_gather %select_n3A_734[%gather3A_804] in [0] : vector<16xf32>, vector<16xi32> -> vector<16xf32>
      %select_n3A_806 = arith.select %ne3A_20, %select_n3A_742, %gather3A_805 : vector<16xi1>, vector<16xf32>
      %broadcast_in_dim3A_807 = vector.shape_cast %xor3A_10 : vector<16xi32> to vector<16x1xi32>
      %gather3A_808 = vector.shape_cast %broadcast_in_dim3A_807 : vector<16x1xi32> to vector<16xi32>
      %gather3A_809 = tpu.dynamic_gather %select_n3A_754[%gather3A_808] in [0] : vector<16xf32>, vector<16xi32> -> vector<16xf32>
      %select_n3A_810 = arith.select %ne3A_26, %gather3A_809, %select_n3A_746 : vector<16xi1>, vector<16xf32>
      %broadcast_in_dim3A_811 = vector.shape_cast %xor3A_10 : vector<16xi32> to vector<16x1xi32>
      %gather3A_812 = vector.shape_cast %broadcast_in_dim3A_811 : vector<16x1xi32> to vector<16xi32>
      %gather3A_813 = tpu.dynamic_gather %select_n3A_746[%gather3A_812] in [0] : vector<16xf32>, vector<16xi32> -> vector<16xf32>
      %select_n3A_814 = arith.select %ne3A_26, %select_n3A_754, %gather3A_813 : vector<16xi1>, vector<16xf32>
      %broadcast_in_dim3A_815 = vector.shape_cast %xor3A_10 : vector<16xi32> to vector<16x1xi32>
      %gather3A_816 = vector.shape_cast %broadcast_in_dim3A_815 : vector<16x1xi32> to vector<16xi32>
      %gather3A_817 = tpu.dynamic_gather %select_n3A_758[%gather3A_816] in [0] : vector<16xf32>, vector<16xi32> -> vector<16xf32>
      %select_n3A_818 = arith.select %ne3A_26, %gather3A_817, %select_n3A_750 : vector<16xi1>, vector<16xf32>
      %broadcast_in_dim3A_819 = vector.shape_cast %xor3A_10 : vector<16xi32> to vector<16x1xi32>
      %gather3A_820 = vector.shape_cast %broadcast_in_dim3A_819 : vector<16x1xi32> to vector<16xi32>
      %gather3A_821 = tpu.dynamic_gather %select_n3A_750[%gather3A_820] in [0] : vector<16xf32>, vector<16xi32> -> vector<16xf32>
      %select_n3A_822 = arith.select %ne3A_26, %select_n3A_758, %gather3A_821 : vector<16xi1>, vector<16xf32>
      %broadcast_in_dim3A_823 = vector.shape_cast %xor3A_10 : vector<16xi32> to vector<16x1xi32>
      %gather3A_824 = vector.shape_cast %broadcast_in_dim3A_823 : vector<16x1xi32> to vector<16xi32>
      %gather3A_825 = tpu.dynamic_gather %select_n3A_770[%gather3A_824] in [0] : vector<16xf32>, vector<16xi32> -> vector<16xf32>
      %select_n3A_826 = arith.select %ne3A_26, %gather3A_825, %select_n3A_762 : vector<16xi1>, vector<16xf32>
      %broadcast_in_dim3A_827 = vector.shape_cast %xor3A_10 : vector<16xi32> to vector<16x1xi32>
      %gather3A_828 = vector.shape_cast %broadcast_in_dim3A_827 : vector<16x1xi32> to vector<16xi32>
      %gather3A_829 = tpu.dynamic_gather %select_n3A_762[%gather3A_828] in [0] : vector<16xf32>, vector<16xi32> -> vector<16xf32>
      %select_n3A_830 = arith.select %ne3A_26, %select_n3A_770, %gather3A_829 : vector<16xi1>, vector<16xf32>
      %broadcast_in_dim3A_831 = vector.shape_cast %xor3A_10 : vector<16xi32> to vector<16x1xi32>
      %gather3A_832 = vector.shape_cast %broadcast_in_dim3A_831 : vector<16x1xi32> to vector<16xi32>
      %gather3A_833 = tpu.dynamic_gather %select_n3A_774[%gather3A_832] in [0] : vector<16xf32>, vector<16xi32> -> vector<16xf32>
      %select_n3A_834 = arith.select %ne3A_26, %gather3A_833, %select_n3A_766 : vector<16xi1>, vector<16xf32>
      %broadcast_in_dim3A_835 = vector.shape_cast %xor3A_10 : vector<16xi32> to vector<16x1xi32>
      %gather3A_836 = vector.shape_cast %broadcast_in_dim3A_835 : vector<16x1xi32> to vector<16xi32>
      %gather3A_837 = tpu.dynamic_gather %select_n3A_766[%gather3A_836] in [0] : vector<16xf32>, vector<16xi32> -> vector<16xf32>
      %select_n3A_838 = arith.select %ne3A_26, %select_n3A_774, %gather3A_837 : vector<16xi1>, vector<16xf32>
      %broadcast_in_dim3A_839 = vector.shape_cast %xor3A_10 : vector<16xi32> to vector<16x1xi32>
      %gather3A_840 = vector.shape_cast %broadcast_in_dim3A_839 : vector<16x1xi32> to vector<16xi32>
      %gather3A_841 = tpu.dynamic_gather %select_n3A_786[%gather3A_840] in [0] : vector<16xf32>, vector<16xi32> -> vector<16xf32>
      %select_n3A_842 = arith.select %ne3A_26, %gather3A_841, %select_n3A_778 : vector<16xi1>, vector<16xf32>
      %broadcast_in_dim3A_843 = vector.shape_cast %xor3A_10 : vector<16xi32> to vector<16x1xi32>
      %gather3A_844 = vector.shape_cast %broadcast_in_dim3A_843 : vector<16x1xi32> to vector<16xi32>
      %gather3A_845 = tpu.dynamic_gather %select_n3A_778[%gather3A_844] in [0] : vector<16xf32>, vector<16xi32> -> vector<16xf32>
      %select_n3A_846 = arith.select %ne3A_26, %select_n3A_786, %gather3A_845 : vector<16xi1>, vector<16xf32>
      %broadcast_in_dim3A_847 = vector.shape_cast %xor3A_10 : vector<16xi32> to vector<16x1xi32>
      %gather3A_848 = vector.shape_cast %broadcast_in_dim3A_847 : vector<16x1xi32> to vector<16xi32>
      %gather3A_849 = tpu.dynamic_gather %select_n3A_790[%gather3A_848] in [0] : vector<16xf32>, vector<16xi32> -> vector<16xf32>
      %select_n3A_850 = arith.select %ne3A_26, %gather3A_849, %select_n3A_782 : vector<16xi1>, vector<16xf32>
      %broadcast_in_dim3A_851 = vector.shape_cast %xor3A_10 : vector<16xi32> to vector<16x1xi32>
      %gather3A_852 = vector.shape_cast %broadcast_in_dim3A_851 : vector<16x1xi32> to vector<16xi32>
      %gather3A_853 = tpu.dynamic_gather %select_n3A_782[%gather3A_852] in [0] : vector<16xf32>, vector<16xi32> -> vector<16xf32>
      %select_n3A_854 = arith.select %ne3A_26, %select_n3A_790, %gather3A_853 : vector<16xi1>, vector<16xf32>
      %broadcast_in_dim3A_855 = vector.shape_cast %xor3A_10 : vector<16xi32> to vector<16x1xi32>
      %gather3A_856 = vector.shape_cast %broadcast_in_dim3A_855 : vector<16x1xi32> to vector<16xi32>
      %gather3A_857 = tpu.dynamic_gather %select_n3A_802[%gather3A_856] in [0] : vector<16xf32>, vector<16xi32> -> vector<16xf32>
      %select_n3A_858 = arith.select %ne3A_26, %gather3A_857, %select_n3A_794 : vector<16xi1>, vector<16xf32>
      %broadcast_in_dim3A_859 = vector.shape_cast %xor3A_10 : vector<16xi32> to vector<16x1xi32>
      %gather3A_860 = vector.shape_cast %broadcast_in_dim3A_859 : vector<16x1xi32> to vector<16xi32>
      %gather3A_861 = tpu.dynamic_gather %select_n3A_794[%gather3A_860] in [0] : vector<16xf32>, vector<16xi32> -> vector<16xf32>
      %select_n3A_862 = arith.select %ne3A_26, %select_n3A_802, %gather3A_861 : vector<16xi1>, vector<16xf32>
      %broadcast_in_dim3A_863 = vector.shape_cast %xor3A_10 : vector<16xi32> to vector<16x1xi32>
      %gather3A_864 = vector.shape_cast %broadcast_in_dim3A_863 : vector<16x1xi32> to vector<16xi32>
      %gather3A_865 = tpu.dynamic_gather %select_n3A_806[%gather3A_864] in [0] : vector<16xf32>, vector<16xi32> -> vector<16xf32>
      %select_n3A_866 = arith.select %ne3A_26, %gather3A_865, %select_n3A_798 : vector<16xi1>, vector<16xf32>
      %broadcast_in_dim3A_867 = vector.shape_cast %xor3A_10 : vector<16xi32> to vector<16x1xi32>
      %gather3A_868 = vector.shape_cast %broadcast_in_dim3A_867 : vector<16x1xi32> to vector<16xi32>
      %gather3A_869 = tpu.dynamic_gather %select_n3A_798[%gather3A_868] in [0] : vector<16xf32>, vector<16xi32> -> vector<16xf32>
      %select_n3A_870 = arith.select %ne3A_26, %select_n3A_806, %gather3A_869 : vector<16xi1>, vector<16xf32>
      %broadcast_in_dim3A_871 = vector.shape_cast %xor3A_13 : vector<16xi32> to vector<16x1xi32>
      %gather3A_872 = vector.shape_cast %broadcast_in_dim3A_871 : vector<16x1xi32> to vector<16xi32>
      %gather3A_873 = tpu.dynamic_gather %select_n3A_826[%gather3A_872] in [0] : vector<16xf32>, vector<16xi32> -> vector<16xf32>
      %select_n3A_874 = arith.select %ne3A_32, %gather3A_873, %select_n3A_810 : vector<16xi1>, vector<16xf32>
      %broadcast_in_dim3A_875 = vector.shape_cast %xor3A_13 : vector<16xi32> to vector<16x1xi32>
      %gather3A_876 = vector.shape_cast %broadcast_in_dim3A_875 : vector<16x1xi32> to vector<16xi32>
      %gather3A_877 = tpu.dynamic_gather %select_n3A_810[%gather3A_876] in [0] : vector<16xf32>, vector<16xi32> -> vector<16xf32>
      %select_n3A_878 = arith.select %ne3A_32, %select_n3A_826, %gather3A_877 : vector<16xi1>, vector<16xf32>
      %broadcast_in_dim3A_879 = vector.shape_cast %xor3A_13 : vector<16xi32> to vector<16x1xi32>
      %gather3A_880 = vector.shape_cast %broadcast_in_dim3A_879 : vector<16x1xi32> to vector<16xi32>
      %gather3A_881 = tpu.dynamic_gather %select_n3A_834[%gather3A_880] in [0] : vector<16xf32>, vector<16xi32> -> vector<16xf32>
      %select_n3A_882 = arith.select %ne3A_32, %gather3A_881, %select_n3A_818 : vector<16xi1>, vector<16xf32>
      %broadcast_in_dim3A_883 = vector.shape_cast %xor3A_13 : vector<16xi32> to vector<16x1xi32>
      %gather3A_884 = vector.shape_cast %broadcast_in_dim3A_883 : vector<16x1xi32> to vector<16xi32>
      %gather3A_885 = tpu.dynamic_gather %select_n3A_818[%gather3A_884] in [0] : vector<16xf32>, vector<16xi32> -> vector<16xf32>
      %select_n3A_886 = arith.select %ne3A_32, %select_n3A_834, %gather3A_885 : vector<16xi1>, vector<16xf32>
      %broadcast_in_dim3A_887 = vector.shape_cast %xor3A_13 : vector<16xi32> to vector<16x1xi32>
      %gather3A_888 = vector.shape_cast %broadcast_in_dim3A_887 : vector<16x1xi32> to vector<16xi32>
      %gather3A_889 = tpu.dynamic_gather %select_n3A_830[%gather3A_888] in [0] : vector<16xf32>, vector<16xi32> -> vector<16xf32>
      %select_n3A_890 = arith.select %ne3A_32, %gather3A_889, %select_n3A_814 : vector<16xi1>, vector<16xf32>
      %broadcast_in_dim3A_891 = vector.shape_cast %xor3A_13 : vector<16xi32> to vector<16x1xi32>
      %gather3A_892 = vector.shape_cast %broadcast_in_dim3A_891 : vector<16x1xi32> to vector<16xi32>
      %gather3A_893 = tpu.dynamic_gather %select_n3A_814[%gather3A_892] in [0] : vector<16xf32>, vector<16xi32> -> vector<16xf32>
      %select_n3A_894 = arith.select %ne3A_32, %select_n3A_830, %gather3A_893 : vector<16xi1>, vector<16xf32>
      %broadcast_in_dim3A_895 = vector.shape_cast %xor3A_13 : vector<16xi32> to vector<16x1xi32>
      %gather3A_896 = vector.shape_cast %broadcast_in_dim3A_895 : vector<16x1xi32> to vector<16xi32>
      %gather3A_897 = tpu.dynamic_gather %select_n3A_838[%gather3A_896] in [0] : vector<16xf32>, vector<16xi32> -> vector<16xf32>
      %select_n3A_898 = arith.select %ne3A_32, %gather3A_897, %select_n3A_822 : vector<16xi1>, vector<16xf32>
      %broadcast_in_dim3A_899 = vector.shape_cast %xor3A_13 : vector<16xi32> to vector<16x1xi32>
      %gather3A_900 = vector.shape_cast %broadcast_in_dim3A_899 : vector<16x1xi32> to vector<16xi32>
      %gather3A_901 = tpu.dynamic_gather %select_n3A_822[%gather3A_900] in [0] : vector<16xf32>, vector<16xi32> -> vector<16xf32>
      %select_n3A_902 = arith.select %ne3A_32, %select_n3A_838, %gather3A_901 : vector<16xi1>, vector<16xf32>
      %broadcast_in_dim3A_903 = vector.shape_cast %xor3A_13 : vector<16xi32> to vector<16x1xi32>
      %gather3A_904 = vector.shape_cast %broadcast_in_dim3A_903 : vector<16x1xi32> to vector<16xi32>
      %gather3A_905 = tpu.dynamic_gather %select_n3A_858[%gather3A_904] in [0] : vector<16xf32>, vector<16xi32> -> vector<16xf32>
      %select_n3A_906 = arith.select %ne3A_32, %gather3A_905, %select_n3A_842 : vector<16xi1>, vector<16xf32>
      %broadcast_in_dim3A_907 = vector.shape_cast %xor3A_13 : vector<16xi32> to vector<16x1xi32>
      %gather3A_908 = vector.shape_cast %broadcast_in_dim3A_907 : vector<16x1xi32> to vector<16xi32>
      %gather3A_909 = tpu.dynamic_gather %select_n3A_842[%gather3A_908] in [0] : vector<16xf32>, vector<16xi32> -> vector<16xf32>
      %select_n3A_910 = arith.select %ne3A_32, %select_n3A_858, %gather3A_909 : vector<16xi1>, vector<16xf32>
      %broadcast_in_dim3A_911 = vector.shape_cast %xor3A_13 : vector<16xi32> to vector<16x1xi32>
      %gather3A_912 = vector.shape_cast %broadcast_in_dim3A_911 : vector<16x1xi32> to vector<16xi32>
      %gather3A_913 = tpu.dynamic_gather %select_n3A_866[%gather3A_912] in [0] : vector<16xf32>, vector<16xi32> -> vector<16xf32>
      %select_n3A_914 = arith.select %ne3A_32, %gather3A_913, %select_n3A_850 : vector<16xi1>, vector<16xf32>
      %broadcast_in_dim3A_915 = vector.shape_cast %xor3A_13 : vector<16xi32> to vector<16x1xi32>
      %gather3A_916 = vector.shape_cast %broadcast_in_dim3A_915 : vector<16x1xi32> to vector<16xi32>
      %gather3A_917 = tpu.dynamic_gather %select_n3A_850[%gather3A_916] in [0] : vector<16xf32>, vector<16xi32> -> vector<16xf32>
      %select_n3A_918 = arith.select %ne3A_32, %select_n3A_866, %gather3A_917 : vector<16xi1>, vector<16xf32>
      %broadcast_in_dim3A_919 = vector.shape_cast %xor3A_13 : vector<16xi32> to vector<16x1xi32>
      %gather3A_920 = vector.shape_cast %broadcast_in_dim3A_919 : vector<16x1xi32> to vector<16xi32>
      %gather3A_921 = tpu.dynamic_gather %select_n3A_862[%gather3A_920] in [0] : vector<16xf32>, vector<16xi32> -> vector<16xf32>
      %select_n3A_922 = arith.select %ne3A_32, %gather3A_921, %select_n3A_846 : vector<16xi1>, vector<16xf32>
      %broadcast_in_dim3A_923 = vector.shape_cast %xor3A_13 : vector<16xi32> to vector<16x1xi32>
      %gather3A_924 = vector.shape_cast %broadcast_in_dim3A_923 : vector<16x1xi32> to vector<16xi32>
      %gather3A_925 = tpu.dynamic_gather %select_n3A_846[%gather3A_924] in [0] : vector<16xf32>, vector<16xi32> -> vector<16xf32>
      %select_n3A_926 = arith.select %ne3A_32, %select_n3A_862, %gather3A_925 : vector<16xi1>, vector<16xf32>
      %broadcast_in_dim3A_927 = vector.shape_cast %xor3A_13 : vector<16xi32> to vector<16x1xi32>
      %gather3A_928 = vector.shape_cast %broadcast_in_dim3A_927 : vector<16x1xi32> to vector<16xi32>
      %gather3A_929 = tpu.dynamic_gather %select_n3A_870[%gather3A_928] in [0] : vector<16xf32>, vector<16xi32> -> vector<16xf32>
      %select_n3A_930 = arith.select %ne3A_32, %gather3A_929, %select_n3A_854 : vector<16xi1>, vector<16xf32>
      %broadcast_in_dim3A_931 = vector.shape_cast %xor3A_13 : vector<16xi32> to vector<16x1xi32>
      %gather3A_932 = vector.shape_cast %broadcast_in_dim3A_931 : vector<16x1xi32> to vector<16xi32>
      %gather3A_933 = tpu.dynamic_gather %select_n3A_854[%gather3A_932] in [0] : vector<16xf32>, vector<16xi32> -> vector<16xf32>
      %select_n3A_934 = arith.select %ne3A_32, %select_n3A_870, %gather3A_933 : vector<16xi1>, vector<16xf32>
      %broadcast_in_dim3A_935 = vector.shape_cast %xor3A_16 : vector<16xi32> to vector<16x1xi32>
      %gather3A_936 = vector.shape_cast %broadcast_in_dim3A_935 : vector<16x1xi32> to vector<16xi32>
      %gather3A_937 = tpu.dynamic_gather %select_n3A_906[%gather3A_936] in [0] : vector<16xf32>, vector<16xi32> -> vector<16xf32>
      %select_n3A_938 = arith.select %ne3A_38, %gather3A_937, %select_n3A_874 : vector<16xi1>, vector<16xf32>
      %broadcast_in_dim3A_939 = vector.shape_cast %xor3A_16 : vector<16xi32> to vector<16x1xi32>
      %gather3A_940 = vector.shape_cast %broadcast_in_dim3A_939 : vector<16x1xi32> to vector<16xi32>
      %gather3A_941 = tpu.dynamic_gather %select_n3A_874[%gather3A_940] in [0] : vector<16xf32>, vector<16xi32> -> vector<16xf32>
      %select_n3A_942 = arith.select %ne3A_38, %select_n3A_906, %gather3A_941 : vector<16xi1>, vector<16xf32>
      %broadcast_in_dim3A_943 = vector.shape_cast %xor3A_16 : vector<16xi32> to vector<16x1xi32>
      %gather3A_944 = vector.shape_cast %broadcast_in_dim3A_943 : vector<16x1xi32> to vector<16xi32>
      %gather3A_945 = tpu.dynamic_gather %select_n3A_914[%gather3A_944] in [0] : vector<16xf32>, vector<16xi32> -> vector<16xf32>
      %select_n3A_946 = arith.select %ne3A_38, %gather3A_945, %select_n3A_882 : vector<16xi1>, vector<16xf32>
      %broadcast_in_dim3A_947 = vector.shape_cast %xor3A_16 : vector<16xi32> to vector<16x1xi32>
      %gather3A_948 = vector.shape_cast %broadcast_in_dim3A_947 : vector<16x1xi32> to vector<16xi32>
      %gather3A_949 = tpu.dynamic_gather %select_n3A_882[%gather3A_948] in [0] : vector<16xf32>, vector<16xi32> -> vector<16xf32>
      %select_n3A_950 = arith.select %ne3A_38, %select_n3A_914, %gather3A_949 : vector<16xi1>, vector<16xf32>
      %broadcast_in_dim3A_951 = vector.shape_cast %xor3A_16 : vector<16xi32> to vector<16x1xi32>
      %gather3A_952 = vector.shape_cast %broadcast_in_dim3A_951 : vector<16x1xi32> to vector<16xi32>
      %gather3A_953 = tpu.dynamic_gather %select_n3A_922[%gather3A_952] in [0] : vector<16xf32>, vector<16xi32> -> vector<16xf32>
      %select_n3A_954 = arith.select %ne3A_38, %gather3A_953, %select_n3A_890 : vector<16xi1>, vector<16xf32>
      %broadcast_in_dim3A_955 = vector.shape_cast %xor3A_16 : vector<16xi32> to vector<16x1xi32>
      %gather3A_956 = vector.shape_cast %broadcast_in_dim3A_955 : vector<16x1xi32> to vector<16xi32>
      %gather3A_957 = tpu.dynamic_gather %select_n3A_890[%gather3A_956] in [0] : vector<16xf32>, vector<16xi32> -> vector<16xf32>
      %select_n3A_958 = arith.select %ne3A_38, %select_n3A_922, %gather3A_957 : vector<16xi1>, vector<16xf32>
      %broadcast_in_dim3A_959 = vector.shape_cast %xor3A_16 : vector<16xi32> to vector<16x1xi32>
      %gather3A_960 = vector.shape_cast %broadcast_in_dim3A_959 : vector<16x1xi32> to vector<16xi32>
      %gather3A_961 = tpu.dynamic_gather %select_n3A_930[%gather3A_960] in [0] : vector<16xf32>, vector<16xi32> -> vector<16xf32>
      %select_n3A_962 = arith.select %ne3A_38, %gather3A_961, %select_n3A_898 : vector<16xi1>, vector<16xf32>
      %broadcast_in_dim3A_963 = vector.shape_cast %xor3A_16 : vector<16xi32> to vector<16x1xi32>
      %gather3A_964 = vector.shape_cast %broadcast_in_dim3A_963 : vector<16x1xi32> to vector<16xi32>
      %gather3A_965 = tpu.dynamic_gather %select_n3A_898[%gather3A_964] in [0] : vector<16xf32>, vector<16xi32> -> vector<16xf32>
      %select_n3A_966 = arith.select %ne3A_38, %select_n3A_930, %gather3A_965 : vector<16xi1>, vector<16xf32>
      %broadcast_in_dim3A_967 = vector.shape_cast %xor3A_16 : vector<16xi32> to vector<16x1xi32>
      %gather3A_968 = vector.shape_cast %broadcast_in_dim3A_967 : vector<16x1xi32> to vector<16xi32>
      %gather3A_969 = tpu.dynamic_gather %select_n3A_910[%gather3A_968] in [0] : vector<16xf32>, vector<16xi32> -> vector<16xf32>
      %select_n3A_970 = arith.select %ne3A_38, %gather3A_969, %select_n3A_878 : vector<16xi1>, vector<16xf32>
      %broadcast_in_dim3A_971 = vector.shape_cast %xor3A_16 : vector<16xi32> to vector<16x1xi32>
      %gather3A_972 = vector.shape_cast %broadcast_in_dim3A_971 : vector<16x1xi32> to vector<16xi32>
      %gather3A_973 = tpu.dynamic_gather %select_n3A_878[%gather3A_972] in [0] : vector<16xf32>, vector<16xi32> -> vector<16xf32>
      %select_n3A_974 = arith.select %ne3A_38, %select_n3A_910, %gather3A_973 : vector<16xi1>, vector<16xf32>
      %broadcast_in_dim3A_975 = vector.shape_cast %xor3A_16 : vector<16xi32> to vector<16x1xi32>
      %gather3A_976 = vector.shape_cast %broadcast_in_dim3A_975 : vector<16x1xi32> to vector<16xi32>
      %gather3A_977 = tpu.dynamic_gather %select_n3A_918[%gather3A_976] in [0] : vector<16xf32>, vector<16xi32> -> vector<16xf32>
      %select_n3A_978 = arith.select %ne3A_38, %gather3A_977, %select_n3A_886 : vector<16xi1>, vector<16xf32>
      %broadcast_in_dim3A_979 = vector.shape_cast %xor3A_16 : vector<16xi32> to vector<16x1xi32>
      %gather3A_980 = vector.shape_cast %broadcast_in_dim3A_979 : vector<16x1xi32> to vector<16xi32>
      %gather3A_981 = tpu.dynamic_gather %select_n3A_886[%gather3A_980] in [0] : vector<16xf32>, vector<16xi32> -> vector<16xf32>
      %select_n3A_982 = arith.select %ne3A_38, %select_n3A_918, %gather3A_981 : vector<16xi1>, vector<16xf32>
      %broadcast_in_dim3A_983 = vector.shape_cast %xor3A_16 : vector<16xi32> to vector<16x1xi32>
      %gather3A_984 = vector.shape_cast %broadcast_in_dim3A_983 : vector<16x1xi32> to vector<16xi32>
      %gather3A_985 = tpu.dynamic_gather %select_n3A_926[%gather3A_984] in [0] : vector<16xf32>, vector<16xi32> -> vector<16xf32>
      %select_n3A_986 = arith.select %ne3A_38, %gather3A_985, %select_n3A_894 : vector<16xi1>, vector<16xf32>
      %broadcast_in_dim3A_987 = vector.shape_cast %xor3A_16 : vector<16xi32> to vector<16x1xi32>
      %gather3A_988 = vector.shape_cast %broadcast_in_dim3A_987 : vector<16x1xi32> to vector<16xi32>
      %gather3A_989 = tpu.dynamic_gather %select_n3A_894[%gather3A_988] in [0] : vector<16xf32>, vector<16xi32> -> vector<16xf32>
      %select_n3A_990 = arith.select %ne3A_38, %select_n3A_926, %gather3A_989 : vector<16xi1>, vector<16xf32>
      %broadcast_in_dim3A_991 = vector.shape_cast %xor3A_16 : vector<16xi32> to vector<16x1xi32>
      %gather3A_992 = vector.shape_cast %broadcast_in_dim3A_991 : vector<16x1xi32> to vector<16xi32>
      %gather3A_993 = tpu.dynamic_gather %select_n3A_934[%gather3A_992] in [0] : vector<16xf32>, vector<16xi32> -> vector<16xf32>
      %select_n3A_994 = arith.select %ne3A_38, %gather3A_993, %select_n3A_902 : vector<16xi1>, vector<16xf32>
      %broadcast_in_dim3A_995 = vector.shape_cast %xor3A_16 : vector<16xi32> to vector<16x1xi32>
      %gather3A_996 = vector.shape_cast %broadcast_in_dim3A_995 : vector<16x1xi32> to vector<16xi32>
      %gather3A_997 = tpu.dynamic_gather %select_n3A_902[%gather3A_996] in [0] : vector<16xf32>, vector<16xi32> -> vector<16xf32>
      %select_n3A_998 = arith.select %ne3A_38, %select_n3A_934, %gather3A_997 : vector<16xi1>, vector<16xf32>
      %mul3A_999 = arith.constant 16 : i32
      %mul3A_1000 = arith.muli %scan3A_47, %mul3A_999 : i32
      %add3A_1001 = arith.constant 0 : i32
      %add3A_1002 = arith.addi %mul3A_1000, %add3A_1001 : i32
      %swap3A = arith.index_cast %add3A_1002 : i32 to index
      %swap3A_1003 = arith.constant 0 : index
      %swap3A_1004 = tpu.vector_load %arg5[%swap3A, %swap3A_1003] {strides = array<i32>} : memref<128x16xf32, #tpu.memory_space<vmem>>, vector<1x16xf32>,
      %swap3A_1005 = vector.shape_cast %swap3A_1004 : vector<1x16xf32> to vector<16xf32>
      %swap3A_1006 = vector.shape_cast %select_n3A_938 : vector<16xf32> to vector<1x16xf32>
      tpu.vector_store %arg5[%swap3A, %swap3A_1003], %swap3A_1006 {strides = array<i32>} : memref<128x16xf32, #tpu.memory_space<vmem>>, vector<1x16xf32>,
      %mul3A_1007 = arith.constant 16 : i32
      %mul3A_1008 = arith.muli %scan3A_47, %mul3A_1007 : i32
      %add3A_1009 = arith.constant 1 : i32
      %add3A_1010 = arith.addi %mul3A_1008, %add3A_1009 : i32
      %swap3A_1011 = arith.index_cast %add3A_1010 : i32 to index
      %swap3A_1012 = arith.constant 0 : index
      %swap3A_1013 = tpu.vector_load %arg5[%swap3A_1011, %swap3A_1012] {strides = array<i32>} : memref<128x16xf32, #tpu.memory_space<vmem>>, vector<1x16xf32>,
      %swap3A_1014 = vector.shape_cast %swap3A_1013 : vector<1x16xf32> to vector<16xf32>
      %swap3A_1015 = vector.shape_cast %select_n3A_946 : vector<16xf32> to vector<1x16xf32>
      tpu.vector_store %arg5[%swap3A_1011, %swap3A_1012], %swap3A_1015 {strides = array<i32>} : memref<128x16xf32, #tpu.memory_space<vmem>>, vector<1x16xf32>,
      %mul3A_1016 = arith.constant 16 : i32
      %mul3A_1017 = arith.muli %scan3A_47, %mul3A_1016 : i32
      %add3A_1018 = arith.constant 2 : i32
      %add3A_1019 = arith.addi %mul3A_1017, %add3A_1018 : i32
      %swap3A_1020 = arith.index_cast %add3A_1019 : i32 to index
      %swap3A_1021 = arith.constant 0 : index
      %swap3A_1022 = tpu.vector_load %arg5[%swap3A_1020, %swap3A_1021] {strides = array<i32>} : memref<128x16xf32, #tpu.memory_space<vmem>>, vector<1x16xf32>,
      %swap3A_1023 = vector.shape_cast %swap3A_1022 : vector<1x16xf32> to vector<16xf32>
      %swap3A_1024 = vector.shape_cast %select_n3A_954 : vector<16xf32> to vector<1x16xf32>
      tpu.vector_store %arg5[%swap3A_1020, %swap3A_1021], %swap3A_1024 {strides = array<i32>} : memref<128x16xf32, #tpu.memory_space<vmem>>, vector<1x16xf32>,
      %mul3A_1025 = arith.constant 16 : i32
      %mul3A_1026 = arith.muli %scan3A_47, %mul3A_1025 : i32
      %add3A_1027 = arith.constant 3 : i32
      %add3A_1028 = arith.addi %mul3A_1026, %add3A_1027 : i32
      %swap3A_1029 = arith.index_cast %add3A_1028 : i32 to index
      %swap3A_1030 = arith.constant 0 : index
      %swap3A_1031 = tpu.vector_load %arg5[%swap3A_1029, %swap3A_1030] {strides = array<i32>} : memref<128x16xf32, #tpu.memory_space<vmem>>, vector<1x16xf32>,
      %swap3A_1032 = vector.shape_cast %swap3A_1031 : vector<1x16xf32> to vector<16xf32>
      %swap3A_1033 = vector.shape_cast %select_n3A_962 : vector<16xf32> to vector<1x16xf32>
      tpu.vector_store %arg5[%swap3A_1029, %swap3A_1030], %swap3A_1033 {strides = array<i32>} : memref<128x16xf32, #tpu.memory_space<vmem>>, vector<1x16xf32>,
      %mul3A_1034 = arith.constant 16 : i32
      %mul3A_1035 = arith.muli %scan3A_47, %mul3A_1034 : i32
      %add3A_1036 = arith.constant 4 : i32
      %add3A_1037 = arith.addi %mul3A_1035, %add3A_1036 : i32
      %swap3A_1038 = arith.index_cast %add3A_1037 : i32 to index
      %swap3A_1039 = arith.constant 0 : index
      %swap3A_1040 = tpu.vector_load %arg5[%swap3A_1038, %swap3A_1039] {strides = array<i32>} : memref<128x16xf32, #tpu.memory_space<vmem>>, vector<1x16xf32>,
      %swap3A_1041 = vector.shape_cast %swap3A_1040 : vector<1x16xf32> to vector<16xf32>
      %swap3A_1042 = vector.shape_cast %select_n3A_970 : vector<16xf32> to vector<1x16xf32>
      tpu.vector_store %arg5[%swap3A_1038, %swap3A_1039], %swap3A_1042 {strides = array<i32>} : memref<128x16xf32, #tpu.memory_space<vmem>>, vector<1x16xf32>,
      %mul3A_1043 = arith.constant 16 : i32
      %mul3A_1044 = arith.muli %scan3A_47, %mul3A_1043 : i32
      %add3A_1045 = arith.constant 5 : i32
      %add3A_1046 = arith.addi %mul3A_1044, %add3A_1045 : i32
      %swap3A_1047 = arith.index_cast %add3A_1046 : i32 to index
      %swap3A_1048 = arith.constant 0 : index
      %swap3A_1049 = tpu.vector_load %arg5[%swap3A_1047, %swap3A_1048] {strides = array<i32>} : memref<128x16xf32, #tpu.memory_space<vmem>>, vector<1x16xf32>,
      %swap3A_1050 = vector.shape_cast %swap3A_1049 : vector<1x16xf32> to vector<16xf32>
      %swap3A_1051 = vector.shape_cast %select_n3A_978 : vector<16xf32> to vector<1x16xf32>
      tpu.vector_store %arg5[%swap3A_1047, %swap3A_1048], %swap3A_1051 {strides = array<i32>} : memref<128x16xf32, #tpu.memory_space<vmem>>, vector<1x16xf32>,
      %mul3A_1052 = arith.constant 16 : i32
      %mul3A_1053 = arith.muli %scan3A_47, %mul3A_1052 : i32
      %add3A_1054 = arith.constant 6 : i32
      %add3A_1055 = arith.addi %mul3A_1053, %add3A_1054 : i32
      %swap3A_1056 = arith.index_cast %add3A_1055 : i32 to index
      %swap3A_1057 = arith.constant 0 : index
      %swap3A_1058 = tpu.vector_load %arg5[%swap3A_1056, %swap3A_1057] {strides = array<i32>} : memref<128x16xf32, #tpu.memory_space<vmem>>, vector<1x16xf32>,
      %swap3A_1059 = vector.shape_cast %swap3A_1058 : vector<1x16xf32> to vector<16xf32>
      %swap3A_1060 = vector.shape_cast %select_n3A_986 : vector<16xf32> to vector<1x16xf32>
      tpu.vector_store %arg5[%swap3A_1056, %swap3A_1057], %swap3A_1060 {strides = array<i32>} : memref<128x16xf32, #tpu.memory_space<vmem>>, vector<1x16xf32>,
      %mul3A_1061 = arith.constant 16 : i32
      %mul3A_1062 = arith.muli %scan3A_47, %mul3A_1061 : i32
      %add3A_1063 = arith.constant 7 : i32
      %add3A_1064 = arith.addi %mul3A_1062, %add3A_1063 : i32
      %swap3A_1065 = arith.index_cast %add3A_1064 : i32 to index
      %swap3A_1066 = arith.constant 0 : index
      %swap3A_1067 = tpu.vector_load %arg5[%swap3A_1065, %swap3A_1066] {strides = array<i32>} : memref<128x16xf32, #tpu.memory_space<vmem>>, vector<1x16xf32>,
      %swap3A_1068 = vector.shape_cast %swap3A_1067 : vector<1x16xf32> to vector<16xf32>
      %swap3A_1069 = vector.shape_cast %select_n3A_994 : vector<16xf32> to vector<1x16xf32>
      tpu.vector_store %arg5[%swap3A_1065, %swap3A_1066], %swap3A_1069 {strides = array<i32>} : memref<128x16xf32, #tpu.memory_space<vmem>>, vector<1x16xf32>,
      %mul3A_1070 = arith.constant 16 : i32
      %mul3A_1071 = arith.muli %scan3A_47, %mul3A_1070 : i32
      %add3A_1072 = arith.constant 8 : i32
      %add3A_1073 = arith.addi %mul3A_1071, %add3A_1072 : i32
      %swap3A_1074 = arith.index_cast %add3A_1073 : i32 to index
      %swap3A_1075 = arith.constant 0 : index
      %swap3A_1076 = tpu.vector_load %arg5[%swap3A_1074, %swap3A_1075] {strides = array<i32>} : memref<128x16xf32, #tpu.memory_space<vmem>>, vector<1x16xf32>,
      %swap3A_1077 = vector.shape_cast %swap3A_1076 : vector<1x16xf32> to vector<16xf32>
      %swap3A_1078 = vector.shape_cast %select_n3A_942 : vector<16xf32> to vector<1x16xf32>
      tpu.vector_store %arg5[%swap3A_1074, %swap3A_1075], %swap3A_1078 {strides = array<i32>} : memref<128x16xf32, #tpu.memory_space<vmem>>, vector<1x16xf32>,
      %mul3A_1079 = arith.constant 16 : i32
      %mul3A_1080 = arith.muli %scan3A_47, %mul3A_1079 : i32
      %add3A_1081 = arith.constant 9 : i32
      %add3A_1082 = arith.addi %mul3A_1080, %add3A_1081 : i32
      %swap3A_1083 = arith.index_cast %add3A_1082 : i32 to index
      %swap3A_1084 = arith.constant 0 : index
      %swap3A_1085 = tpu.vector_load %arg5[%swap3A_1083, %swap3A_1084] {strides = array<i32>} : memref<128x16xf32, #tpu.memory_space<vmem>>, vector<1x16xf32>,
      %swap3A_1086 = vector.shape_cast %swap3A_1085 : vector<1x16xf32> to vector<16xf32>
      %swap3A_1087 = vector.shape_cast %select_n3A_950 : vector<16xf32> to vector<1x16xf32>
      tpu.vector_store %arg5[%swap3A_1083, %swap3A_1084], %swap3A_1087 {strides = array<i32>} : memref<128x16xf32, #tpu.memory_space<vmem>>, vector<1x16xf32>,
      %mul3A_1088 = arith.constant 16 : i32
      %mul3A_1089 = arith.muli %scan3A_47, %mul3A_1088 : i32
      %add3A_1090 = arith.constant 10 : i32
      %add3A_1091 = arith.addi %mul3A_1089, %add3A_1090 : i32
      %swap3A_1092 = arith.index_cast %add3A_1091 : i32 to index
      %swap3A_1093 = arith.constant 0 : index
      %swap3A_1094 = tpu.vector_load %arg5[%swap3A_1092, %swap3A_1093] {strides = array<i32>} : memref<128x16xf32, #tpu.memory_space<vmem>>, vector<1x16xf32>,
      %swap3A_1095 = vector.shape_cast %swap3A_1094 : vector<1x16xf32> to vector<16xf32>
      %swap3A_1096 = vector.shape_cast %select_n3A_958 : vector<16xf32> to vector<1x16xf32>
      tpu.vector_store %arg5[%swap3A_1092, %swap3A_1093], %swap3A_1096 {strides = array<i32>} : memref<128x16xf32, #tpu.memory_space<vmem>>, vector<1x16xf32>,
      %mul3A_1097 = arith.constant 16 : i32
      %mul3A_1098 = arith.muli %scan3A_47, %mul3A_1097 : i32
      %add3A_1099 = arith.constant 11 : i32
      %add3A_1100 = arith.addi %mul3A_1098, %add3A_1099 : i32
      %swap3A_1101 = arith.index_cast %add3A_1100 : i32 to index
      %swap3A_1102 = arith.constant 0 : index
      %swap3A_1103 = tpu.vector_load %arg5[%swap3A_1101, %swap3A_1102] {strides = array<i32>} : memref<128x16xf32, #tpu.memory_space<vmem>>, vector<1x16xf32>,
      %swap3A_1104 = vector.shape_cast %swap3A_1103 : vector<1x16xf32> to vector<16xf32>
      %swap3A_1105 = vector.shape_cast %select_n3A_966 : vector<16xf32> to vector<1x16xf32>
      tpu.vector_store %arg5[%swap3A_1101, %swap3A_1102], %swap3A_1105 {strides = array<i32>} : memref<128x16xf32, #tpu.memory_space<vmem>>, vector<1x16xf32>,
      %mul3A_1106 = arith.constant 16 : i32
      %mul3A_1107 = arith.muli %scan3A_47, %mul3A_1106 : i32
      %add3A_1108 = arith.constant 12 : i32
      %add3A_1109 = arith.addi %mul3A_1107, %add3A_1108 : i32
      %swap3A_1110 = arith.index_cast %add3A_1109 : i32 to index
      %swap3A_1111 = arith.constant 0 : index
      %swap3A_1112 = tpu.vector_load %arg5[%swap3A_1110, %swap3A_1111] {strides = array<i32>} : memref<128x16xf32, #tpu.memory_space<vmem>>, vector<1x16xf32>,
      %swap3A_1113 = vector.shape_cast %swap3A_1112 : vector<1x16xf32> to vector<16xf32>
      %swap3A_1114 = vector.shape_cast %select_n3A_974 : vector<16xf32> to vector<1x16xf32>
      tpu.vector_store %arg5[%swap3A_1110, %swap3A_1111], %swap3A_1114 {strides = array<i32>} : memref<128x16xf32, #tpu.memory_space<vmem>>, vector<1x16xf32>,
      %mul3A_1115 = arith.constant 16 : i32
      %mul3A_1116 = arith.muli %scan3A_47, %mul3A_1115 : i32
      %add3A_1117 = arith.constant 13 : i32
      %add3A_1118 = arith.addi %mul3A_1116, %add3A_1117 : i32
      %swap3A_1119 = arith.index_cast %add3A_1118 : i32 to index
      %swap3A_1120 = arith.constant 0 : index
      %swap3A_1121 = tpu.vector_load %arg5[%swap3A_1119, %swap3A_1120] {strides = array<i32>} : memref<128x16xf32, #tpu.memory_space<vmem>>, vector<1x16xf32>,
      %swap3A_1122 = vector.shape_cast %swap3A_1121 : vector<1x16xf32> to vector<16xf32>
      %swap3A_1123 = vector.shape_cast %select_n3A_982 : vector<16xf32> to vector<1x16xf32>
      tpu.vector_store %arg5[%swap3A_1119, %swap3A_1120], %swap3A_1123 {strides = array<i32>} : memref<128x16xf32, #tpu.memory_space<vmem>>, vector<1x16xf32>,
      %mul3A_1124 = arith.constant 16 : i32
      %mul3A_1125 = arith.muli %scan3A_47, %mul3A_1124 : i32
      %add3A_1126 = arith.constant 14 : i32
      %add3A_1127 = arith.addi %mul3A_1125, %add3A_1126 : i32
      %swap3A_1128 = arith.index_cast %add3A_1127 : i32 to index
      %swap3A_1129 = arith.constant 0 : index
      %swap3A_1130 = tpu.vector_load %arg5[%swap3A_1128, %swap3A_1129] {strides = array<i32>} : memref<128x16xf32, #tpu.memory_space<vmem>>, vector<1x16xf32>,
      %swap3A_1131 = vector.shape_cast %swap3A_1130 : vector<1x16xf32> to vector<16xf32>
      %swap3A_1132 = vector.shape_cast %select_n3A_990 : vector<16xf32> to vector<1x16xf32>
      tpu.vector_store %arg5[%swap3A_1128, %swap3A_1129], %swap3A_1132 {strides = array<i32>} : memref<128x16xf32, #tpu.memory_space<vmem>>, vector<1x16xf32>,
      %mul3A_1133 = arith.constant 16 : i32
      %mul3A_1134 = arith.muli %scan3A_47, %mul3A_1133 : i32
      %add3A_1135 = arith.constant 15 : i32
      %add3A_1136 = arith.addi %mul3A_1134, %add3A_1135 : i32
      %swap3A_1137 = arith.index_cast %add3A_1136 : i32 to index
      %swap3A_1138 = arith.constant 0 : index
      %swap3A_1139 = tpu.vector_load %arg5[%swap3A_1137, %swap3A_1138] {strides = array<i32>} : memref<128x16xf32, #tpu.memory_space<vmem>>, vector<1x16xf32>,
      %swap3A_1140 = vector.shape_cast %swap3A_1139 : vector<1x16xf32> to vector<16xf32>
      %swap3A_1141 = vector.shape_cast %select_n3A_998 : vector<16xf32> to vector<1x16xf32>
      tpu.vector_store %arg5[%swap3A_1137, %swap3A_1138], %swap3A_1141 {strides = array<i32>} : memref<128x16xf32, #tpu.memory_space<vmem>>, vector<1x16xf32>,
      %mul3A_1142 = arith.constant 16 : i32
      %mul3A_1143 = arith.muli %scan3A_47, %mul3A_1142 : i32
      %swap3A_1144 = arith.index_cast %mul3A_1143 : i32 to index
      %swap3A_1145 = tpu.vector_load %arg6[%swap3A_1144] {strides = array<i32>} : memref<256xi32, #tpu.memory_space<vmem>>, vector<16xi32>,
      %swap3A_1146 = vector.shape_cast %swap3A_1145 : vector<16xi32> to vector<16xi32>
      %swap3A_1147 = vector.shape_cast %select_n3A_609 : vector<16xi32> to vector<16xi32>
      tpu.vector_store %arg6[%swap3A_1144], %swap3A_1147 {strides = array<i32>} : memref<256xi32, #tpu.memory_space<vmem>>, vector<16xi32>,
      %mul3A_1148 = arith.constant 16 : i32
      %mul3A_1149 = arith.muli %scan3A_47, %mul3A_1148 : i32
      %add3A_1150 = arith.constant 128 : i32
      %add3A_1151 = arith.addi %add3A_1150, %mul3A_1149 : i32
      %swap3A_1152 = arith.index_cast %add3A_1151 : i32 to index
      %swap3A_1153 = tpu.vector_load %arg6[%swap3A_1152] {strides = array<i32>} : memref<256xi32, #tpu.memory_space<vmem>>, vector<16xi32>,
      %swap3A_1154 = vector.shape_cast %swap3A_1153 : vector<16xi32> to vector<16xi32>
      %swap3A_1155 = vector.shape_cast %select_n3A_605 : vector<16xi32> to vector<16xi32>
      tpu.vector_store %arg6[%swap3A_1152], %swap3A_1155 {strides = array<i32>} : memref<256xi32, #tpu.memory_space<vmem>>, vector<16xi32>,
      %scan3A_1156 = arith.constant 0 : i32
      scf.yield %scan3A_1156 : i32
    }
    %scan3A_44 = arith.constant 8 : i32
    "tpu.region"() ({
      %run_scoped3A = tpu.sem_alloc : memref<!tpu.dma_semaphore, #tpu.memory_space<semaphore_mem>>
      %dma_start3A = arith.constant 0 : i32
      %dma_start3A_47 = tpu.memref_slice %arg3[%mul3A_2, %dma_start3A] : memref<4096x16xf32, #tpu.memory_space<hbm>> -> memref<128x16xf32, #tpu.memory_space<hbm>>
      %dma_start3A_48 = arith.constant 0 : i32
      %dma_start3A_49 = tpu.memref_slice %arg3[%mul3A_2, %dma_start3A_48] : memref<4096x16xf32, #tpu.memory_space<hbm>> -> memref<128x16xf32, #tpu.memory_space<hbm>>
      tpu.enqueue_dma source(%arg5 : memref<128x16xf32, #tpu.memory_space<vmem>>) target(%dma_start3A_49 : memref<128x16xf32, #tpu.memory_space<hbm>>) target_semaphore(%run_scoped3A : memref<!tpu.dma_semaphore, #tpu.memory_space<semaphore_mem>>)
      %dma_wait3A = arith.constant 0 : i32
      %dma_wait3A_50 = tpu.memref_slice %arg3[%mul3A_2, %dma_wait3A] : memref<4096x16xf32, #tpu.memory_space<hbm>> -> memref<128x16xf32, #tpu.memory_space<hbm>>
      %dma_wait3A_51 = arith.constant 0 : i32
      %dma_wait3A_52 = tpu.memref_slice %arg3[%mul3A_2, %dma_wait3A_51] : memref<4096x16xf32, #tpu.memory_space<hbm>> -> memref<128x16xf32, #tpu.memory_space<hbm>>
      tpu.wait_dma2 semaphore(%run_scoped3A : memref<!tpu.dma_semaphore, #tpu.memory_space<semaphore_mem>>) src(%arg5 : memref<128x16xf32, #tpu.memory_space<vmem>>) dst(%dma_wait3A_52 : memref<128x16xf32, #tpu.memory_space<hbm>>)
      tpu.yield
    }) : () -> ()
    %mul3A_45 = arith.constant 2 : i32
    %mul3A_46 = arith.muli %mul3A_2, %mul3A_45 : i32
    "tpu.region"() ({
      %run_scoped3A = tpu.sem_alloc : memref<!tpu.dma_semaphore, #tpu.memory_space<semaphore_mem>>
      %dma_start3A = tpu.memref_slice %arg4[%mul3A_46] : memref<8192xi32, #tpu.memory_space<hbm>> -> memref<256xi32, #tpu.memory_space<hbm>>
      %dma_start3A_47 = tpu.memref_slice %arg4[%mul3A_46] : memref<8192xi32, #tpu.memory_space<hbm>> -> memref<256xi32, #tpu.memory_space<hbm>>
      tpu.enqueue_dma source(%arg6 : memref<256xi32, #tpu.memory_space<vmem>>) target(%dma_start3A_47 : memref<256xi32, #tpu.memory_space<hbm>>) target_semaphore(%run_scoped3A : memref<!tpu.dma_semaphore, #tpu.memory_space<semaphore_mem>>)
      %dma_wait3A = tpu.memref_slice %arg4[%mul3A_46] : memref<8192xi32, #tpu.memory_space<hbm>> -> memref<256xi32, #tpu.memory_space<hbm>>
      %dma_wait3A_48 = tpu.memref_slice %arg4[%mul3A_46] : memref<8192xi32, #tpu.memory_space<hbm>> -> memref<256xi32, #tpu.memory_space<hbm>>
      tpu.wait_dma2 semaphore(%run_scoped3A : memref<!tpu.dma_semaphore, #tpu.memory_space<semaphore_mem>>) src(%arg6 : memref<256xi32, #tpu.memory_space<vmem>>) dst(%dma_wait3A_48 : memref<256xi32, #tpu.memory_space<hbm>>)
      tpu.yield
    }) : () -> ()
    return
  }
}

#map = affine_map<(d0, d1) -> (0, 0)>
#map1 = affine_map<(d0, d1) -> (0)>
module attributes {stable_mosaic.version = 14 : i64} {
  func.func @route(%arg0: i32, %arg1: i32, %arg2: memref<12288x16xf32, #tpu.memory_space<hbm>>, %arg3: memref<12288x16xf32, #tpu.memory_space<hbm>>, %arg4: memref<24576xi32, #tpu.memory_space<hbm>>, %arg5: memref<384x16xf32, #tpu.memory_space<vmem>>, %arg6: memref<768xi32, #tpu.memory_space<vmem>>) attributes {dimension_semantics = [#tpu.dimension_semantics<core_parallel>, #tpu.dimension_semantics<subcore_parallel>], iteration_bounds = array<i64: 2, 16>, scalar_prefetch = 0 : i64, scratch_operands = 2 : i64, tpu.core_type = #tpu.core_type<sc_vector_subcore>, window_params = [{transform_indices = #map}, {transform_indices = #map}, {transform_indices = #map1}]} {
    %mul3A = arith.constant 2 : i32
    %mul3A_0 = arith.muli %arg1, %mul3A : i32
    %add3A = arith.addi %mul3A_0, %arg0 : i32
    %mul3A_1 = arith.constant 384 : i32
    %mul3A_2 = arith.muli %add3A, %mul3A_1 : i32
    "tpu.region"() ({
      %run_scoped3A = tpu.sem_alloc : memref<!tpu.dma_semaphore, #tpu.memory_space<semaphore_mem>>
      %dma_start3A = arith.constant 0 : i32
      %dma_start3A_47 = tpu.memref_slice %arg2[%mul3A_2, %dma_start3A] : memref<12288x16xf32, #tpu.memory_space<hbm>> -> memref<384x16xf32, #tpu.memory_space<hbm>>
      %dma_start3A_48 = arith.constant 0 : i32
      %dma_start3A_49 = tpu.memref_slice %arg2[%mul3A_2, %dma_start3A_48] : memref<12288x16xf32, #tpu.memory_space<hbm>> -> memref<384x16xf32, #tpu.memory_space<hbm>>
      tpu.enqueue_dma source(%dma_start3A_49 : memref<384x16xf32, #tpu.memory_space<hbm>>) target(%arg5 : memref<384x16xf32, #tpu.memory_space<vmem>>) target_semaphore(%run_scoped3A : memref<!tpu.dma_semaphore, #tpu.memory_space<semaphore_mem>>)
      %dma_wait3A = arith.constant 0 : i32
      %dma_wait3A_50 = tpu.memref_slice %arg2[%mul3A_2, %dma_wait3A] : memref<12288x16xf32, #tpu.memory_space<hbm>> -> memref<384x16xf32, #tpu.memory_space<hbm>>
      %dma_wait3A_51 = arith.constant 0 : i32
      %dma_wait3A_52 = tpu.memref_slice %arg2[%mul3A_2, %dma_wait3A_51] : memref<12288x16xf32, #tpu.memory_space<hbm>> -> memref<384x16xf32, #tpu.memory_space<hbm>>
      tpu.wait_dma2 semaphore(%run_scoped3A : memref<!tpu.dma_semaphore, #tpu.memory_space<semaphore_mem>>) src(%dma_wait3A_52 : memref<384x16xf32, #tpu.memory_space<hbm>>) dst(%arg5 : memref<384x16xf32, #tpu.memory_space<vmem>>)
      tpu.yield
    }) : () -> ()
    %iota3A = tpu.iota {dimensions = array<i32: 0>} : vector<16xi32>
    %broadcast_in_dim3A = arith.constant 0.000000e+00 : f32
    %broadcast_in_dim3A_3 = vector.broadcast %broadcast_in_dim3A : f32 to vector<16xf32>
    %broadcast_in_dim3A_4 = arith.constant 0 : i32
    %broadcast_in_dim3A_5 = vector.broadcast %broadcast_in_dim3A_4 : i32 to vector<16xi32>
    %xor3A = arith.constant 1 : i32
    %xor3A_6 = vector.broadcast %xor3A : i32 to vector<16xi32>
    %xor3A_7 = arith.xori %iota3A, %xor3A_6 : vector<16xi32>
    %xor3A_8 = arith.constant 2 : i32
    %xor3A_9 = vector.broadcast %xor3A_8 : i32 to vector<16xi32>
    %xor3A_10 = arith.xori %iota3A, %xor3A_9 : vector<16xi32>
    %xor3A_11 = arith.constant 4 : i32
    %xor3A_12 = vector.broadcast %xor3A_11 : i32 to vector<16xi32>
    %xor3A_13 = arith.xori %iota3A, %xor3A_12 : vector<16xi32>
    %xor3A_14 = arith.constant 8 : i32
    %xor3A_15 = vector.broadcast %xor3A_14 : i32 to vector<16xi32>
    %xor3A_16 = arith.xori %iota3A, %xor3A_15 : vector<16xi32>
    %and3A = arith.constant 1 : i32
    %and3A_17 = vector.broadcast %and3A : i32 to vector<16xi32>
    %and3A_18 = arith.andi %iota3A, %and3A_17 : vector<16xi32>
    %ne3A = arith.constant 0 : i32
    %ne3A_19 = vector.broadcast %ne3A : i32 to vector<16xi32>
    %ne3A_20 = arith.cmpi ne, %and3A_18, %ne3A_19 : vector<16xi32>
    %and3A_21 = arith.constant 2 : i32
    %and3A_22 = vector.broadcast %and3A_21 : i32 to vector<16xi32>
    %and3A_23 = arith.andi %iota3A, %and3A_22 : vector<16xi32>
    %ne3A_24 = arith.constant 0 : i32
    %ne3A_25 = vector.broadcast %ne3A_24 : i32 to vector<16xi32>
    %ne3A_26 = arith.cmpi ne, %and3A_23, %ne3A_25 : vector<16xi32>
    %and3A_27 = arith.constant 4 : i32
    %and3A_28 = vector.broadcast %and3A_27 : i32 to vector<16xi32>
    %and3A_29 = arith.andi %iota3A, %and3A_28 : vector<16xi32>
    %ne3A_30 = arith.constant 0 : i32
    %ne3A_31 = vector.broadcast %ne3A_30 : i32 to vector<16xi32>
    %ne3A_32 = arith.cmpi ne, %and3A_29, %ne3A_31 : vector<16xi32>
    %and3A_33 = arith.constant 8 : i32
    %and3A_34 = vector.broadcast %and3A_33 : i32 to vector<16xi32>
    %and3A_35 = arith.andi %iota3A, %and3A_34 : vector<16xi32>
    %ne3A_36 = arith.constant 0 : i32
    %ne3A_37 = vector.broadcast %ne3A_36 : i32 to vector<16xi32>
    %ne3A_38 = arith.cmpi ne, %and3A_35, %ne3A_37 : vector<16xi32>
    %scan3A = arith.constant 0 : i32
    %scan3A_39 = arith.constant 0 : i32
    %scan3A_40 = arith.constant 24 : i32
    %scan3A_41 = arith.addi %scan3A_39, %scan3A_40 : i32
    %scan3A_42 = arith.constant 1 : i32
    %scan3A_43 = scf.for %scan3A_47 = %scan3A_39 to %scan3A_41 step %scan3A_42 iter_args(%scan3A_48 = %scan3A) -> (i32)  : i32 {
      %mul3A_49 = arith.constant 16 : i32
      %mul3A_50 = arith.muli %scan3A_47, %mul3A_49 : i32
      %add3A_51 = arith.constant 0 : i32
      %add3A_52 = arith.addi %mul3A_50, %add3A_51 : i32
      %get3A = arith.index_cast %add3A_52 : i32 to index
      %get3A_53 = arith.constant 0 : index
      %get3A_54 = tpu.vector_load %arg5[%get3A, %get3A_53] {strides = array<i32>} : memref<384x16xf32, #tpu.memory_space<vmem>>, vector<1x16xf32>,
      %get3A_55 = vector.shape_cast %get3A_54 : vector<1x16xf32> to vector<16xf32>
      %mul3A_56 = arith.constant 16 : i32
      %mul3A_57 = arith.muli %scan3A_47, %mul3A_56 : i32
      %add3A_58 = arith.constant 1 : i32
      %add3A_59 = arith.addi %mul3A_57, %add3A_58 : i32
      %get3A_60 = arith.index_cast %add3A_59 : i32 to index
      %get3A_61 = arith.constant 0 : index
      %get3A_62 = tpu.vector_load %arg5[%get3A_60, %get3A_61] {strides = array<i32>} : memref<384x16xf32, #tpu.memory_space<vmem>>, vector<1x16xf32>,
      %get3A_63 = vector.shape_cast %get3A_62 : vector<1x16xf32> to vector<16xf32>
      %mul3A_64 = arith.constant 16 : i32
      %mul3A_65 = arith.muli %scan3A_47, %mul3A_64 : i32
      %add3A_66 = arith.constant 2 : i32
      %add3A_67 = arith.addi %mul3A_65, %add3A_66 : i32
      %get3A_68 = arith.index_cast %add3A_67 : i32 to index
      %get3A_69 = arith.constant 0 : index
      %get3A_70 = tpu.vector_load %arg5[%get3A_68, %get3A_69] {strides = array<i32>} : memref<384x16xf32, #tpu.memory_space<vmem>>, vector<1x16xf32>,
      %get3A_71 = vector.shape_cast %get3A_70 : vector<1x16xf32> to vector<16xf32>
      %mul3A_72 = arith.constant 16 : i32
      %mul3A_73 = arith.muli %scan3A_47, %mul3A_72 : i32
      %add3A_74 = arith.constant 3 : i32
      %add3A_75 = arith.addi %mul3A_73, %add3A_74 : i32
      %get3A_76 = arith.index_cast %add3A_75 : i32 to index
      %get3A_77 = arith.constant 0 : index
      %get3A_78 = tpu.vector_load %arg5[%get3A_76, %get3A_77] {strides = array<i32>} : memref<384x16xf32, #tpu.memory_space<vmem>>, vector<1x16xf32>,
      %get3A_79 = vector.shape_cast %get3A_78 : vector<1x16xf32> to vector<16xf32>
      %mul3A_80 = arith.constant 16 : i32
      %mul3A_81 = arith.muli %scan3A_47, %mul3A_80 : i32
      %add3A_82 = arith.constant 4 : i32
      %add3A_83 = arith.addi %mul3A_81, %add3A_82 : i32
      %get3A_84 = arith.index_cast %add3A_83 : i32 to index
      %get3A_85 = arith.constant 0 : index
      %get3A_86 = tpu.vector_load %arg5[%get3A_84, %get3A_85] {strides = array<i32>} : memref<384x16xf32, #tpu.memory_space<vmem>>, vector<1x16xf32>,
      %get3A_87 = vector.shape_cast %get3A_86 : vector<1x16xf32> to vector<16xf32>
      %mul3A_88 = arith.constant 16 : i32
      %mul3A_89 = arith.muli %scan3A_47, %mul3A_88 : i32
      %add3A_90 = arith.constant 5 : i32
      %add3A_91 = arith.addi %mul3A_89, %add3A_90 : i32
      %get3A_92 = arith.index_cast %add3A_91 : i32 to index
      %get3A_93 = arith.constant 0 : index
      %get3A_94 = tpu.vector_load %arg5[%get3A_92, %get3A_93] {strides = array<i32>} : memref<384x16xf32, #tpu.memory_space<vmem>>, vector<1x16xf32>,
      %get3A_95 = vector.shape_cast %get3A_94 : vector<1x16xf32> to vector<16xf32>
      %mul3A_96 = arith.constant 16 : i32
      %mul3A_97 = arith.muli %scan3A_47, %mul3A_96 : i32
      %add3A_98 = arith.constant 6 : i32
      %add3A_99 = arith.addi %mul3A_97, %add3A_98 : i32
      %get3A_100 = arith.index_cast %add3A_99 : i32 to index
      %get3A_101 = arith.constant 0 : index
      %get3A_102 = tpu.vector_load %arg5[%get3A_100, %get3A_101] {strides = array<i32>} : memref<384x16xf32, #tpu.memory_space<vmem>>, vector<1x16xf32>,
      %get3A_103 = vector.shape_cast %get3A_102 : vector<1x16xf32> to vector<16xf32>
      %mul3A_104 = arith.constant 16 : i32
      %mul3A_105 = arith.muli %scan3A_47, %mul3A_104 : i32
      %add3A_106 = arith.constant 7 : i32
      %add3A_107 = arith.addi %mul3A_105, %add3A_106 : i32
      %get3A_108 = arith.index_cast %add3A_107 : i32 to index
      %get3A_109 = arith.constant 0 : index
      %get3A_110 = tpu.vector_load %arg5[%get3A_108, %get3A_109] {strides = array<i32>} : memref<384x16xf32, #tpu.memory_space<vmem>>, vector<1x16xf32>,
      %get3A_111 = vector.shape_cast %get3A_110 : vector<1x16xf32> to vector<16xf32>
      %mul3A_112 = arith.constant 16 : i32
      %mul3A_113 = arith.muli %scan3A_47, %mul3A_112 : i32
      %add3A_114 = arith.constant 8 : i32
      %add3A_115 = arith.addi %mul3A_113, %add3A_114 : i32
      %get3A_116 = arith.index_cast %add3A_115 : i32 to index
      %get3A_117 = arith.constant 0 : index
      %get3A_118 = tpu.vector_load %arg5[%get3A_116, %get3A_117] {strides = array<i32>} : memref<384x16xf32, #tpu.memory_space<vmem>>, vector<1x16xf32>,
      %get3A_119 = vector.shape_cast %get3A_118 : vector<1x16xf32> to vector<16xf32>
      %mul3A_120 = arith.constant 16 : i32
      %mul3A_121 = arith.muli %scan3A_47, %mul3A_120 : i32
      %add3A_122 = arith.constant 9 : i32
      %add3A_123 = arith.addi %mul3A_121, %add3A_122 : i32
      %get3A_124 = arith.index_cast %add3A_123 : i32 to index
      %get3A_125 = arith.constant 0 : index
      %get3A_126 = tpu.vector_load %arg5[%get3A_124, %get3A_125] {strides = array<i32>} : memref<384x16xf32, #tpu.memory_space<vmem>>, vector<1x16xf32>,
      %get3A_127 = vector.shape_cast %get3A_126 : vector<1x16xf32> to vector<16xf32>
      %mul3A_128 = arith.constant 16 : i32
      %mul3A_129 = arith.muli %scan3A_47, %mul3A_128 : i32
      %add3A_130 = arith.constant 10 : i32
      %add3A_131 = arith.addi %mul3A_129, %add3A_130 : i32
      %get3A_132 = arith.index_cast %add3A_131 : i32 to index
      %get3A_133 = arith.constant 0 : index
      %get3A_134 = tpu.vector_load %arg5[%get3A_132, %get3A_133] {strides = array<i32>} : memref<384x16xf32, #tpu.memory_space<vmem>>, vector<1x16xf32>,
      %get3A_135 = vector.shape_cast %get3A_134 : vector<1x16xf32> to vector<16xf32>
      %mul3A_136 = arith.constant 16 : i32
      %mul3A_137 = arith.muli %scan3A_47, %mul3A_136 : i32
      %add3A_138 = arith.constant 11 : i32
      %add3A_139 = arith.addi %mul3A_137, %add3A_138 : i32
      %get3A_140 = arith.index_cast %add3A_139 : i32 to index
      %get3A_141 = arith.constant 0 : index
      %get3A_142 = tpu.vector_load %arg5[%get3A_140, %get3A_141] {strides = array<i32>} : memref<384x16xf32, #tpu.memory_space<vmem>>, vector<1x16xf32>,
      %get3A_143 = vector.shape_cast %get3A_142 : vector<1x16xf32> to vector<16xf32>
      %mul3A_144 = arith.constant 16 : i32
      %mul3A_145 = arith.muli %scan3A_47, %mul3A_144 : i32
      %add3A_146 = arith.constant 12 : i32
      %add3A_147 = arith.addi %mul3A_145, %add3A_146 : i32
      %get3A_148 = arith.index_cast %add3A_147 : i32 to index
      %get3A_149 = arith.constant 0 : index
      %get3A_150 = tpu.vector_load %arg5[%get3A_148, %get3A_149] {strides = array<i32>} : memref<384x16xf32, #tpu.memory_space<vmem>>, vector<1x16xf32>,
      %get3A_151 = vector.shape_cast %get3A_150 : vector<1x16xf32> to vector<16xf32>
      %mul3A_152 = arith.constant 16 : i32
      %mul3A_153 = arith.muli %scan3A_47, %mul3A_152 : i32
      %add3A_154 = arith.constant 13 : i32
      %add3A_155 = arith.addi %mul3A_153, %add3A_154 : i32
      %get3A_156 = arith.index_cast %add3A_155 : i32 to index
      %get3A_157 = arith.constant 0 : index
      %get3A_158 = tpu.vector_load %arg5[%get3A_156, %get3A_157] {strides = array<i32>} : memref<384x16xf32, #tpu.memory_space<vmem>>, vector<1x16xf32>,
      %get3A_159 = vector.shape_cast %get3A_158 : vector<1x16xf32> to vector<16xf32>
      %mul3A_160 = arith.constant 16 : i32
      %mul3A_161 = arith.muli %scan3A_47, %mul3A_160 : i32
      %add3A_162 = arith.constant 14 : i32
      %add3A_163 = arith.addi %mul3A_161, %add3A_162 : i32
      %get3A_164 = arith.index_cast %add3A_163 : i32 to index
      %get3A_165 = arith.constant 0 : index
      %get3A_166 = tpu.vector_load %arg5[%get3A_164, %get3A_165] {strides = array<i32>} : memref<384x16xf32, #tpu.memory_space<vmem>>, vector<1x16xf32>,
      %get3A_167 = vector.shape_cast %get3A_166 : vector<1x16xf32> to vector<16xf32>
      %mul3A_168 = arith.constant 16 : i32
      %mul3A_169 = arith.muli %scan3A_47, %mul3A_168 : i32
      %add3A_170 = arith.constant 15 : i32
      %add3A_171 = arith.addi %mul3A_169, %add3A_170 : i32
      %get3A_172 = arith.index_cast %add3A_171 : i32 to index
      %get3A_173 = arith.constant 0 : index
      %get3A_174 = tpu.vector_load %arg5[%get3A_172, %get3A_173] {strides = array<i32>} : memref<384x16xf32, #tpu.memory_space<vmem>>, vector<1x16xf32>,
      %get3A_175 = vector.shape_cast %get3A_174 : vector<1x16xf32> to vector<16xf32>
      %broadcast_in_dim3A_176 = vector.shape_cast %xor3A_7 : vector<16xi32> to vector<16x1xi32>
      %gather3A = vector.shape_cast %broadcast_in_dim3A_176 : vector<16x1xi32> to vector<16xi32>
      %gather3A_177 = tpu.dynamic_gather %get3A_63[%gather3A] in [0] : vector<16xf32>, vector<16xi32> -> vector<16xf32>
      %select_n3A = arith.select %ne3A_20, %gather3A_177, %get3A_55 : vector<16xi1>, vector<16xf32>
      %broadcast_in_dim3A_178 = vector.shape_cast %xor3A_7 : vector<16xi32> to vector<16x1xi32>
      %gather3A_179 = vector.shape_cast %broadcast_in_dim3A_178 : vector<16x1xi32> to vector<16xi32>
      %gather3A_180 = tpu.dynamic_gather %get3A_55[%gather3A_179] in [0] : vector<16xf32>, vector<16xi32> -> vector<16xf32>
      %select_n3A_181 = arith.select %ne3A_20, %get3A_63, %gather3A_180 : vector<16xi1>, vector<16xf32>
      %broadcast_in_dim3A_182 = vector.shape_cast %xor3A_7 : vector<16xi32> to vector<16x1xi32>
      %gather3A_183 = vector.shape_cast %broadcast_in_dim3A_182 : vector<16x1xi32> to vector<16xi32>
      %gather3A_184 = tpu.dynamic_gather %get3A_79[%gather3A_183] in [0] : vector<16xf32>, vector<16xi32> -> vector<16xf32>
      %select_n3A_185 = arith.select %ne3A_20, %gather3A_184, %get3A_71 : vector<16xi1>, vector<16xf32>
      %broadcast_in_dim3A_186 = vector.shape_cast %xor3A_7 : vector<16xi32> to vector<16x1xi32>
      %gather3A_187 = vector.shape_cast %broadcast_in_dim3A_186 : vector<16x1xi32> to vector<16xi32>
      %gather3A_188 = tpu.dynamic_gather %get3A_71[%gather3A_187] in [0] : vector<16xf32>, vector<16xi32> -> vector<16xf32>
      %select_n3A_189 = arith.select %ne3A_20, %get3A_79, %gather3A_188 : vector<16xi1>, vector<16xf32>
      %broadcast_in_dim3A_190 = vector.shape_cast %xor3A_7 : vector<16xi32> to vector<16x1xi32>
      %gather3A_191 = vector.shape_cast %broadcast_in_dim3A_190 : vector<16x1xi32> to vector<16xi32>
      %gather3A_192 = tpu.dynamic_gather %get3A_95[%gather3A_191] in [0] : vector<16xf32>, vector<16xi32> -> vector<16xf32>
      %select_n3A_193 = arith.select %ne3A_20, %gather3A_192, %get3A_87 : vector<16xi1>, vector<16xf32>
      %broadcast_in_dim3A_194 = vector.shape_cast %xor3A_7 : vector<16xi32> to vector<16x1xi32>
      %gather3A_195 = vector.shape_cast %broadcast_in_dim3A_194 : vector<16x1xi32> to vector<16xi32>
      %gather3A_196 = tpu.dynamic_gather %get3A_87[%gather3A_195] in [0] : vector<16xf32>, vector<16xi32> -> vector<16xf32>
      %select_n3A_197 = arith.select %ne3A_20, %get3A_95, %gather3A_196 : vector<16xi1>, vector<16xf32>
      %broadcast_in_dim3A_198 = vector.shape_cast %xor3A_7 : vector<16xi32> to vector<16x1xi32>
      %gather3A_199 = vector.shape_cast %broadcast_in_dim3A_198 : vector<16x1xi32> to vector<16xi32>
      %gather3A_200 = tpu.dynamic_gather %get3A_111[%gather3A_199] in [0] : vector<16xf32>, vector<16xi32> -> vector<16xf32>
      %select_n3A_201 = arith.select %ne3A_20, %gather3A_200, %get3A_103 : vector<16xi1>, vector<16xf32>
      %broadcast_in_dim3A_202 = vector.shape_cast %xor3A_7 : vector<16xi32> to vector<16x1xi32>
      %gather3A_203 = vector.shape_cast %broadcast_in_dim3A_202 : vector<16x1xi32> to vector<16xi32>
      %gather3A_204 = tpu.dynamic_gather %get3A_103[%gather3A_203] in [0] : vector<16xf32>, vector<16xi32> -> vector<16xf32>
      %select_n3A_205 = arith.select %ne3A_20, %get3A_111, %gather3A_204 : vector<16xi1>, vector<16xf32>
      %broadcast_in_dim3A_206 = vector.shape_cast %xor3A_7 : vector<16xi32> to vector<16x1xi32>
      %gather3A_207 = vector.shape_cast %broadcast_in_dim3A_206 : vector<16x1xi32> to vector<16xi32>
      %gather3A_208 = tpu.dynamic_gather %get3A_127[%gather3A_207] in [0] : vector<16xf32>, vector<16xi32> -> vector<16xf32>
      %select_n3A_209 = arith.select %ne3A_20, %gather3A_208, %get3A_119 : vector<16xi1>, vector<16xf32>
      %broadcast_in_dim3A_210 = vector.shape_cast %xor3A_7 : vector<16xi32> to vector<16x1xi32>
      %gather3A_211 = vector.shape_cast %broadcast_in_dim3A_210 : vector<16x1xi32> to vector<16xi32>
      %gather3A_212 = tpu.dynamic_gather %get3A_119[%gather3A_211] in [0] : vector<16xf32>, vector<16xi32> -> vector<16xf32>
      %select_n3A_213 = arith.select %ne3A_20, %get3A_127, %gather3A_212 : vector<16xi1>, vector<16xf32>
      %broadcast_in_dim3A_214 = vector.shape_cast %xor3A_7 : vector<16xi32> to vector<16x1xi32>
      %gather3A_215 = vector.shape_cast %broadcast_in_dim3A_214 : vector<16x1xi32> to vector<16xi32>
      %gather3A_216 = tpu.dynamic_gather %get3A_143[%gather3A_215] in [0] : vector<16xf32>, vector<16xi32> -> vector<16xf32>
      %select_n3A_217 = arith.select %ne3A_20, %gather3A_216, %get3A_135 : vector<16xi1>, vector<16xf32>
      %broadcast_in_dim3A_218 = vector.shape_cast %xor3A_7 : vector<16xi32> to vector<16x1xi32>
      %gather3A_219 = vector.shape_cast %broadcast_in_dim3A_218 : vector<16x1xi32> to vector<16xi32>
      %gather3A_220 = tpu.dynamic_gather %get3A_135[%gather3A_219] in [0] : vector<16xf32>, vector<16xi32> -> vector<16xf32>
      %select_n3A_221 = arith.select %ne3A_20, %get3A_143, %gather3A_220 : vector<16xi1>, vector<16xf32>
      %broadcast_in_dim3A_222 = vector.shape_cast %xor3A_7 : vector<16xi32> to vector<16x1xi32>
      %gather3A_223 = vector.shape_cast %broadcast_in_dim3A_222 : vector<16x1xi32> to vector<16xi32>
      %gather3A_224 = tpu.dynamic_gather %get3A_159[%gather3A_223] in [0] : vector<16xf32>, vector<16xi32> -> vector<16xf32>
      %select_n3A_225 = arith.select %ne3A_20, %gather3A_224, %get3A_151 : vector<16xi1>, vector<16xf32>
      %broadcast_in_dim3A_226 = vector.shape_cast %xor3A_7 : vector<16xi32> to vector<16x1xi32>
      %gather3A_227 = vector.shape_cast %broadcast_in_dim3A_226 : vector<16x1xi32> to vector<16xi32>
      %gather3A_228 = tpu.dynamic_gather %get3A_151[%gather3A_227] in [0] : vector<16xf32>, vector<16xi32> -> vector<16xf32>
      %select_n3A_229 = arith.select %ne3A_20, %get3A_159, %gather3A_228 : vector<16xi1>, vector<16xf32>
      %broadcast_in_dim3A_230 = vector.shape_cast %xor3A_7 : vector<16xi32> to vector<16x1xi32>
      %gather3A_231 = vector.shape_cast %broadcast_in_dim3A_230 : vector<16x1xi32> to vector<16xi32>
      %gather3A_232 = tpu.dynamic_gather %get3A_175[%gather3A_231] in [0] : vector<16xf32>, vector<16xi32> -> vector<16xf32>
      %select_n3A_233 = arith.select %ne3A_20, %gather3A_232, %get3A_167 : vector<16xi1>, vector<16xf32>
      %broadcast_in_dim3A_234 = vector.shape_cast %xor3A_7 : vector<16xi32> to vector<16x1xi32>
      %gather3A_235 = vector.shape_cast %broadcast_in_dim3A_234 : vector<16x1xi32> to vector<16xi32>
      %gather3A_236 = tpu.dynamic_gather %get3A_167[%gather3A_235] in [0] : vector<16xf32>, vector<16xi32> -> vector<16xf32>
      %select_n3A_237 = arith.select %ne3A_20, %get3A_175, %gather3A_236 : vector<16xi1>, vector<16xf32>
      %broadcast_in_dim3A_238 = vector.shape_cast %xor3A_10 : vector<16xi32> to vector<16x1xi32>
      %gather3A_239 = vector.shape_cast %broadcast_in_dim3A_238 : vector<16x1xi32> to vector<16xi32>
      %gather3A_240 = tpu.dynamic_gather %select_n3A_185[%gather3A_239] in [0] : vector<16xf32>, vector<16xi32> -> vector<16xf32>
      %select_n3A_241 = arith.select %ne3A_26, %gather3A_240, %select_n3A : vector<16xi1>, vector<16xf32>
      %broadcast_in_dim3A_242 = vector.shape_cast %xor3A_10 : vector<16xi32> to vector<16x1xi32>
      %gather3A_243 = vector.shape_cast %broadcast_in_dim3A_242 : vector<16x1xi32> to vector<16xi32>
      %gather3A_244 = tpu.dynamic_gather %select_n3A[%gather3A_243] in [0] : vector<16xf32>, vector<16xi32> -> vector<16xf32>
      %select_n3A_245 = arith.select %ne3A_26, %select_n3A_185, %gather3A_244 : vector<16xi1>, vector<16xf32>
      %broadcast_in_dim3A_246 = vector.shape_cast %xor3A_10 : vector<16xi32> to vector<16x1xi32>
      %gather3A_247 = vector.shape_cast %broadcast_in_dim3A_246 : vector<16x1xi32> to vector<16xi32>
      %gather3A_248 = tpu.dynamic_gather %select_n3A_189[%gather3A_247] in [0] : vector<16xf32>, vector<16xi32> -> vector<16xf32>
      %select_n3A_249 = arith.select %ne3A_26, %gather3A_248, %select_n3A_181 : vector<16xi1>, vector<16xf32>
      %broadcast_in_dim3A_250 = vector.shape_cast %xor3A_10 : vector<16xi32> to vector<16x1xi32>
      %gather3A_251 = vector.shape_cast %broadcast_in_dim3A_250 : vector<16x1xi32> to vector<16xi32>
      %gather3A_252 = tpu.dynamic_gather %select_n3A_181[%gather3A_251] in [0] : vector<16xf32>, vector<16xi32> -> vector<16xf32>
      %select_n3A_253 = arith.select %ne3A_26, %select_n3A_189, %gather3A_252 : vector<16xi1>, vector<16xf32>
      %broadcast_in_dim3A_254 = vector.shape_cast %xor3A_10 : vector<16xi32> to vector<16x1xi32>
      %gather3A_255 = vector.shape_cast %broadcast_in_dim3A_254 : vector<16x1xi32> to vector<16xi32>
      %gather3A_256 = tpu.dynamic_gather %select_n3A_201[%gather3A_255] in [0] : vector<16xf32>, vector<16xi32> -> vector<16xf32>
      %select_n3A_257 = arith.select %ne3A_26, %gather3A_256, %select_n3A_193 : vector<16xi1>, vector<16xf32>
      %broadcast_in_dim3A_258 = vector.shape_cast %xor3A_10 : vector<16xi32> to vector<16x1xi32>
      %gather3A_259 = vector.shape_cast %broadcast_in_dim3A_258 : vector<16x1xi32> to vector<16xi32>
      %gather3A_260 = tpu.dynamic_gather %select_n3A_193[%gather3A_259] in [0] : vector<16xf32>, vector<16xi32> -> vector<16xf32>
      %select_n3A_261 = arith.select %ne3A_26, %select_n3A_201, %gather3A_260 : vector<16xi1>, vector<16xf32>
      %broadcast_in_dim3A_262 = vector.shape_cast %xor3A_10 : vector<16xi32> to vector<16x1xi32>
      %gather3A_263 = vector.shape_cast %broadcast_in_dim3A_262 : vector<16x1xi32> to vector<16xi32>
      %gather3A_264 = tpu.dynamic_gather %select_n3A_205[%gather3A_263] in [0] : vector<16xf32>, vector<16xi32> -> vector<16xf32>
      %select_n3A_265 = arith.select %ne3A_26, %gather3A_264, %select_n3A_197 : vector<16xi1>, vector<16xf32>
      %broadcast_in_dim3A_266 = vector.shape_cast %xor3A_10 : vector<16xi32> to vector<16x1xi32>
      %gather3A_267 = vector.shape_cast %broadcast_in_dim3A_266 : vector<16x1xi32> to vector<16xi32>
      %gather3A_268 = tpu.dynamic_gather %select_n3A_197[%gather3A_267] in [0] : vector<16xf32>, vector<16xi32> -> vector<16xf32>
      %select_n3A_269 = arith.select %ne3A_26, %select_n3A_205, %gather3A_268 : vector<16xi1>, vector<16xf32>
      %broadcast_in_dim3A_270 = vector.shape_cast %xor3A_10 : vector<16xi32> to vector<16x1xi32>
      %gather3A_271 = vector.shape_cast %broadcast_in_dim3A_270 : vector<16x1xi32> to vector<16xi32>
      %gather3A_272 = tpu.dynamic_gather %select_n3A_217[%gather3A_271] in [0] : vector<16xf32>, vector<16xi32> -> vector<16xf32>
      %select_n3A_273 = arith.select %ne3A_26, %gather3A_272, %select_n3A_209 : vector<16xi1>, vector<16xf32>
      %broadcast_in_dim3A_274 = vector.shape_cast %xor3A_10 : vector<16xi32> to vector<16x1xi32>
      %gather3A_275 = vector.shape_cast %broadcast_in_dim3A_274 : vector<16x1xi32> to vector<16xi32>
      %gather3A_276 = tpu.dynamic_gather %select_n3A_209[%gather3A_275] in [0] : vector<16xf32>, vector<16xi32> -> vector<16xf32>
      %select_n3A_277 = arith.select %ne3A_26, %select_n3A_217, %gather3A_276 : vector<16xi1>, vector<16xf32>
      %broadcast_in_dim3A_278 = vector.shape_cast %xor3A_10 : vector<16xi32> to vector<16x1xi32>
      %gather3A_279 = vector.shape_cast %broadcast_in_dim3A_278 : vector<16x1xi32> to vector<16xi32>
      %gather3A_280 = tpu.dynamic_gather %select_n3A_221[%gather3A_279] in [0] : vector<16xf32>, vector<16xi32> -> vector<16xf32>
      %select_n3A_281 = arith.select %ne3A_26, %gather3A_280, %select_n3A_213 : vector<16xi1>, vector<16xf32>
      %broadcast_in_dim3A_282 = vector.shape_cast %xor3A_10 : vector<16xi32> to vector<16x1xi32>
      %gather3A_283 = vector.shape_cast %broadcast_in_dim3A_282 : vector<16x1xi32> to vector<16xi32>
      %gather3A_284 = tpu.dynamic_gather %select_n3A_213[%gather3A_283] in [0] : vector<16xf32>, vector<16xi32> -> vector<16xf32>
      %select_n3A_285 = arith.select %ne3A_26, %select_n3A_221, %gather3A_284 : vector<16xi1>, vector<16xf32>
      %broadcast_in_dim3A_286 = vector.shape_cast %xor3A_10 : vector<16xi32> to vector<16x1xi32>
      %gather3A_287 = vector.shape_cast %broadcast_in_dim3A_286 : vector<16x1xi32> to vector<16xi32>
      %gather3A_288 = tpu.dynamic_gather %select_n3A_233[%gather3A_287] in [0] : vector<16xf32>, vector<16xi32> -> vector<16xf32>
      %select_n3A_289 = arith.select %ne3A_26, %gather3A_288, %select_n3A_225 : vector<16xi1>, vector<16xf32>
      %broadcast_in_dim3A_290 = vector.shape_cast %xor3A_10 : vector<16xi32> to vector<16x1xi32>
      %gather3A_291 = vector.shape_cast %broadcast_in_dim3A_290 : vector<16x1xi32> to vector<16xi32>
      %gather3A_292 = tpu.dynamic_gather %select_n3A_225[%gather3A_291] in [0] : vector<16xf32>, vector<16xi32> -> vector<16xf32>
      %select_n3A_293 = arith.select %ne3A_26, %select_n3A_233, %gather3A_292 : vector<16xi1>, vector<16xf32>
      %broadcast_in_dim3A_294 = vector.shape_cast %xor3A_10 : vector<16xi32> to vector<16x1xi32>
      %gather3A_295 = vector.shape_cast %broadcast_in_dim3A_294 : vector<16x1xi32> to vector<16xi32>
      %gather3A_296 = tpu.dynamic_gather %select_n3A_237[%gather3A_295] in [0] : vector<16xf32>, vector<16xi32> -> vector<16xf32>
      %select_n3A_297 = arith.select %ne3A_26, %gather3A_296, %select_n3A_229 : vector<16xi1>, vector<16xf32>
      %broadcast_in_dim3A_298 = vector.shape_cast %xor3A_10 : vector<16xi32> to vector<16x1xi32>
      %gather3A_299 = vector.shape_cast %broadcast_in_dim3A_298 : vector<16x1xi32> to vector<16xi32>
      %gather3A_300 = tpu.dynamic_gather %select_n3A_229[%gather3A_299] in [0] : vector<16xf32>, vector<16xi32> -> vector<16xf32>
      %select_n3A_301 = arith.select %ne3A_26, %select_n3A_237, %gather3A_300 : vector<16xi1>, vector<16xf32>
      %broadcast_in_dim3A_302 = vector.shape_cast %xor3A_13 : vector<16xi32> to vector<16x1xi32>
      %gather3A_303 = vector.shape_cast %broadcast_in_dim3A_302 : vector<16x1xi32> to vector<16xi32>
      %gather3A_304 = tpu.dynamic_gather %select_n3A_257[%gather3A_303] in [0] : vector<16xf32>, vector<16xi32> -> vector<16xf32>
      %select_n3A_305 = arith.select %ne3A_32, %gather3A_304, %select_n3A_241 : vector<16xi1>, vector<16xf32>
      %broadcast_in_dim3A_306 = vector.shape_cast %xor3A_13 : vector<16xi32> to vector<16x1xi32>
      %gather3A_307 = vector.shape_cast %broadcast_in_dim3A_306 : vector<16x1xi32> to vector<16xi32>
      %gather3A_308 = tpu.dynamic_gather %select_n3A_241[%gather3A_307] in [0] : vector<16xf32>, vector<16xi32> -> vector<16xf32>
      %select_n3A_309 = arith.select %ne3A_32, %select_n3A_257, %gather3A_308 : vector<16xi1>, vector<16xf32>
      %broadcast_in_dim3A_310 = vector.shape_cast %xor3A_13 : vector<16xi32> to vector<16x1xi32>
      %gather3A_311 = vector.shape_cast %broadcast_in_dim3A_310 : vector<16x1xi32> to vector<16xi32>
      %gather3A_312 = tpu.dynamic_gather %select_n3A_265[%gather3A_311] in [0] : vector<16xf32>, vector<16xi32> -> vector<16xf32>
      %select_n3A_313 = arith.select %ne3A_32, %gather3A_312, %select_n3A_249 : vector<16xi1>, vector<16xf32>
      %broadcast_in_dim3A_314 = vector.shape_cast %xor3A_13 : vector<16xi32> to vector<16x1xi32>
      %gather3A_315 = vector.shape_cast %broadcast_in_dim3A_314 : vector<16x1xi32> to vector<16xi32>
      %gather3A_316 = tpu.dynamic_gather %select_n3A_249[%gather3A_315] in [0] : vector<16xf32>, vector<16xi32> -> vector<16xf32>
      %select_n3A_317 = arith.select %ne3A_32, %select_n3A_265, %gather3A_316 : vector<16xi1>, vector<16xf32>
      %broadcast_in_dim3A_318 = vector.shape_cast %xor3A_13 : vector<16xi32> to vector<16x1xi32>
      %gather3A_319 = vector.shape_cast %broadcast_in_dim3A_318 : vector<16x1xi32> to vector<16xi32>
      %gather3A_320 = tpu.dynamic_gather %select_n3A_261[%gather3A_319] in [0] : vector<16xf32>, vector<16xi32> -> vector<16xf32>
      %select_n3A_321 = arith.select %ne3A_32, %gather3A_320, %select_n3A_245 : vector<16xi1>, vector<16xf32>
      %broadcast_in_dim3A_322 = vector.shape_cast %xor3A_13 : vector<16xi32> to vector<16x1xi32>
      %gather3A_323 = vector.shape_cast %broadcast_in_dim3A_322 : vector<16x1xi32> to vector<16xi32>
      %gather3A_324 = tpu.dynamic_gather %select_n3A_245[%gather3A_323] in [0] : vector<16xf32>, vector<16xi32> -> vector<16xf32>
      %select_n3A_325 = arith.select %ne3A_32, %select_n3A_261, %gather3A_324 : vector<16xi1>, vector<16xf32>
      %broadcast_in_dim3A_326 = vector.shape_cast %xor3A_13 : vector<16xi32> to vector<16x1xi32>
      %gather3A_327 = vector.shape_cast %broadcast_in_dim3A_326 : vector<16x1xi32> to vector<16xi32>
      %gather3A_328 = tpu.dynamic_gather %select_n3A_269[%gather3A_327] in [0] : vector<16xf32>, vector<16xi32> -> vector<16xf32>
      %select_n3A_329 = arith.select %ne3A_32, %gather3A_328, %select_n3A_253 : vector<16xi1>, vector<16xf32>
      %broadcast_in_dim3A_330 = vector.shape_cast %xor3A_13 : vector<16xi32> to vector<16x1xi32>
      %gather3A_331 = vector.shape_cast %broadcast_in_dim3A_330 : vector<16x1xi32> to vector<16xi32>
      %gather3A_332 = tpu.dynamic_gather %select_n3A_253[%gather3A_331] in [0] : vector<16xf32>, vector<16xi32> -> vector<16xf32>
      %select_n3A_333 = arith.select %ne3A_32, %select_n3A_269, %gather3A_332 : vector<16xi1>, vector<16xf32>
      %broadcast_in_dim3A_334 = vector.shape_cast %xor3A_13 : vector<16xi32> to vector<16x1xi32>
      %gather3A_335 = vector.shape_cast %broadcast_in_dim3A_334 : vector<16x1xi32> to vector<16xi32>
      %gather3A_336 = tpu.dynamic_gather %select_n3A_289[%gather3A_335] in [0] : vector<16xf32>, vector<16xi32> -> vector<16xf32>
      %select_n3A_337 = arith.select %ne3A_32, %gather3A_336, %select_n3A_273 : vector<16xi1>, vector<16xf32>
      %broadcast_in_dim3A_338 = vector.shape_cast %xor3A_13 : vector<16xi32> to vector<16x1xi32>
      %gather3A_339 = vector.shape_cast %broadcast_in_dim3A_338 : vector<16x1xi32> to vector<16xi32>
      %gather3A_340 = tpu.dynamic_gather %select_n3A_273[%gather3A_339] in [0] : vector<16xf32>, vector<16xi32> -> vector<16xf32>
      %select_n3A_341 = arith.select %ne3A_32, %select_n3A_289, %gather3A_340 : vector<16xi1>, vector<16xf32>
      %broadcast_in_dim3A_342 = vector.shape_cast %xor3A_13 : vector<16xi32> to vector<16x1xi32>
      %gather3A_343 = vector.shape_cast %broadcast_in_dim3A_342 : vector<16x1xi32> to vector<16xi32>
      %gather3A_344 = tpu.dynamic_gather %select_n3A_297[%gather3A_343] in [0] : vector<16xf32>, vector<16xi32> -> vector<16xf32>
      %select_n3A_345 = arith.select %ne3A_32, %gather3A_344, %select_n3A_281 : vector<16xi1>, vector<16xf32>
      %broadcast_in_dim3A_346 = vector.shape_cast %xor3A_13 : vector<16xi32> to vector<16x1xi32>
      %gather3A_347 = vector.shape_cast %broadcast_in_dim3A_346 : vector<16x1xi32> to vector<16xi32>
      %gather3A_348 = tpu.dynamic_gather %select_n3A_281[%gather3A_347] in [0] : vector<16xf32>, vector<16xi32> -> vector<16xf32>
      %select_n3A_349 = arith.select %ne3A_32, %select_n3A_297, %gather3A_348 : vector<16xi1>, vector<16xf32>
      %broadcast_in_dim3A_350 = vector.shape_cast %xor3A_13 : vector<16xi32> to vector<16x1xi32>
      %gather3A_351 = vector.shape_cast %broadcast_in_dim3A_350 : vector<16x1xi32> to vector<16xi32>
      %gather3A_352 = tpu.dynamic_gather %select_n3A_293[%gather3A_351] in [0] : vector<16xf32>, vector<16xi32> -> vector<16xf32>
      %select_n3A_353 = arith.select %ne3A_32, %gather3A_352, %select_n3A_277 : vector<16xi1>, vector<16xf32>
      %broadcast_in_dim3A_354 = vector.shape_cast %xor3A_13 : vector<16xi32> to vector<16x1xi32>
      %gather3A_355 = vector.shape_cast %broadcast_in_dim3A_354 : vector<16x1xi32> to vector<16xi32>
      %gather3A_356 = tpu.dynamic_gather %select_n3A_277[%gather3A_355] in [0] : vector<16xf32>, vector<16xi32> -> vector<16xf32>
      %select_n3A_357 = arith.select %ne3A_32, %select_n3A_293, %gather3A_356 : vector<16xi1>, vector<16xf32>
      %broadcast_in_dim3A_358 = vector.shape_cast %xor3A_13 : vector<16xi32> to vector<16x1xi32>
      %gather3A_359 = vector.shape_cast %broadcast_in_dim3A_358 : vector<16x1xi32> to vector<16xi32>
      %gather3A_360 = tpu.dynamic_gather %select_n3A_301[%gather3A_359] in [0] : vector<16xf32>, vector<16xi32> -> vector<16xf32>
      %select_n3A_361 = arith.select %ne3A_32, %gather3A_360, %select_n3A_285 : vector<16xi1>, vector<16xf32>
      %broadcast_in_dim3A_362 = vector.shape_cast %xor3A_13 : vector<16xi32> to vector<16x1xi32>
      %gather3A_363 = vector.shape_cast %broadcast_in_dim3A_362 : vector<16x1xi32> to vector<16xi32>
      %gather3A_364 = tpu.dynamic_gather %select_n3A_285[%gather3A_363] in [0] : vector<16xf32>, vector<16xi32> -> vector<16xf32>
      %select_n3A_365 = arith.select %ne3A_32, %select_n3A_301, %gather3A_364 : vector<16xi1>, vector<16xf32>
      %broadcast_in_dim3A_366 = vector.shape_cast %xor3A_16 : vector<16xi32> to vector<16x1xi32>
      %gather3A_367 = vector.shape_cast %broadcast_in_dim3A_366 : vector<16x1xi32> to vector<16xi32>
      %gather3A_368 = tpu.dynamic_gather %select_n3A_337[%gather3A_367] in [0] : vector<16xf32>, vector<16xi32> -> vector<16xf32>
      %select_n3A_369 = arith.select %ne3A_38, %gather3A_368, %select_n3A_305 : vector<16xi1>, vector<16xf32>
      %broadcast_in_dim3A_370 = vector.shape_cast %xor3A_16 : vector<16xi32> to vector<16x1xi32>
      %gather3A_371 = vector.shape_cast %broadcast_in_dim3A_370 : vector<16x1xi32> to vector<16xi32>
      %gather3A_372 = tpu.dynamic_gather %select_n3A_305[%gather3A_371] in [0] : vector<16xf32>, vector<16xi32> -> vector<16xf32>
      %select_n3A_373 = arith.select %ne3A_38, %select_n3A_337, %gather3A_372 : vector<16xi1>, vector<16xf32>
      %broadcast_in_dim3A_374 = vector.shape_cast %xor3A_16 : vector<16xi32> to vector<16x1xi32>
      %gather3A_375 = vector.shape_cast %broadcast_in_dim3A_374 : vector<16x1xi32> to vector<16xi32>
      %gather3A_376 = tpu.dynamic_gather %select_n3A_345[%gather3A_375] in [0] : vector<16xf32>, vector<16xi32> -> vector<16xf32>
      %select_n3A_377 = arith.select %ne3A_38, %gather3A_376, %select_n3A_313 : vector<16xi1>, vector<16xf32>
      %broadcast_in_dim3A_378 = vector.shape_cast %xor3A_16 : vector<16xi32> to vector<16x1xi32>
      %gather3A_379 = vector.shape_cast %broadcast_in_dim3A_378 : vector<16x1xi32> to vector<16xi32>
      %gather3A_380 = tpu.dynamic_gather %select_n3A_313[%gather3A_379] in [0] : vector<16xf32>, vector<16xi32> -> vector<16xf32>
      %select_n3A_381 = arith.select %ne3A_38, %select_n3A_345, %gather3A_380 : vector<16xi1>, vector<16xf32>
      %broadcast_in_dim3A_382 = vector.shape_cast %xor3A_16 : vector<16xi32> to vector<16x1xi32>
      %gather3A_383 = vector.shape_cast %broadcast_in_dim3A_382 : vector<16x1xi32> to vector<16xi32>
      %gather3A_384 = tpu.dynamic_gather %select_n3A_353[%gather3A_383] in [0] : vector<16xf32>, vector<16xi32> -> vector<16xf32>
      %select_n3A_385 = arith.select %ne3A_38, %gather3A_384, %select_n3A_321 : vector<16xi1>, vector<16xf32>
      %broadcast_in_dim3A_386 = vector.shape_cast %xor3A_16 : vector<16xi32> to vector<16x1xi32>
      %gather3A_387 = vector.shape_cast %broadcast_in_dim3A_386 : vector<16x1xi32> to vector<16xi32>
      %gather3A_388 = tpu.dynamic_gather %select_n3A_321[%gather3A_387] in [0] : vector<16xf32>, vector<16xi32> -> vector<16xf32>
      %select_n3A_389 = arith.select %ne3A_38, %select_n3A_353, %gather3A_388 : vector<16xi1>, vector<16xf32>
      %broadcast_in_dim3A_390 = vector.shape_cast %xor3A_16 : vector<16xi32> to vector<16x1xi32>
      %gather3A_391 = vector.shape_cast %broadcast_in_dim3A_390 : vector<16x1xi32> to vector<16xi32>
      %gather3A_392 = tpu.dynamic_gather %select_n3A_361[%gather3A_391] in [0] : vector<16xf32>, vector<16xi32> -> vector<16xf32>
      %select_n3A_393 = arith.select %ne3A_38, %gather3A_392, %select_n3A_329 : vector<16xi1>, vector<16xf32>
      %broadcast_in_dim3A_394 = vector.shape_cast %xor3A_16 : vector<16xi32> to vector<16x1xi32>
      %gather3A_395 = vector.shape_cast %broadcast_in_dim3A_394 : vector<16x1xi32> to vector<16xi32>
      %gather3A_396 = tpu.dynamic_gather %select_n3A_329[%gather3A_395] in [0] : vector<16xf32>, vector<16xi32> -> vector<16xf32>
      %select_n3A_397 = arith.select %ne3A_38, %select_n3A_361, %gather3A_396 : vector<16xi1>, vector<16xf32>
      %broadcast_in_dim3A_398 = vector.shape_cast %xor3A_16 : vector<16xi32> to vector<16x1xi32>
      %gather3A_399 = vector.shape_cast %broadcast_in_dim3A_398 : vector<16x1xi32> to vector<16xi32>
      %gather3A_400 = tpu.dynamic_gather %select_n3A_341[%gather3A_399] in [0] : vector<16xf32>, vector<16xi32> -> vector<16xf32>
      %select_n3A_401 = arith.select %ne3A_38, %gather3A_400, %select_n3A_309 : vector<16xi1>, vector<16xf32>
      %broadcast_in_dim3A_402 = vector.shape_cast %xor3A_16 : vector<16xi32> to vector<16x1xi32>
      %gather3A_403 = vector.shape_cast %broadcast_in_dim3A_402 : vector<16x1xi32> to vector<16xi32>
      %gather3A_404 = tpu.dynamic_gather %select_n3A_309[%gather3A_403] in [0] : vector<16xf32>, vector<16xi32> -> vector<16xf32>
      %select_n3A_405 = arith.select %ne3A_38, %select_n3A_341, %gather3A_404 : vector<16xi1>, vector<16xf32>
      %broadcast_in_dim3A_406 = vector.shape_cast %xor3A_16 : vector<16xi32> to vector<16x1xi32>
      %gather3A_407 = vector.shape_cast %broadcast_in_dim3A_406 : vector<16x1xi32> to vector<16xi32>
      %gather3A_408 = tpu.dynamic_gather %select_n3A_349[%gather3A_407] in [0] : vector<16xf32>, vector<16xi32> -> vector<16xf32>
      %select_n3A_409 = arith.select %ne3A_38, %gather3A_408, %select_n3A_317 : vector<16xi1>, vector<16xf32>
      %broadcast_in_dim3A_410 = vector.shape_cast %xor3A_16 : vector<16xi32> to vector<16x1xi32>
      %gather3A_411 = vector.shape_cast %broadcast_in_dim3A_410 : vector<16x1xi32> to vector<16xi32>
      %gather3A_412 = tpu.dynamic_gather %select_n3A_317[%gather3A_411] in [0] : vector<16xf32>, vector<16xi32> -> vector<16xf32>
      %select_n3A_413 = arith.select %ne3A_38, %select_n3A_349, %gather3A_412 : vector<16xi1>, vector<16xf32>
      %broadcast_in_dim3A_414 = vector.shape_cast %xor3A_16 : vector<16xi32> to vector<16x1xi32>
      %gather3A_415 = vector.shape_cast %broadcast_in_dim3A_414 : vector<16x1xi32> to vector<16xi32>
      %gather3A_416 = tpu.dynamic_gather %select_n3A_357[%gather3A_415] in [0] : vector<16xf32>, vector<16xi32> -> vector<16xf32>
      %select_n3A_417 = arith.select %ne3A_38, %gather3A_416, %select_n3A_325 : vector<16xi1>, vector<16xf32>
      %broadcast_in_dim3A_418 = vector.shape_cast %xor3A_16 : vector<16xi32> to vector<16x1xi32>
      %gather3A_419 = vector.shape_cast %broadcast_in_dim3A_418 : vector<16x1xi32> to vector<16xi32>
      %gather3A_420 = tpu.dynamic_gather %select_n3A_325[%gather3A_419] in [0] : vector<16xf32>, vector<16xi32> -> vector<16xf32>
      %select_n3A_421 = arith.select %ne3A_38, %select_n3A_357, %gather3A_420 : vector<16xi1>, vector<16xf32>
      %broadcast_in_dim3A_422 = vector.shape_cast %xor3A_16 : vector<16xi32> to vector<16x1xi32>
      %gather3A_423 = vector.shape_cast %broadcast_in_dim3A_422 : vector<16x1xi32> to vector<16xi32>
      %gather3A_424 = tpu.dynamic_gather %select_n3A_365[%gather3A_423] in [0] : vector<16xf32>, vector<16xi32> -> vector<16xf32>
      %select_n3A_425 = arith.select %ne3A_38, %gather3A_424, %select_n3A_333 : vector<16xi1>, vector<16xf32>
      %broadcast_in_dim3A_426 = vector.shape_cast %xor3A_16 : vector<16xi32> to vector<16x1xi32>
      %gather3A_427 = vector.shape_cast %broadcast_in_dim3A_426 : vector<16x1xi32> to vector<16xi32>
      %gather3A_428 = tpu.dynamic_gather %select_n3A_333[%gather3A_427] in [0] : vector<16xf32>, vector<16xi32> -> vector<16xf32>
      %select_n3A_429 = arith.select %ne3A_38, %select_n3A_365, %gather3A_428 : vector<16xi1>, vector<16xf32>
      %broadcast_in_dim3A_430 = arith.constant 0xFF800000 : f32
      %broadcast_in_dim3A_431 = vector.broadcast %broadcast_in_dim3A_430 : f32 to vector<16xf32>
      %gt3A = arith.cmpf ogt, %select_n3A_377, %select_n3A_369 : vector<16xf32>
      %gt3A_432 = arith.cmpf ogt, %select_n3A_377, %broadcast_in_dim3A_431 : vector<16xf32>
      %select_n3A_433 = arith.select %gt3A_432, %select_n3A_377, %broadcast_in_dim3A_431 : vector<16xi1>, vector<16xf32>
      %select_n3A_434 = arith.select %gt3A, %select_n3A_369, %select_n3A_433 : vector<16xi1>, vector<16xf32>
      %jit3A = arith.constant 1 : i32
      %broadcast_in_dim3A_435 = vector.broadcast %jit3A : i32 to vector<16xi32>
      %select_n3A_436 = arith.select %gt3A_432, %broadcast_in_dim3A_435, %broadcast_in_dim3A_5 : vector<16xi1>, vector<16xi32>
      %select_n3A_437 = arith.select %gt3A, %broadcast_in_dim3A_5, %select_n3A_436 : vector<16xi1>, vector<16xi32>
      %select_n3A_438 = arith.select %gt3A, %select_n3A_377, %select_n3A_369 : vector<16xi1>, vector<16xf32>
      %jit3A_439 = arith.constant 1 : i32
      %broadcast_in_dim3A_440 = vector.broadcast %jit3A_439 : i32 to vector<16xi32>
      %select_n3A_441 = arith.select %gt3A, %broadcast_in_dim3A_440, %broadcast_in_dim3A_5 : vector<16xi1>, vector<16xi32>
      %gt3A_442 = arith.cmpf ogt, %select_n3A_385, %select_n3A_438 : vector<16xf32>
      %gt3A_443 = arith.cmpf ogt, %select_n3A_385, %select_n3A_434 : vector<16xf32>
      %select_n3A_444 = arith.select %gt3A_443, %select_n3A_385, %select_n3A_434 : vector<16xi1>, vector<16xf32>
      %select_n3A_445 = arith.select %gt3A_442, %select_n3A_438, %select_n3A_444 : vector<16xi1>, vector<16xf32>
      %jit3A_446 = arith.constant 2 : i32
      %broadcast_in_dim3A_447 = vector.broadcast %jit3A_446 : i32 to vector<16xi32>
      %select_n3A_448 = arith.select %gt3A_443, %broadcast_in_dim3A_447, %select_n3A_437 : vector<16xi1>, vector<16xi32>
      %select_n3A_449 = arith.select %gt3A_442, %select_n3A_441, %select_n3A_448 : vector<16xi1>, vector<16xi32>
      %select_n3A_450 = arith.select %gt3A_442, %select_n3A_385, %select_n3A_438 : vector<16xi1>, vector<16xf32>
      %jit3A_451 = arith.constant 2 : i32
      %broadcast_in_dim3A_452 = vector.broadcast %jit3A_451 : i32 to vector<16xi32>
      %select_n3A_453 = arith.select %gt3A_442, %broadcast_in_dim3A_452, %select_n3A_441 : vector<16xi1>, vector<16xi32>
      %gt3A_454 = arith.cmpf ogt, %select_n3A_393, %select_n3A_450 : vector<16xf32>
      %gt3A_455 = arith.cmpf ogt, %select_n3A_393, %select_n3A_445 : vector<16xf32>
      %select_n3A_456 = arith.select %gt3A_455, %select_n3A_393, %select_n3A_445 : vector<16xi1>, vector<16xf32>
      %select_n3A_457 = arith.select %gt3A_454, %select_n3A_450, %select_n3A_456 : vector<16xi1>, vector<16xf32>
      %jit3A_458 = arith.constant 3 : i32
      %broadcast_in_dim3A_459 = vector.broadcast %jit3A_458 : i32 to vector<16xi32>
      %select_n3A_460 = arith.select %gt3A_455, %broadcast_in_dim3A_459, %select_n3A_449 : vector<16xi1>, vector<16xi32>
      %select_n3A_461 = arith.select %gt3A_454, %select_n3A_453, %select_n3A_460 : vector<16xi1>, vector<16xi32>
      %select_n3A_462 = arith.select %gt3A_454, %select_n3A_393, %select_n3A_450 : vector<16xi1>, vector<16xf32>
      %jit3A_463 = arith.constant 3 : i32
      %broadcast_in_dim3A_464 = vector.broadcast %jit3A_463 : i32 to vector<16xi32>
      %select_n3A_465 = arith.select %gt3A_454, %broadcast_in_dim3A_464, %select_n3A_453 : vector<16xi1>, vector<16xi32>
      %gt3A_466 = arith.cmpf ogt, %select_n3A_401, %select_n3A_462 : vector<16xf32>
      %gt3A_467 = arith.cmpf ogt, %select_n3A_401, %select_n3A_457 : vector<16xf32>
      %select_n3A_468 = arith.select %gt3A_467, %select_n3A_401, %select_n3A_457 : vector<16xi1>, vector<16xf32>
      %select_n3A_469 = arith.select %gt3A_466, %select_n3A_462, %select_n3A_468 : vector<16xi1>, vector<16xf32>
      %jit3A_470 = arith.constant 4 : i32
      %broadcast_in_dim3A_471 = vector.broadcast %jit3A_470 : i32 to vector<16xi32>
      %select_n3A_472 = arith.select %gt3A_467, %broadcast_in_dim3A_471, %select_n3A_461 : vector<16xi1>, vector<16xi32>
      %select_n3A_473 = arith.select %gt3A_466, %select_n3A_465, %select_n3A_472 : vector<16xi1>, vector<16xi32>
      %select_n3A_474 = arith.select %gt3A_466, %select_n3A_401, %select_n3A_462 : vector<16xi1>, vector<16xf32>
      %jit3A_475 = arith.constant 4 : i32
      %broadcast_in_dim3A_476 = vector.broadcast %jit3A_475 : i32 to vector<16xi32>
      %select_n3A_477 = arith.select %gt3A_466, %broadcast_in_dim3A_476, %select_n3A_465 : vector<16xi1>, vector<16xi32>
      %gt3A_478 = arith.cmpf ogt, %select_n3A_409, %select_n3A_474 : vector<16xf32>
      %gt3A_479 = arith.cmpf ogt, %select_n3A_409, %select_n3A_469 : vector<16xf32>
      %select_n3A_480 = arith.select %gt3A_479, %select_n3A_409, %select_n3A_469 : vector<16xi1>, vector<16xf32>
      %select_n3A_481 = arith.select %gt3A_478, %select_n3A_474, %select_n3A_480 : vector<16xi1>, vector<16xf32>
      %jit3A_482 = arith.constant 5 : i32
      %broadcast_in_dim3A_483 = vector.broadcast %jit3A_482 : i32 to vector<16xi32>
      %select_n3A_484 = arith.select %gt3A_479, %broadcast_in_dim3A_483, %select_n3A_473 : vector<16xi1>, vector<16xi32>
      %select_n3A_485 = arith.select %gt3A_478, %select_n3A_477, %select_n3A_484 : vector<16xi1>, vector<16xi32>
      %select_n3A_486 = arith.select %gt3A_478, %select_n3A_409, %select_n3A_474 : vector<16xi1>, vector<16xf32>
      %jit3A_487 = arith.constant 5 : i32
      %broadcast_in_dim3A_488 = vector.broadcast %jit3A_487 : i32 to vector<16xi32>
      %select_n3A_489 = arith.select %gt3A_478, %broadcast_in_dim3A_488, %select_n3A_477 : vector<16xi1>, vector<16xi32>
      %gt3A_490 = arith.cmpf ogt, %select_n3A_417, %select_n3A_486 : vector<16xf32>
      %gt3A_491 = arith.cmpf ogt, %select_n3A_417, %select_n3A_481 : vector<16xf32>
      %select_n3A_492 = arith.select %gt3A_491, %select_n3A_417, %select_n3A_481 : vector<16xi1>, vector<16xf32>
      %select_n3A_493 = arith.select %gt3A_490, %select_n3A_486, %select_n3A_492 : vector<16xi1>, vector<16xf32>
      %jit3A_494 = arith.constant 6 : i32
      %broadcast_in_dim3A_495 = vector.broadcast %jit3A_494 : i32 to vector<16xi32>
      %select_n3A_496 = arith.select %gt3A_491, %broadcast_in_dim3A_495, %select_n3A_485 : vector<16xi1>, vector<16xi32>
      %select_n3A_497 = arith.select %gt3A_490, %select_n3A_489, %select_n3A_496 : vector<16xi1>, vector<16xi32>
      %select_n3A_498 = arith.select %gt3A_490, %select_n3A_417, %select_n3A_486 : vector<16xi1>, vector<16xf32>
      %jit3A_499 = arith.constant 6 : i32
      %broadcast_in_dim3A_500 = vector.broadcast %jit3A_499 : i32 to vector<16xi32>
      %select_n3A_501 = arith.select %gt3A_490, %broadcast_in_dim3A_500, %select_n3A_489 : vector<16xi1>, vector<16xi32>
      %gt3A_502 = arith.cmpf ogt, %select_n3A_425, %select_n3A_498 : vector<16xf32>
      %gt3A_503 = arith.cmpf ogt, %select_n3A_425, %select_n3A_493 : vector<16xf32>
      %select_n3A_504 = arith.select %gt3A_503, %select_n3A_425, %select_n3A_493 : vector<16xi1>, vector<16xf32>
      %select_n3A_505 = arith.select %gt3A_502, %select_n3A_498, %select_n3A_504 : vector<16xi1>, vector<16xf32>
      %jit3A_506 = arith.constant 7 : i32
      %broadcast_in_dim3A_507 = vector.broadcast %jit3A_506 : i32 to vector<16xi32>
      %select_n3A_508 = arith.select %gt3A_503, %broadcast_in_dim3A_507, %select_n3A_497 : vector<16xi1>, vector<16xi32>
      %select_n3A_509 = arith.select %gt3A_502, %select_n3A_501, %select_n3A_508 : vector<16xi1>, vector<16xi32>
      %select_n3A_510 = arith.select %gt3A_502, %select_n3A_425, %select_n3A_498 : vector<16xi1>, vector<16xf32>
      %jit3A_511 = arith.constant 7 : i32
      %broadcast_in_dim3A_512 = vector.broadcast %jit3A_511 : i32 to vector<16xi32>
      %select_n3A_513 = arith.select %gt3A_502, %broadcast_in_dim3A_512, %select_n3A_501 : vector<16xi1>, vector<16xi32>
      %gt3A_514 = arith.cmpf ogt, %select_n3A_373, %select_n3A_510 : vector<16xf32>
      %gt3A_515 = arith.cmpf ogt, %select_n3A_373, %select_n3A_505 : vector<16xf32>
      %select_n3A_516 = arith.select %gt3A_515, %select_n3A_373, %select_n3A_505 : vector<16xi1>, vector<16xf32>
      %select_n3A_517 = arith.select %gt3A_514, %select_n3A_510, %select_n3A_516 : vector<16xi1>, vector<16xf32>
      %jit3A_518 = arith.constant 8 : i32
      %broadcast_in_dim3A_519 = vector.broadcast %jit3A_518 : i32 to vector<16xi32>
      %select_n3A_520 = arith.select %gt3A_515, %broadcast_in_dim3A_519, %select_n3A_509 : vector<16xi1>, vector<16xi32>
      %select_n3A_521 = arith.select %gt3A_514, %select_n3A_513, %select_n3A_520 : vector<16xi1>, vector<16xi32>
      %select_n3A_522 = arith.select %gt3A_514, %select_n3A_373, %select_n3A_510 : vector<16xi1>, vector<16xf32>
      %jit3A_523 = arith.constant 8 : i32
      %broadcast_in_dim3A_524 = vector.broadcast %jit3A_523 : i32 to vector<16xi32>
      %select_n3A_525 = arith.select %gt3A_514, %broadcast_in_dim3A_524, %select_n3A_513 : vector<16xi1>, vector<16xi32>
      %gt3A_526 = arith.cmpf ogt, %select_n3A_381, %select_n3A_522 : vector<16xf32>
      %gt3A_527 = arith.cmpf ogt, %select_n3A_381, %select_n3A_517 : vector<16xf32>
      %select_n3A_528 = arith.select %gt3A_527, %select_n3A_381, %select_n3A_517 : vector<16xi1>, vector<16xf32>
      %select_n3A_529 = arith.select %gt3A_526, %select_n3A_522, %select_n3A_528 : vector<16xi1>, vector<16xf32>
      %jit3A_530 = arith.constant 9 : i32
      %broadcast_in_dim3A_531 = vector.broadcast %jit3A_530 : i32 to vector<16xi32>
      %select_n3A_532 = arith.select %gt3A_527, %broadcast_in_dim3A_531, %select_n3A_521 : vector<16xi1>, vector<16xi32>
      %select_n3A_533 = arith.select %gt3A_526, %select_n3A_525, %select_n3A_532 : vector<16xi1>, vector<16xi32>
      %select_n3A_534 = arith.select %gt3A_526, %select_n3A_381, %select_n3A_522 : vector<16xi1>, vector<16xf32>
      %jit3A_535 = arith.constant 9 : i32
      %broadcast_in_dim3A_536 = vector.broadcast %jit3A_535 : i32 to vector<16xi32>
      %select_n3A_537 = arith.select %gt3A_526, %broadcast_in_dim3A_536, %select_n3A_525 : vector<16xi1>, vector<16xi32>
      %gt3A_538 = arith.cmpf ogt, %select_n3A_389, %select_n3A_534 : vector<16xf32>
      %gt3A_539 = arith.cmpf ogt, %select_n3A_389, %select_n3A_529 : vector<16xf32>
      %select_n3A_540 = arith.select %gt3A_539, %select_n3A_389, %select_n3A_529 : vector<16xi1>, vector<16xf32>
      %select_n3A_541 = arith.select %gt3A_538, %select_n3A_534, %select_n3A_540 : vector<16xi1>, vector<16xf32>
      %jit3A_542 = arith.constant 10 : i32
      %broadcast_in_dim3A_543 = vector.broadcast %jit3A_542 : i32 to vector<16xi32>
      %select_n3A_544 = arith.select %gt3A_539, %broadcast_in_dim3A_543, %select_n3A_533 : vector<16xi1>, vector<16xi32>
      %select_n3A_545 = arith.select %gt3A_538, %select_n3A_537, %select_n3A_544 : vector<16xi1>, vector<16xi32>
      %select_n3A_546 = arith.select %gt3A_538, %select_n3A_389, %select_n3A_534 : vector<16xi1>, vector<16xf32>
      %jit3A_547 = arith.constant 10 : i32
      %broadcast_in_dim3A_548 = vector.broadcast %jit3A_547 : i32 to vector<16xi32>
      %select_n3A_549 = arith.select %gt3A_538, %broadcast_in_dim3A_548, %select_n3A_537 : vector<16xi1>, vector<16xi32>
      %gt3A_550 = arith.cmpf ogt, %select_n3A_397, %select_n3A_546 : vector<16xf32>
      %gt3A_551 = arith.cmpf ogt, %select_n3A_397, %select_n3A_541 : vector<16xf32>
      %select_n3A_552 = arith.select %gt3A_551, %select_n3A_397, %select_n3A_541 : vector<16xi1>, vector<16xf32>
      %select_n3A_553 = arith.select %gt3A_550, %select_n3A_546, %select_n3A_552 : vector<16xi1>, vector<16xf32>
      %jit3A_554 = arith.constant 11 : i32
      %broadcast_in_dim3A_555 = vector.broadcast %jit3A_554 : i32 to vector<16xi32>
      %select_n3A_556 = arith.select %gt3A_551, %broadcast_in_dim3A_555, %select_n3A_545 : vector<16xi1>, vector<16xi32>
      %select_n3A_557 = arith.select %gt3A_550, %select_n3A_549, %select_n3A_556 : vector<16xi1>, vector<16xi32>
      %select_n3A_558 = arith.select %gt3A_550, %select_n3A_397, %select_n3A_546 : vector<16xi1>, vector<16xf32>
      %jit3A_559 = arith.constant 11 : i32
      %broadcast_in_dim3A_560 = vector.broadcast %jit3A_559 : i32 to vector<16xi32>
      %select_n3A_561 = arith.select %gt3A_550, %broadcast_in_dim3A_560, %select_n3A_549 : vector<16xi1>, vector<16xi32>
      %gt3A_562 = arith.cmpf ogt, %select_n3A_405, %select_n3A_558 : vector<16xf32>
      %gt3A_563 = arith.cmpf ogt, %select_n3A_405, %select_n3A_553 : vector<16xf32>
      %select_n3A_564 = arith.select %gt3A_563, %select_n3A_405, %select_n3A_553 : vector<16xi1>, vector<16xf32>
      %select_n3A_565 = arith.select %gt3A_562, %select_n3A_558, %select_n3A_564 : vector<16xi1>, vector<16xf32>
      %jit3A_566 = arith.constant 12 : i32
      %broadcast_in_dim3A_567 = vector.broadcast %jit3A_566 : i32 to vector<16xi32>
      %select_n3A_568 = arith.select %gt3A_563, %broadcast_in_dim3A_567, %select_n3A_557 : vector<16xi1>, vector<16xi32>
      %select_n3A_569 = arith.select %gt3A_562, %select_n3A_561, %select_n3A_568 : vector<16xi1>, vector<16xi32>
      %select_n3A_570 = arith.select %gt3A_562, %select_n3A_405, %select_n3A_558 : vector<16xi1>, vector<16xf32>
      %jit3A_571 = arith.constant 12 : i32
      %broadcast_in_dim3A_572 = vector.broadcast %jit3A_571 : i32 to vector<16xi32>
      %select_n3A_573 = arith.select %gt3A_562, %broadcast_in_dim3A_572, %select_n3A_561 : vector<16xi1>, vector<16xi32>
      %gt3A_574 = arith.cmpf ogt, %select_n3A_413, %select_n3A_570 : vector<16xf32>
      %gt3A_575 = arith.cmpf ogt, %select_n3A_413, %select_n3A_565 : vector<16xf32>
      %select_n3A_576 = arith.select %gt3A_575, %select_n3A_413, %select_n3A_565 : vector<16xi1>, vector<16xf32>
      %select_n3A_577 = arith.select %gt3A_574, %select_n3A_570, %select_n3A_576 : vector<16xi1>, vector<16xf32>
      %jit3A_578 = arith.constant 13 : i32
      %broadcast_in_dim3A_579 = vector.broadcast %jit3A_578 : i32 to vector<16xi32>
      %select_n3A_580 = arith.select %gt3A_575, %broadcast_in_dim3A_579, %select_n3A_569 : vector<16xi1>, vector<16xi32>
      %select_n3A_581 = arith.select %gt3A_574, %select_n3A_573, %select_n3A_580 : vector<16xi1>, vector<16xi32>
      %select_n3A_582 = arith.select %gt3A_574, %select_n3A_413, %select_n3A_570 : vector<16xi1>, vector<16xf32>
      %jit3A_583 = arith.constant 13 : i32
      %broadcast_in_dim3A_584 = vector.broadcast %jit3A_583 : i32 to vector<16xi32>
      %select_n3A_585 = arith.select %gt3A_574, %broadcast_in_dim3A_584, %select_n3A_573 : vector<16xi1>, vector<16xi32>
      %gt3A_586 = arith.cmpf ogt, %select_n3A_421, %select_n3A_582 : vector<16xf32>
      %gt3A_587 = arith.cmpf ogt, %select_n3A_421, %select_n3A_577 : vector<16xf32>
      %select_n3A_588 = arith.select %gt3A_587, %select_n3A_421, %select_n3A_577 : vector<16xi1>, vector<16xf32>
      %select_n3A_589 = arith.select %gt3A_586, %select_n3A_582, %select_n3A_588 : vector<16xi1>, vector<16xf32>
      %jit3A_590 = arith.constant 14 : i32
      %broadcast_in_dim3A_591 = vector.broadcast %jit3A_590 : i32 to vector<16xi32>
      %select_n3A_592 = arith.select %gt3A_587, %broadcast_in_dim3A_591, %select_n3A_581 : vector<16xi1>, vector<16xi32>
      %select_n3A_593 = arith.select %gt3A_586, %select_n3A_585, %select_n3A_592 : vector<16xi1>, vector<16xi32>
      %select_n3A_594 = arith.select %gt3A_586, %select_n3A_421, %select_n3A_582 : vector<16xi1>, vector<16xf32>
      %jit3A_595 = arith.constant 14 : i32
      %broadcast_in_dim3A_596 = vector.broadcast %jit3A_595 : i32 to vector<16xi32>
      %select_n3A_597 = arith.select %gt3A_586, %broadcast_in_dim3A_596, %select_n3A_585 : vector<16xi1>, vector<16xi32>
      %gt3A_598 = arith.cmpf ogt, %select_n3A_429, %select_n3A_594 : vector<16xf32>
      %gt3A_599 = arith.cmpf ogt, %select_n3A_429, %select_n3A_589 : vector<16xf32>
      %select_n3A_600 = arith.select %gt3A_599, %select_n3A_429, %select_n3A_589 : vector<16xi1>, vector<16xf32>
      %select_n3A_601 = arith.select %gt3A_598, %select_n3A_594, %select_n3A_600 : vector<16xi1>, vector<16xf32>
      %jit3A_602 = arith.constant 15 : i32
      %broadcast_in_dim3A_603 = vector.broadcast %jit3A_602 : i32 to vector<16xi32>
      %select_n3A_604 = arith.select %gt3A_599, %broadcast_in_dim3A_603, %select_n3A_593 : vector<16xi1>, vector<16xi32>
      %select_n3A_605 = arith.select %gt3A_598, %select_n3A_597, %select_n3A_604 : vector<16xi1>, vector<16xi32>
      %select_n3A_606 = arith.select %gt3A_598, %select_n3A_429, %select_n3A_594 : vector<16xi1>, vector<16xf32>
      %jit3A_607 = arith.constant 15 : i32
      %broadcast_in_dim3A_608 = vector.broadcast %jit3A_607 : i32 to vector<16xi32>
      %select_n3A_609 = arith.select %gt3A_598, %broadcast_in_dim3A_608, %select_n3A_597 : vector<16xi1>, vector<16xi32>
      %sub3A = arith.subf %select_n3A_601, %select_n3A_606 : vector<16xf32>
      %exp3A = math.exp %sub3A : vector<16xf32>
      %add3A_610 = arith.constant 1.000000e+00 : f32
      %add3A_611 = vector.broadcast %add3A_610 : f32 to vector<16xf32>
      %add3A_612 = arith.addf %add3A_611, %exp3A : vector<16xf32>
      %div3A = arith.divf %exp3A, %add3A_612 : vector<16xf32>
      %sub3A_613 = arith.constant 1.000000e+00 : f32
      %sub3A_614 = vector.broadcast %sub3A_613 : f32 to vector<16xf32>
      %sub3A_615 = arith.subf %sub3A_614, %div3A : vector<16xf32>
      %eq3A = arith.constant 0 : i32
      %eq3A_616 = vector.broadcast %eq3A : i32 to vector<16xi32>
      %eq3A_617 = arith.cmpi eq, %select_n3A_609, %eq3A_616 : vector<16xi32>
      %eq3A_618 = arith.constant 0 : i32
      %eq3A_619 = vector.broadcast %eq3A_618 : i32 to vector<16xi32>
      %eq3A_620 = arith.cmpi eq, %select_n3A_605, %eq3A_619 : vector<16xi32>
      %select_n3A_621 = arith.select %eq3A_620, %div3A, %broadcast_in_dim3A_3 : vector<16xi1>, vector<16xf32>
      %select_n3A_622 = arith.select %eq3A_617, %sub3A_615, %select_n3A_621 : vector<16xi1>, vector<16xf32>
      %eq3A_623 = arith.constant 1 : i32
      %eq3A_624 = vector.broadcast %eq3A_623 : i32 to vector<16xi32>
      %eq3A_625 = arith.cmpi eq, %select_n3A_609, %eq3A_624 : vector<16xi32>
      %eq3A_626 = arith.constant 1 : i32
      %eq3A_627 = vector.broadcast %eq3A_626 : i32 to vector<16xi32>
      %eq3A_628 = arith.cmpi eq, %select_n3A_605, %eq3A_627 : vector<16xi32>
      %select_n3A_629 = arith.select %eq3A_628, %div3A, %broadcast_in_dim3A_3 : vector<16xi1>, vector<16xf32>
      %select_n3A_630 = arith.select %eq3A_625, %sub3A_615, %select_n3A_629 : vector<16xi1>, vector<16xf32>
      %eq3A_631 = arith.constant 2 : i32
      %eq3A_632 = vector.broadcast %eq3A_631 : i32 to vector<16xi32>
      %eq3A_633 = arith.cmpi eq, %select_n3A_609, %eq3A_632 : vector<16xi32>
      %eq3A_634 = arith.constant 2 : i32
      %eq3A_635 = vector.broadcast %eq3A_634 : i32 to vector<16xi32>
      %eq3A_636 = arith.cmpi eq, %select_n3A_605, %eq3A_635 : vector<16xi32>
      %select_n3A_637 = arith.select %eq3A_636, %div3A, %broadcast_in_dim3A_3 : vector<16xi1>, vector<16xf32>
      %select_n3A_638 = arith.select %eq3A_633, %sub3A_615, %select_n3A_637 : vector<16xi1>, vector<16xf32>
      %eq3A_639 = arith.constant 3 : i32
      %eq3A_640 = vector.broadcast %eq3A_639 : i32 to vector<16xi32>
      %eq3A_641 = arith.cmpi eq, %select_n3A_609, %eq3A_640 : vector<16xi32>
      %eq3A_642 = arith.constant 3 : i32
      %eq3A_643 = vector.broadcast %eq3A_642 : i32 to vector<16xi32>
      %eq3A_644 = arith.cmpi eq, %select_n3A_605, %eq3A_643 : vector<16xi32>
      %select_n3A_645 = arith.select %eq3A_644, %div3A, %broadcast_in_dim3A_3 : vector<16xi1>, vector<16xf32>
      %select_n3A_646 = arith.select %eq3A_641, %sub3A_615, %select_n3A_645 : vector<16xi1>, vector<16xf32>
      %eq3A_647 = arith.constant 4 : i32
      %eq3A_648 = vector.broadcast %eq3A_647 : i32 to vector<16xi32>
      %eq3A_649 = arith.cmpi eq, %select_n3A_609, %eq3A_648 : vector<16xi32>
      %eq3A_650 = arith.constant 4 : i32
      %eq3A_651 = vector.broadcast %eq3A_650 : i32 to vector<16xi32>
      %eq3A_652 = arith.cmpi eq, %select_n3A_605, %eq3A_651 : vector<16xi32>
      %select_n3A_653 = arith.select %eq3A_652, %div3A, %broadcast_in_dim3A_3 : vector<16xi1>, vector<16xf32>
      %select_n3A_654 = arith.select %eq3A_649, %sub3A_615, %select_n3A_653 : vector<16xi1>, vector<16xf32>
      %eq3A_655 = arith.constant 5 : i32
      %eq3A_656 = vector.broadcast %eq3A_655 : i32 to vector<16xi32>
      %eq3A_657 = arith.cmpi eq, %select_n3A_609, %eq3A_656 : vector<16xi32>
      %eq3A_658 = arith.constant 5 : i32
      %eq3A_659 = vector.broadcast %eq3A_658 : i32 to vector<16xi32>
      %eq3A_660 = arith.cmpi eq, %select_n3A_605, %eq3A_659 : vector<16xi32>
      %select_n3A_661 = arith.select %eq3A_660, %div3A, %broadcast_in_dim3A_3 : vector<16xi1>, vector<16xf32>
      %select_n3A_662 = arith.select %eq3A_657, %sub3A_615, %select_n3A_661 : vector<16xi1>, vector<16xf32>
      %eq3A_663 = arith.constant 6 : i32
      %eq3A_664 = vector.broadcast %eq3A_663 : i32 to vector<16xi32>
      %eq3A_665 = arith.cmpi eq, %select_n3A_609, %eq3A_664 : vector<16xi32>
      %eq3A_666 = arith.constant 6 : i32
      %eq3A_667 = vector.broadcast %eq3A_666 : i32 to vector<16xi32>
      %eq3A_668 = arith.cmpi eq, %select_n3A_605, %eq3A_667 : vector<16xi32>
      %select_n3A_669 = arith.select %eq3A_668, %div3A, %broadcast_in_dim3A_3 : vector<16xi1>, vector<16xf32>
      %select_n3A_670 = arith.select %eq3A_665, %sub3A_615, %select_n3A_669 : vector<16xi1>, vector<16xf32>
      %eq3A_671 = arith.constant 7 : i32
      %eq3A_672 = vector.broadcast %eq3A_671 : i32 to vector<16xi32>
      %eq3A_673 = arith.cmpi eq, %select_n3A_609, %eq3A_672 : vector<16xi32>
      %eq3A_674 = arith.constant 7 : i32
      %eq3A_675 = vector.broadcast %eq3A_674 : i32 to vector<16xi32>
      %eq3A_676 = arith.cmpi eq, %select_n3A_605, %eq3A_675 : vector<16xi32>
      %select_n3A_677 = arith.select %eq3A_676, %div3A, %broadcast_in_dim3A_3 : vector<16xi1>, vector<16xf32>
      %select_n3A_678 = arith.select %eq3A_673, %sub3A_615, %select_n3A_677 : vector<16xi1>, vector<16xf32>
      %eq3A_679 = arith.constant 8 : i32
      %eq3A_680 = vector.broadcast %eq3A_679 : i32 to vector<16xi32>
      %eq3A_681 = arith.cmpi eq, %select_n3A_609, %eq3A_680 : vector<16xi32>
      %eq3A_682 = arith.constant 8 : i32
      %eq3A_683 = vector.broadcast %eq3A_682 : i32 to vector<16xi32>
      %eq3A_684 = arith.cmpi eq, %select_n3A_605, %eq3A_683 : vector<16xi32>
      %select_n3A_685 = arith.select %eq3A_684, %div3A, %broadcast_in_dim3A_3 : vector<16xi1>, vector<16xf32>
      %select_n3A_686 = arith.select %eq3A_681, %sub3A_615, %select_n3A_685 : vector<16xi1>, vector<16xf32>
      %eq3A_687 = arith.constant 9 : i32
      %eq3A_688 = vector.broadcast %eq3A_687 : i32 to vector<16xi32>
      %eq3A_689 = arith.cmpi eq, %select_n3A_609, %eq3A_688 : vector<16xi32>
      %eq3A_690 = arith.constant 9 : i32
      %eq3A_691 = vector.broadcast %eq3A_690 : i32 to vector<16xi32>
      %eq3A_692 = arith.cmpi eq, %select_n3A_605, %eq3A_691 : vector<16xi32>
      %select_n3A_693 = arith.select %eq3A_692, %div3A, %broadcast_in_dim3A_3 : vector<16xi1>, vector<16xf32>
      %select_n3A_694 = arith.select %eq3A_689, %sub3A_615, %select_n3A_693 : vector<16xi1>, vector<16xf32>
      %eq3A_695 = arith.constant 10 : i32
      %eq3A_696 = vector.broadcast %eq3A_695 : i32 to vector<16xi32>
      %eq3A_697 = arith.cmpi eq, %select_n3A_609, %eq3A_696 : vector<16xi32>
      %eq3A_698 = arith.constant 10 : i32
      %eq3A_699 = vector.broadcast %eq3A_698 : i32 to vector<16xi32>
      %eq3A_700 = arith.cmpi eq, %select_n3A_605, %eq3A_699 : vector<16xi32>
      %select_n3A_701 = arith.select %eq3A_700, %div3A, %broadcast_in_dim3A_3 : vector<16xi1>, vector<16xf32>
      %select_n3A_702 = arith.select %eq3A_697, %sub3A_615, %select_n3A_701 : vector<16xi1>, vector<16xf32>
      %eq3A_703 = arith.constant 11 : i32
      %eq3A_704 = vector.broadcast %eq3A_703 : i32 to vector<16xi32>
      %eq3A_705 = arith.cmpi eq, %select_n3A_609, %eq3A_704 : vector<16xi32>
      %eq3A_706 = arith.constant 11 : i32
      %eq3A_707 = vector.broadcast %eq3A_706 : i32 to vector<16xi32>
      %eq3A_708 = arith.cmpi eq, %select_n3A_605, %eq3A_707 : vector<16xi32>
      %select_n3A_709 = arith.select %eq3A_708, %div3A, %broadcast_in_dim3A_3 : vector<16xi1>, vector<16xf32>
      %select_n3A_710 = arith.select %eq3A_705, %sub3A_615, %select_n3A_709 : vector<16xi1>, vector<16xf32>
      %eq3A_711 = arith.constant 12 : i32
      %eq3A_712 = vector.broadcast %eq3A_711 : i32 to vector<16xi32>
      %eq3A_713 = arith.cmpi eq, %select_n3A_609, %eq3A_712 : vector<16xi32>
      %eq3A_714 = arith.constant 12 : i32
      %eq3A_715 = vector.broadcast %eq3A_714 : i32 to vector<16xi32>
      %eq3A_716 = arith.cmpi eq, %select_n3A_605, %eq3A_715 : vector<16xi32>
      %select_n3A_717 = arith.select %eq3A_716, %div3A, %broadcast_in_dim3A_3 : vector<16xi1>, vector<16xf32>
      %select_n3A_718 = arith.select %eq3A_713, %sub3A_615, %select_n3A_717 : vector<16xi1>, vector<16xf32>
      %eq3A_719 = arith.constant 13 : i32
      %eq3A_720 = vector.broadcast %eq3A_719 : i32 to vector<16xi32>
      %eq3A_721 = arith.cmpi eq, %select_n3A_609, %eq3A_720 : vector<16xi32>
      %eq3A_722 = arith.constant 13 : i32
      %eq3A_723 = vector.broadcast %eq3A_722 : i32 to vector<16xi32>
      %eq3A_724 = arith.cmpi eq, %select_n3A_605, %eq3A_723 : vector<16xi32>
      %select_n3A_725 = arith.select %eq3A_724, %div3A, %broadcast_in_dim3A_3 : vector<16xi1>, vector<16xf32>
      %select_n3A_726 = arith.select %eq3A_721, %sub3A_615, %select_n3A_725 : vector<16xi1>, vector<16xf32>
      %eq3A_727 = arith.constant 14 : i32
      %eq3A_728 = vector.broadcast %eq3A_727 : i32 to vector<16xi32>
      %eq3A_729 = arith.cmpi eq, %select_n3A_609, %eq3A_728 : vector<16xi32>
      %eq3A_730 = arith.constant 14 : i32
      %eq3A_731 = vector.broadcast %eq3A_730 : i32 to vector<16xi32>
      %eq3A_732 = arith.cmpi eq, %select_n3A_605, %eq3A_731 : vector<16xi32>
      %select_n3A_733 = arith.select %eq3A_732, %div3A, %broadcast_in_dim3A_3 : vector<16xi1>, vector<16xf32>
      %select_n3A_734 = arith.select %eq3A_729, %sub3A_615, %select_n3A_733 : vector<16xi1>, vector<16xf32>
      %eq3A_735 = arith.constant 15 : i32
      %eq3A_736 = vector.broadcast %eq3A_735 : i32 to vector<16xi32>
      %eq3A_737 = arith.cmpi eq, %select_n3A_609, %eq3A_736 : vector<16xi32>
      %eq3A_738 = arith.constant 15 : i32
      %eq3A_739 = vector.broadcast %eq3A_738 : i32 to vector<16xi32>
      %eq3A_740 = arith.cmpi eq, %select_n3A_605, %eq3A_739 : vector<16xi32>
      %select_n3A_741 = arith.select %eq3A_740, %div3A, %broadcast_in_dim3A_3 : vector<16xi1>, vector<16xf32>
      %select_n3A_742 = arith.select %eq3A_737, %sub3A_615, %select_n3A_741 : vector<16xi1>, vector<16xf32>
      %broadcast_in_dim3A_743 = vector.shape_cast %xor3A_7 : vector<16xi32> to vector<16x1xi32>
      %gather3A_744 = vector.shape_cast %broadcast_in_dim3A_743 : vector<16x1xi32> to vector<16xi32>
      %gather3A_745 = tpu.dynamic_gather %select_n3A_630[%gather3A_744] in [0] : vector<16xf32>, vector<16xi32> -> vector<16xf32>
      %select_n3A_746 = arith.select %ne3A_20, %gather3A_745, %select_n3A_622 : vector<16xi1>, vector<16xf32>
      %broadcast_in_dim3A_747 = vector.shape_cast %xor3A_7 : vector<16xi32> to vector<16x1xi32>
      %gather3A_748 = vector.shape_cast %broadcast_in_dim3A_747 : vector<16x1xi32> to vector<16xi32>
      %gather3A_749 = tpu.dynamic_gather %select_n3A_622[%gather3A_748] in [0] : vector<16xf32>, vector<16xi32> -> vector<16xf32>
      %select_n3A_750 = arith.select %ne3A_20, %select_n3A_630, %gather3A_749 : vector<16xi1>, vector<16xf32>
      %broadcast_in_dim3A_751 = vector.shape_cast %xor3A_7 : vector<16xi32> to vector<16x1xi32>
      %gather3A_752 = vector.shape_cast %broadcast_in_dim3A_751 : vector<16x1xi32> to vector<16xi32>
      %gather3A_753 = tpu.dynamic_gather %select_n3A_646[%gather3A_752] in [0] : vector<16xf32>, vector<16xi32> -> vector<16xf32>
      %select_n3A_754 = arith.select %ne3A_20, %gather3A_753, %select_n3A_638 : vector<16xi1>, vector<16xf32>
      %broadcast_in_dim3A_755 = vector.shape_cast %xor3A_7 : vector<16xi32> to vector<16x1xi32>
      %gather3A_756 = vector.shape_cast %broadcast_in_dim3A_755 : vector<16x1xi32> to vector<16xi32>
      %gather3A_757 = tpu.dynamic_gather %select_n3A_638[%gather3A_756] in [0] : vector<16xf32>, vector<16xi32> -> vector<16xf32>
      %select_n3A_758 = arith.select %ne3A_20, %select_n3A_646, %gather3A_757 : vector<16xi1>, vector<16xf32>
      %broadcast_in_dim3A_759 = vector.shape_cast %xor3A_7 : vector<16xi32> to vector<16x1xi32>
      %gather3A_760 = vector.shape_cast %broadcast_in_dim3A_759 : vector<16x1xi32> to vector<16xi32>
      %gather3A_761 = tpu.dynamic_gather %select_n3A_662[%gather3A_760] in [0] : vector<16xf32>, vector<16xi32> -> vector<16xf32>
      %select_n3A_762 = arith.select %ne3A_20, %gather3A_761, %select_n3A_654 : vector<16xi1>, vector<16xf32>
      %broadcast_in_dim3A_763 = vector.shape_cast %xor3A_7 : vector<16xi32> to vector<16x1xi32>
      %gather3A_764 = vector.shape_cast %broadcast_in_dim3A_763 : vector<16x1xi32> to vector<16xi32>
      %gather3A_765 = tpu.dynamic_gather %select_n3A_654[%gather3A_764] in [0] : vector<16xf32>, vector<16xi32> -> vector<16xf32>
      %select_n3A_766 = arith.select %ne3A_20, %select_n3A_662, %gather3A_765 : vector<16xi1>, vector<16xf32>
      %broadcast_in_dim3A_767 = vector.shape_cast %xor3A_7 : vector<16xi32> to vector<16x1xi32>
      %gather3A_768 = vector.shape_cast %broadcast_in_dim3A_767 : vector<16x1xi32> to vector<16xi32>
      %gather3A_769 = tpu.dynamic_gather %select_n3A_678[%gather3A_768] in [0] : vector<16xf32>, vector<16xi32> -> vector<16xf32>
      %select_n3A_770 = arith.select %ne3A_20, %gather3A_769, %select_n3A_670 : vector<16xi1>, vector<16xf32>
      %broadcast_in_dim3A_771 = vector.shape_cast %xor3A_7 : vector<16xi32> to vector<16x1xi32>
      %gather3A_772 = vector.shape_cast %broadcast_in_dim3A_771 : vector<16x1xi32> to vector<16xi32>
      %gather3A_773 = tpu.dynamic_gather %select_n3A_670[%gather3A_772] in [0] : vector<16xf32>, vector<16xi32> -> vector<16xf32>
      %select_n3A_774 = arith.select %ne3A_20, %select_n3A_678, %gather3A_773 : vector<16xi1>, vector<16xf32>
      %broadcast_in_dim3A_775 = vector.shape_cast %xor3A_7 : vector<16xi32> to vector<16x1xi32>
      %gather3A_776 = vector.shape_cast %broadcast_in_dim3A_775 : vector<16x1xi32> to vector<16xi32>
      %gather3A_777 = tpu.dynamic_gather %select_n3A_694[%gather3A_776] in [0] : vector<16xf32>, vector<16xi32> -> vector<16xf32>
      %select_n3A_778 = arith.select %ne3A_20, %gather3A_777, %select_n3A_686 : vector<16xi1>, vector<16xf32>
      %broadcast_in_dim3A_779 = vector.shape_cast %xor3A_7 : vector<16xi32> to vector<16x1xi32>
      %gather3A_780 = vector.shape_cast %broadcast_in_dim3A_779 : vector<16x1xi32> to vector<16xi32>
      %gather3A_781 = tpu.dynamic_gather %select_n3A_686[%gather3A_780] in [0] : vector<16xf32>, vector<16xi32> -> vector<16xf32>
      %select_n3A_782 = arith.select %ne3A_20, %select_n3A_694, %gather3A_781 : vector<16xi1>, vector<16xf32>
      %broadcast_in_dim3A_783 = vector.shape_cast %xor3A_7 : vector<16xi32> to vector<16x1xi32>
      %gather3A_784 = vector.shape_cast %broadcast_in_dim3A_783 : vector<16x1xi32> to vector<16xi32>
      %gather3A_785 = tpu.dynamic_gather %select_n3A_710[%gather3A_784] in [0] : vector<16xf32>, vector<16xi32> -> vector<16xf32>
      %select_n3A_786 = arith.select %ne3A_20, %gather3A_785, %select_n3A_702 : vector<16xi1>, vector<16xf32>
      %broadcast_in_dim3A_787 = vector.shape_cast %xor3A_7 : vector<16xi32> to vector<16x1xi32>
      %gather3A_788 = vector.shape_cast %broadcast_in_dim3A_787 : vector<16x1xi32> to vector<16xi32>
      %gather3A_789 = tpu.dynamic_gather %select_n3A_702[%gather3A_788] in [0] : vector<16xf32>, vector<16xi32> -> vector<16xf32>
      %select_n3A_790 = arith.select %ne3A_20, %select_n3A_710, %gather3A_789 : vector<16xi1>, vector<16xf32>
      %broadcast_in_dim3A_791 = vector.shape_cast %xor3A_7 : vector<16xi32> to vector<16x1xi32>
      %gather3A_792 = vector.shape_cast %broadcast_in_dim3A_791 : vector<16x1xi32> to vector<16xi32>
      %gather3A_793 = tpu.dynamic_gather %select_n3A_726[%gather3A_792] in [0] : vector<16xf32>, vector<16xi32> -> vector<16xf32>
      %select_n3A_794 = arith.select %ne3A_20, %gather3A_793, %select_n3A_718 : vector<16xi1>, vector<16xf32>
      %broadcast_in_dim3A_795 = vector.shape_cast %xor3A_7 : vector<16xi32> to vector<16x1xi32>
      %gather3A_796 = vector.shape_cast %broadcast_in_dim3A_795 : vector<16x1xi32> to vector<16xi32>
      %gather3A_797 = tpu.dynamic_gather %select_n3A_718[%gather3A_796] in [0] : vector<16xf32>, vector<16xi32> -> vector<16xf32>
      %select_n3A_798 = arith.select %ne3A_20, %select_n3A_726, %gather3A_797 : vector<16xi1>, vector<16xf32>
      %broadcast_in_dim3A_799 = vector.shape_cast %xor3A_7 : vector<16xi32> to vector<16x1xi32>
      %gather3A_800 = vector.shape_cast %broadcast_in_dim3A_799 : vector<16x1xi32> to vector<16xi32>
      %gather3A_801 = tpu.dynamic_gather %select_n3A_742[%gather3A_800] in [0] : vector<16xf32>, vector<16xi32> -> vector<16xf32>
      %select_n3A_802 = arith.select %ne3A_20, %gather3A_801, %select_n3A_734 : vector<16xi1>, vector<16xf32>
      %broadcast_in_dim3A_803 = vector.shape_cast %xor3A_7 : vector<16xi32> to vector<16x1xi32>
      %gather3A_804 = vector.shape_cast %broadcast_in_dim3A_803 : vector<16x1xi32> to vector<16xi32>
      %gather3A_805 = tpu.dynamic_gather %select_n3A_734[%gather3A_804] in [0] : vector<16xf32>, vector<16xi32> -> vector<16xf32>
      %select_n3A_806 = arith.select %ne3A_20, %select_n3A_742, %gather3A_805 : vector<16xi1>, vector<16xf32>
      %broadcast_in_dim3A_807 = vector.shape_cast %xor3A_10 : vector<16xi32> to vector<16x1xi32>
      %gather3A_808 = vector.shape_cast %broadcast_in_dim3A_807 : vector<16x1xi32> to vector<16xi32>
      %gather3A_809 = tpu.dynamic_gather %select_n3A_754[%gather3A_808] in [0] : vector<16xf32>, vector<16xi32> -> vector<16xf32>
      %select_n3A_810 = arith.select %ne3A_26, %gather3A_809, %select_n3A_746 : vector<16xi1>, vector<16xf32>
      %broadcast_in_dim3A_811 = vector.shape_cast %xor3A_10 : vector<16xi32> to vector<16x1xi32>
      %gather3A_812 = vector.shape_cast %broadcast_in_dim3A_811 : vector<16x1xi32> to vector<16xi32>
      %gather3A_813 = tpu.dynamic_gather %select_n3A_746[%gather3A_812] in [0] : vector<16xf32>, vector<16xi32> -> vector<16xf32>
      %select_n3A_814 = arith.select %ne3A_26, %select_n3A_754, %gather3A_813 : vector<16xi1>, vector<16xf32>
      %broadcast_in_dim3A_815 = vector.shape_cast %xor3A_10 : vector<16xi32> to vector<16x1xi32>
      %gather3A_816 = vector.shape_cast %broadcast_in_dim3A_815 : vector<16x1xi32> to vector<16xi32>
      %gather3A_817 = tpu.dynamic_gather %select_n3A_758[%gather3A_816] in [0] : vector<16xf32>, vector<16xi32> -> vector<16xf32>
      %select_n3A_818 = arith.select %ne3A_26, %gather3A_817, %select_n3A_750 : vector<16xi1>, vector<16xf32>
      %broadcast_in_dim3A_819 = vector.shape_cast %xor3A_10 : vector<16xi32> to vector<16x1xi32>
      %gather3A_820 = vector.shape_cast %broadcast_in_dim3A_819 : vector<16x1xi32> to vector<16xi32>
      %gather3A_821 = tpu.dynamic_gather %select_n3A_750[%gather3A_820] in [0] : vector<16xf32>, vector<16xi32> -> vector<16xf32>
      %select_n3A_822 = arith.select %ne3A_26, %select_n3A_758, %gather3A_821 : vector<16xi1>, vector<16xf32>
      %broadcast_in_dim3A_823 = vector.shape_cast %xor3A_10 : vector<16xi32> to vector<16x1xi32>
      %gather3A_824 = vector.shape_cast %broadcast_in_dim3A_823 : vector<16x1xi32> to vector<16xi32>
      %gather3A_825 = tpu.dynamic_gather %select_n3A_770[%gather3A_824] in [0] : vector<16xf32>, vector<16xi32> -> vector<16xf32>
      %select_n3A_826 = arith.select %ne3A_26, %gather3A_825, %select_n3A_762 : vector<16xi1>, vector<16xf32>
      %broadcast_in_dim3A_827 = vector.shape_cast %xor3A_10 : vector<16xi32> to vector<16x1xi32>
      %gather3A_828 = vector.shape_cast %broadcast_in_dim3A_827 : vector<16x1xi32> to vector<16xi32>
      %gather3A_829 = tpu.dynamic_gather %select_n3A_762[%gather3A_828] in [0] : vector<16xf32>, vector<16xi32> -> vector<16xf32>
      %select_n3A_830 = arith.select %ne3A_26, %select_n3A_770, %gather3A_829 : vector<16xi1>, vector<16xf32>
      %broadcast_in_dim3A_831 = vector.shape_cast %xor3A_10 : vector<16xi32> to vector<16x1xi32>
      %gather3A_832 = vector.shape_cast %broadcast_in_dim3A_831 : vector<16x1xi32> to vector<16xi32>
      %gather3A_833 = tpu.dynamic_gather %select_n3A_774[%gather3A_832] in [0] : vector<16xf32>, vector<16xi32> -> vector<16xf32>
      %select_n3A_834 = arith.select %ne3A_26, %gather3A_833, %select_n3A_766 : vector<16xi1>, vector<16xf32>
      %broadcast_in_dim3A_835 = vector.shape_cast %xor3A_10 : vector<16xi32> to vector<16x1xi32>
      %gather3A_836 = vector.shape_cast %broadcast_in_dim3A_835 : vector<16x1xi32> to vector<16xi32>
      %gather3A_837 = tpu.dynamic_gather %select_n3A_766[%gather3A_836] in [0] : vector<16xf32>, vector<16xi32> -> vector<16xf32>
      %select_n3A_838 = arith.select %ne3A_26, %select_n3A_774, %gather3A_837 : vector<16xi1>, vector<16xf32>
      %broadcast_in_dim3A_839 = vector.shape_cast %xor3A_10 : vector<16xi32> to vector<16x1xi32>
      %gather3A_840 = vector.shape_cast %broadcast_in_dim3A_839 : vector<16x1xi32> to vector<16xi32>
      %gather3A_841 = tpu.dynamic_gather %select_n3A_786[%gather3A_840] in [0] : vector<16xf32>, vector<16xi32> -> vector<16xf32>
      %select_n3A_842 = arith.select %ne3A_26, %gather3A_841, %select_n3A_778 : vector<16xi1>, vector<16xf32>
      %broadcast_in_dim3A_843 = vector.shape_cast %xor3A_10 : vector<16xi32> to vector<16x1xi32>
      %gather3A_844 = vector.shape_cast %broadcast_in_dim3A_843 : vector<16x1xi32> to vector<16xi32>
      %gather3A_845 = tpu.dynamic_gather %select_n3A_778[%gather3A_844] in [0] : vector<16xf32>, vector<16xi32> -> vector<16xf32>
      %select_n3A_846 = arith.select %ne3A_26, %select_n3A_786, %gather3A_845 : vector<16xi1>, vector<16xf32>
      %broadcast_in_dim3A_847 = vector.shape_cast %xor3A_10 : vector<16xi32> to vector<16x1xi32>
      %gather3A_848 = vector.shape_cast %broadcast_in_dim3A_847 : vector<16x1xi32> to vector<16xi32>
      %gather3A_849 = tpu.dynamic_gather %select_n3A_790[%gather3A_848] in [0] : vector<16xf32>, vector<16xi32> -> vector<16xf32>
      %select_n3A_850 = arith.select %ne3A_26, %gather3A_849, %select_n3A_782 : vector<16xi1>, vector<16xf32>
      %broadcast_in_dim3A_851 = vector.shape_cast %xor3A_10 : vector<16xi32> to vector<16x1xi32>
      %gather3A_852 = vector.shape_cast %broadcast_in_dim3A_851 : vector<16x1xi32> to vector<16xi32>
      %gather3A_853 = tpu.dynamic_gather %select_n3A_782[%gather3A_852] in [0] : vector<16xf32>, vector<16xi32> -> vector<16xf32>
      %select_n3A_854 = arith.select %ne3A_26, %select_n3A_790, %gather3A_853 : vector<16xi1>, vector<16xf32>
      %broadcast_in_dim3A_855 = vector.shape_cast %xor3A_10 : vector<16xi32> to vector<16x1xi32>
      %gather3A_856 = vector.shape_cast %broadcast_in_dim3A_855 : vector<16x1xi32> to vector<16xi32>
      %gather3A_857 = tpu.dynamic_gather %select_n3A_802[%gather3A_856] in [0] : vector<16xf32>, vector<16xi32> -> vector<16xf32>
      %select_n3A_858 = arith.select %ne3A_26, %gather3A_857, %select_n3A_794 : vector<16xi1>, vector<16xf32>
      %broadcast_in_dim3A_859 = vector.shape_cast %xor3A_10 : vector<16xi32> to vector<16x1xi32>
      %gather3A_860 = vector.shape_cast %broadcast_in_dim3A_859 : vector<16x1xi32> to vector<16xi32>
      %gather3A_861 = tpu.dynamic_gather %select_n3A_794[%gather3A_860] in [0] : vector<16xf32>, vector<16xi32> -> vector<16xf32>
      %select_n3A_862 = arith.select %ne3A_26, %select_n3A_802, %gather3A_861 : vector<16xi1>, vector<16xf32>
      %broadcast_in_dim3A_863 = vector.shape_cast %xor3A_10 : vector<16xi32> to vector<16x1xi32>
      %gather3A_864 = vector.shape_cast %broadcast_in_dim3A_863 : vector<16x1xi32> to vector<16xi32>
      %gather3A_865 = tpu.dynamic_gather %select_n3A_806[%gather3A_864] in [0] : vector<16xf32>, vector<16xi32> -> vector<16xf32>
      %select_n3A_866 = arith.select %ne3A_26, %gather3A_865, %select_n3A_798 : vector<16xi1>, vector<16xf32>
      %broadcast_in_dim3A_867 = vector.shape_cast %xor3A_10 : vector<16xi32> to vector<16x1xi32>
      %gather3A_868 = vector.shape_cast %broadcast_in_dim3A_867 : vector<16x1xi32> to vector<16xi32>
      %gather3A_869 = tpu.dynamic_gather %select_n3A_798[%gather3A_868] in [0] : vector<16xf32>, vector<16xi32> -> vector<16xf32>
      %select_n3A_870 = arith.select %ne3A_26, %select_n3A_806, %gather3A_869 : vector<16xi1>, vector<16xf32>
      %broadcast_in_dim3A_871 = vector.shape_cast %xor3A_13 : vector<16xi32> to vector<16x1xi32>
      %gather3A_872 = vector.shape_cast %broadcast_in_dim3A_871 : vector<16x1xi32> to vector<16xi32>
      %gather3A_873 = tpu.dynamic_gather %select_n3A_826[%gather3A_872] in [0] : vector<16xf32>, vector<16xi32> -> vector<16xf32>
      %select_n3A_874 = arith.select %ne3A_32, %gather3A_873, %select_n3A_810 : vector<16xi1>, vector<16xf32>
      %broadcast_in_dim3A_875 = vector.shape_cast %xor3A_13 : vector<16xi32> to vector<16x1xi32>
      %gather3A_876 = vector.shape_cast %broadcast_in_dim3A_875 : vector<16x1xi32> to vector<16xi32>
      %gather3A_877 = tpu.dynamic_gather %select_n3A_810[%gather3A_876] in [0] : vector<16xf32>, vector<16xi32> -> vector<16xf32>
      %select_n3A_878 = arith.select %ne3A_32, %select_n3A_826, %gather3A_877 : vector<16xi1>, vector<16xf32>
      %broadcast_in_dim3A_879 = vector.shape_cast %xor3A_13 : vector<16xi32> to vector<16x1xi32>
      %gather3A_880 = vector.shape_cast %broadcast_in_dim3A_879 : vector<16x1xi32> to vector<16xi32>
      %gather3A_881 = tpu.dynamic_gather %select_n3A_834[%gather3A_880] in [0] : vector<16xf32>, vector<16xi32> -> vector<16xf32>
      %select_n3A_882 = arith.select %ne3A_32, %gather3A_881, %select_n3A_818 : vector<16xi1>, vector<16xf32>
      %broadcast_in_dim3A_883 = vector.shape_cast %xor3A_13 : vector<16xi32> to vector<16x1xi32>
      %gather3A_884 = vector.shape_cast %broadcast_in_dim3A_883 : vector<16x1xi32> to vector<16xi32>
      %gather3A_885 = tpu.dynamic_gather %select_n3A_818[%gather3A_884] in [0] : vector<16xf32>, vector<16xi32> -> vector<16xf32>
      %select_n3A_886 = arith.select %ne3A_32, %select_n3A_834, %gather3A_885 : vector<16xi1>, vector<16xf32>
      %broadcast_in_dim3A_887 = vector.shape_cast %xor3A_13 : vector<16xi32> to vector<16x1xi32>
      %gather3A_888 = vector.shape_cast %broadcast_in_dim3A_887 : vector<16x1xi32> to vector<16xi32>
      %gather3A_889 = tpu.dynamic_gather %select_n3A_830[%gather3A_888] in [0] : vector<16xf32>, vector<16xi32> -> vector<16xf32>
      %select_n3A_890 = arith.select %ne3A_32, %gather3A_889, %select_n3A_814 : vector<16xi1>, vector<16xf32>
      %broadcast_in_dim3A_891 = vector.shape_cast %xor3A_13 : vector<16xi32> to vector<16x1xi32>
      %gather3A_892 = vector.shape_cast %broadcast_in_dim3A_891 : vector<16x1xi32> to vector<16xi32>
      %gather3A_893 = tpu.dynamic_gather %select_n3A_814[%gather3A_892] in [0] : vector<16xf32>, vector<16xi32> -> vector<16xf32>
      %select_n3A_894 = arith.select %ne3A_32, %select_n3A_830, %gather3A_893 : vector<16xi1>, vector<16xf32>
      %broadcast_in_dim3A_895 = vector.shape_cast %xor3A_13 : vector<16xi32> to vector<16x1xi32>
      %gather3A_896 = vector.shape_cast %broadcast_in_dim3A_895 : vector<16x1xi32> to vector<16xi32>
      %gather3A_897 = tpu.dynamic_gather %select_n3A_838[%gather3A_896] in [0] : vector<16xf32>, vector<16xi32> -> vector<16xf32>
      %select_n3A_898 = arith.select %ne3A_32, %gather3A_897, %select_n3A_822 : vector<16xi1>, vector<16xf32>
      %broadcast_in_dim3A_899 = vector.shape_cast %xor3A_13 : vector<16xi32> to vector<16x1xi32>
      %gather3A_900 = vector.shape_cast %broadcast_in_dim3A_899 : vector<16x1xi32> to vector<16xi32>
      %gather3A_901 = tpu.dynamic_gather %select_n3A_822[%gather3A_900] in [0] : vector<16xf32>, vector<16xi32> -> vector<16xf32>
      %select_n3A_902 = arith.select %ne3A_32, %select_n3A_838, %gather3A_901 : vector<16xi1>, vector<16xf32>
      %broadcast_in_dim3A_903 = vector.shape_cast %xor3A_13 : vector<16xi32> to vector<16x1xi32>
      %gather3A_904 = vector.shape_cast %broadcast_in_dim3A_903 : vector<16x1xi32> to vector<16xi32>
      %gather3A_905 = tpu.dynamic_gather %select_n3A_858[%gather3A_904] in [0] : vector<16xf32>, vector<16xi32> -> vector<16xf32>
      %select_n3A_906 = arith.select %ne3A_32, %gather3A_905, %select_n3A_842 : vector<16xi1>, vector<16xf32>
      %broadcast_in_dim3A_907 = vector.shape_cast %xor3A_13 : vector<16xi32> to vector<16x1xi32>
      %gather3A_908 = vector.shape_cast %broadcast_in_dim3A_907 : vector<16x1xi32> to vector<16xi32>
      %gather3A_909 = tpu.dynamic_gather %select_n3A_842[%gather3A_908] in [0] : vector<16xf32>, vector<16xi32> -> vector<16xf32>
      %select_n3A_910 = arith.select %ne3A_32, %select_n3A_858, %gather3A_909 : vector<16xi1>, vector<16xf32>
      %broadcast_in_dim3A_911 = vector.shape_cast %xor3A_13 : vector<16xi32> to vector<16x1xi32>
      %gather3A_912 = vector.shape_cast %broadcast_in_dim3A_911 : vector<16x1xi32> to vector<16xi32>
      %gather3A_913 = tpu.dynamic_gather %select_n3A_866[%gather3A_912] in [0] : vector<16xf32>, vector<16xi32> -> vector<16xf32>
      %select_n3A_914 = arith.select %ne3A_32, %gather3A_913, %select_n3A_850 : vector<16xi1>, vector<16xf32>
      %broadcast_in_dim3A_915 = vector.shape_cast %xor3A_13 : vector<16xi32> to vector<16x1xi32>
      %gather3A_916 = vector.shape_cast %broadcast_in_dim3A_915 : vector<16x1xi32> to vector<16xi32>
      %gather3A_917 = tpu.dynamic_gather %select_n3A_850[%gather3A_916] in [0] : vector<16xf32>, vector<16xi32> -> vector<16xf32>
      %select_n3A_918 = arith.select %ne3A_32, %select_n3A_866, %gather3A_917 : vector<16xi1>, vector<16xf32>
      %broadcast_in_dim3A_919 = vector.shape_cast %xor3A_13 : vector<16xi32> to vector<16x1xi32>
      %gather3A_920 = vector.shape_cast %broadcast_in_dim3A_919 : vector<16x1xi32> to vector<16xi32>
      %gather3A_921 = tpu.dynamic_gather %select_n3A_862[%gather3A_920] in [0] : vector<16xf32>, vector<16xi32> -> vector<16xf32>
      %select_n3A_922 = arith.select %ne3A_32, %gather3A_921, %select_n3A_846 : vector<16xi1>, vector<16xf32>
      %broadcast_in_dim3A_923 = vector.shape_cast %xor3A_13 : vector<16xi32> to vector<16x1xi32>
      %gather3A_924 = vector.shape_cast %broadcast_in_dim3A_923 : vector<16x1xi32> to vector<16xi32>
      %gather3A_925 = tpu.dynamic_gather %select_n3A_846[%gather3A_924] in [0] : vector<16xf32>, vector<16xi32> -> vector<16xf32>
      %select_n3A_926 = arith.select %ne3A_32, %select_n3A_862, %gather3A_925 : vector<16xi1>, vector<16xf32>
      %broadcast_in_dim3A_927 = vector.shape_cast %xor3A_13 : vector<16xi32> to vector<16x1xi32>
      %gather3A_928 = vector.shape_cast %broadcast_in_dim3A_927 : vector<16x1xi32> to vector<16xi32>
      %gather3A_929 = tpu.dynamic_gather %select_n3A_870[%gather3A_928] in [0] : vector<16xf32>, vector<16xi32> -> vector<16xf32>
      %select_n3A_930 = arith.select %ne3A_32, %gather3A_929, %select_n3A_854 : vector<16xi1>, vector<16xf32>
      %broadcast_in_dim3A_931 = vector.shape_cast %xor3A_13 : vector<16xi32> to vector<16x1xi32>
      %gather3A_932 = vector.shape_cast %broadcast_in_dim3A_931 : vector<16x1xi32> to vector<16xi32>
      %gather3A_933 = tpu.dynamic_gather %select_n3A_854[%gather3A_932] in [0] : vector<16xf32>, vector<16xi32> -> vector<16xf32>
      %select_n3A_934 = arith.select %ne3A_32, %select_n3A_870, %gather3A_933 : vector<16xi1>, vector<16xf32>
      %broadcast_in_dim3A_935 = vector.shape_cast %xor3A_16 : vector<16xi32> to vector<16x1xi32>
      %gather3A_936 = vector.shape_cast %broadcast_in_dim3A_935 : vector<16x1xi32> to vector<16xi32>
      %gather3A_937 = tpu.dynamic_gather %select_n3A_906[%gather3A_936] in [0] : vector<16xf32>, vector<16xi32> -> vector<16xf32>
      %select_n3A_938 = arith.select %ne3A_38, %gather3A_937, %select_n3A_874 : vector<16xi1>, vector<16xf32>
      %broadcast_in_dim3A_939 = vector.shape_cast %xor3A_16 : vector<16xi32> to vector<16x1xi32>
      %gather3A_940 = vector.shape_cast %broadcast_in_dim3A_939 : vector<16x1xi32> to vector<16xi32>
      %gather3A_941 = tpu.dynamic_gather %select_n3A_874[%gather3A_940] in [0] : vector<16xf32>, vector<16xi32> -> vector<16xf32>
      %select_n3A_942 = arith.select %ne3A_38, %select_n3A_906, %gather3A_941 : vector<16xi1>, vector<16xf32>
      %broadcast_in_dim3A_943 = vector.shape_cast %xor3A_16 : vector<16xi32> to vector<16x1xi32>
      %gather3A_944 = vector.shape_cast %broadcast_in_dim3A_943 : vector<16x1xi32> to vector<16xi32>
      %gather3A_945 = tpu.dynamic_gather %select_n3A_914[%gather3A_944] in [0] : vector<16xf32>, vector<16xi32> -> vector<16xf32>
      %select_n3A_946 = arith.select %ne3A_38, %gather3A_945, %select_n3A_882 : vector<16xi1>, vector<16xf32>
      %broadcast_in_dim3A_947 = vector.shape_cast %xor3A_16 : vector<16xi32> to vector<16x1xi32>
      %gather3A_948 = vector.shape_cast %broadcast_in_dim3A_947 : vector<16x1xi32> to vector<16xi32>
      %gather3A_949 = tpu.dynamic_gather %select_n3A_882[%gather3A_948] in [0] : vector<16xf32>, vector<16xi32> -> vector<16xf32>
      %select_n3A_950 = arith.select %ne3A_38, %select_n3A_914, %gather3A_949 : vector<16xi1>, vector<16xf32>
      %broadcast_in_dim3A_951 = vector.shape_cast %xor3A_16 : vector<16xi32> to vector<16x1xi32>
      %gather3A_952 = vector.shape_cast %broadcast_in_dim3A_951 : vector<16x1xi32> to vector<16xi32>
      %gather3A_953 = tpu.dynamic_gather %select_n3A_922[%gather3A_952] in [0] : vector<16xf32>, vector<16xi32> -> vector<16xf32>
      %select_n3A_954 = arith.select %ne3A_38, %gather3A_953, %select_n3A_890 : vector<16xi1>, vector<16xf32>
      %broadcast_in_dim3A_955 = vector.shape_cast %xor3A_16 : vector<16xi32> to vector<16x1xi32>
      %gather3A_956 = vector.shape_cast %broadcast_in_dim3A_955 : vector<16x1xi32> to vector<16xi32>
      %gather3A_957 = tpu.dynamic_gather %select_n3A_890[%gather3A_956] in [0] : vector<16xf32>, vector<16xi32> -> vector<16xf32>
      %select_n3A_958 = arith.select %ne3A_38, %select_n3A_922, %gather3A_957 : vector<16xi1>, vector<16xf32>
      %broadcast_in_dim3A_959 = vector.shape_cast %xor3A_16 : vector<16xi32> to vector<16x1xi32>
      %gather3A_960 = vector.shape_cast %broadcast_in_dim3A_959 : vector<16x1xi32> to vector<16xi32>
      %gather3A_961 = tpu.dynamic_gather %select_n3A_930[%gather3A_960] in [0] : vector<16xf32>, vector<16xi32> -> vector<16xf32>
      %select_n3A_962 = arith.select %ne3A_38, %gather3A_961, %select_n3A_898 : vector<16xi1>, vector<16xf32>
      %broadcast_in_dim3A_963 = vector.shape_cast %xor3A_16 : vector<16xi32> to vector<16x1xi32>
      %gather3A_964 = vector.shape_cast %broadcast_in_dim3A_963 : vector<16x1xi32> to vector<16xi32>
      %gather3A_965 = tpu.dynamic_gather %select_n3A_898[%gather3A_964] in [0] : vector<16xf32>, vector<16xi32> -> vector<16xf32>
      %select_n3A_966 = arith.select %ne3A_38, %select_n3A_930, %gather3A_965 : vector<16xi1>, vector<16xf32>
      %broadcast_in_dim3A_967 = vector.shape_cast %xor3A_16 : vector<16xi32> to vector<16x1xi32>
      %gather3A_968 = vector.shape_cast %broadcast_in_dim3A_967 : vector<16x1xi32> to vector<16xi32>
      %gather3A_969 = tpu.dynamic_gather %select_n3A_910[%gather3A_968] in [0] : vector<16xf32>, vector<16xi32> -> vector<16xf32>
      %select_n3A_970 = arith.select %ne3A_38, %gather3A_969, %select_n3A_878 : vector<16xi1>, vector<16xf32>
      %broadcast_in_dim3A_971 = vector.shape_cast %xor3A_16 : vector<16xi32> to vector<16x1xi32>
      %gather3A_972 = vector.shape_cast %broadcast_in_dim3A_971 : vector<16x1xi32> to vector<16xi32>
      %gather3A_973 = tpu.dynamic_gather %select_n3A_878[%gather3A_972] in [0] : vector<16xf32>, vector<16xi32> -> vector<16xf32>
      %select_n3A_974 = arith.select %ne3A_38, %select_n3A_910, %gather3A_973 : vector<16xi1>, vector<16xf32>
      %broadcast_in_dim3A_975 = vector.shape_cast %xor3A_16 : vector<16xi32> to vector<16x1xi32>
      %gather3A_976 = vector.shape_cast %broadcast_in_dim3A_975 : vector<16x1xi32> to vector<16xi32>
      %gather3A_977 = tpu.dynamic_gather %select_n3A_918[%gather3A_976] in [0] : vector<16xf32>, vector<16xi32> -> vector<16xf32>
      %select_n3A_978 = arith.select %ne3A_38, %gather3A_977, %select_n3A_886 : vector<16xi1>, vector<16xf32>
      %broadcast_in_dim3A_979 = vector.shape_cast %xor3A_16 : vector<16xi32> to vector<16x1xi32>
      %gather3A_980 = vector.shape_cast %broadcast_in_dim3A_979 : vector<16x1xi32> to vector<16xi32>
      %gather3A_981 = tpu.dynamic_gather %select_n3A_886[%gather3A_980] in [0] : vector<16xf32>, vector<16xi32> -> vector<16xf32>
      %select_n3A_982 = arith.select %ne3A_38, %select_n3A_918, %gather3A_981 : vector<16xi1>, vector<16xf32>
      %broadcast_in_dim3A_983 = vector.shape_cast %xor3A_16 : vector<16xi32> to vector<16x1xi32>
      %gather3A_984 = vector.shape_cast %broadcast_in_dim3A_983 : vector<16x1xi32> to vector<16xi32>
      %gather3A_985 = tpu.dynamic_gather %select_n3A_926[%gather3A_984] in [0] : vector<16xf32>, vector<16xi32> -> vector<16xf32>
      %select_n3A_986 = arith.select %ne3A_38, %gather3A_985, %select_n3A_894 : vector<16xi1>, vector<16xf32>
      %broadcast_in_dim3A_987 = vector.shape_cast %xor3A_16 : vector<16xi32> to vector<16x1xi32>
      %gather3A_988 = vector.shape_cast %broadcast_in_dim3A_987 : vector<16x1xi32> to vector<16xi32>
      %gather3A_989 = tpu.dynamic_gather %select_n3A_894[%gather3A_988] in [0] : vector<16xf32>, vector<16xi32> -> vector<16xf32>
      %select_n3A_990 = arith.select %ne3A_38, %select_n3A_926, %gather3A_989 : vector<16xi1>, vector<16xf32>
      %broadcast_in_dim3A_991 = vector.shape_cast %xor3A_16 : vector<16xi32> to vector<16x1xi32>
      %gather3A_992 = vector.shape_cast %broadcast_in_dim3A_991 : vector<16x1xi32> to vector<16xi32>
      %gather3A_993 = tpu.dynamic_gather %select_n3A_934[%gather3A_992] in [0] : vector<16xf32>, vector<16xi32> -> vector<16xf32>
      %select_n3A_994 = arith.select %ne3A_38, %gather3A_993, %select_n3A_902 : vector<16xi1>, vector<16xf32>
      %broadcast_in_dim3A_995 = vector.shape_cast %xor3A_16 : vector<16xi32> to vector<16x1xi32>
      %gather3A_996 = vector.shape_cast %broadcast_in_dim3A_995 : vector<16x1xi32> to vector<16xi32>
      %gather3A_997 = tpu.dynamic_gather %select_n3A_902[%gather3A_996] in [0] : vector<16xf32>, vector<16xi32> -> vector<16xf32>
      %select_n3A_998 = arith.select %ne3A_38, %select_n3A_934, %gather3A_997 : vector<16xi1>, vector<16xf32>
      %mul3A_999 = arith.constant 16 : i32
      %mul3A_1000 = arith.muli %scan3A_47, %mul3A_999 : i32
      %add3A_1001 = arith.constant 0 : i32
      %add3A_1002 = arith.addi %mul3A_1000, %add3A_1001 : i32
      %swap3A = arith.index_cast %add3A_1002 : i32 to index
      %swap3A_1003 = arith.constant 0 : index
      %swap3A_1004 = tpu.vector_load %arg5[%swap3A, %swap3A_1003] {strides = array<i32>} : memref<384x16xf32, #tpu.memory_space<vmem>>, vector<1x16xf32>,
      %swap3A_1005 = vector.shape_cast %swap3A_1004 : vector<1x16xf32> to vector<16xf32>
      %swap3A_1006 = vector.shape_cast %select_n3A_938 : vector<16xf32> to vector<1x16xf32>
      tpu.vector_store %arg5[%swap3A, %swap3A_1003], %swap3A_1006 {strides = array<i32>} : memref<384x16xf32, #tpu.memory_space<vmem>>, vector<1x16xf32>,
      %mul3A_1007 = arith.constant 16 : i32
      %mul3A_1008 = arith.muli %scan3A_47, %mul3A_1007 : i32
      %add3A_1009 = arith.constant 1 : i32
      %add3A_1010 = arith.addi %mul3A_1008, %add3A_1009 : i32
      %swap3A_1011 = arith.index_cast %add3A_1010 : i32 to index
      %swap3A_1012 = arith.constant 0 : index
      %swap3A_1013 = tpu.vector_load %arg5[%swap3A_1011, %swap3A_1012] {strides = array<i32>} : memref<384x16xf32, #tpu.memory_space<vmem>>, vector<1x16xf32>,
      %swap3A_1014 = vector.shape_cast %swap3A_1013 : vector<1x16xf32> to vector<16xf32>
      %swap3A_1015 = vector.shape_cast %select_n3A_946 : vector<16xf32> to vector<1x16xf32>
      tpu.vector_store %arg5[%swap3A_1011, %swap3A_1012], %swap3A_1015 {strides = array<i32>} : memref<384x16xf32, #tpu.memory_space<vmem>>, vector<1x16xf32>,
      %mul3A_1016 = arith.constant 16 : i32
      %mul3A_1017 = arith.muli %scan3A_47, %mul3A_1016 : i32
      %add3A_1018 = arith.constant 2 : i32
      %add3A_1019 = arith.addi %mul3A_1017, %add3A_1018 : i32
      %swap3A_1020 = arith.index_cast %add3A_1019 : i32 to index
      %swap3A_1021 = arith.constant 0 : index
      %swap3A_1022 = tpu.vector_load %arg5[%swap3A_1020, %swap3A_1021] {strides = array<i32>} : memref<384x16xf32, #tpu.memory_space<vmem>>, vector<1x16xf32>,
      %swap3A_1023 = vector.shape_cast %swap3A_1022 : vector<1x16xf32> to vector<16xf32>
      %swap3A_1024 = vector.shape_cast %select_n3A_954 : vector<16xf32> to vector<1x16xf32>
      tpu.vector_store %arg5[%swap3A_1020, %swap3A_1021], %swap3A_1024 {strides = array<i32>} : memref<384x16xf32, #tpu.memory_space<vmem>>, vector<1x16xf32>,
      %mul3A_1025 = arith.constant 16 : i32
      %mul3A_1026 = arith.muli %scan3A_47, %mul3A_1025 : i32
      %add3A_1027 = arith.constant 3 : i32
      %add3A_1028 = arith.addi %mul3A_1026, %add3A_1027 : i32
      %swap3A_1029 = arith.index_cast %add3A_1028 : i32 to index
      %swap3A_1030 = arith.constant 0 : index
      %swap3A_1031 = tpu.vector_load %arg5[%swap3A_1029, %swap3A_1030] {strides = array<i32>} : memref<384x16xf32, #tpu.memory_space<vmem>>, vector<1x16xf32>,
      %swap3A_1032 = vector.shape_cast %swap3A_1031 : vector<1x16xf32> to vector<16xf32>
      %swap3A_1033 = vector.shape_cast %select_n3A_962 : vector<16xf32> to vector<1x16xf32>
      tpu.vector_store %arg5[%swap3A_1029, %swap3A_1030], %swap3A_1033 {strides = array<i32>} : memref<384x16xf32, #tpu.memory_space<vmem>>, vector<1x16xf32>,
      %mul3A_1034 = arith.constant 16 : i32
      %mul3A_1035 = arith.muli %scan3A_47, %mul3A_1034 : i32
      %add3A_1036 = arith.constant 4 : i32
      %add3A_1037 = arith.addi %mul3A_1035, %add3A_1036 : i32
      %swap3A_1038 = arith.index_cast %add3A_1037 : i32 to index
      %swap3A_1039 = arith.constant 0 : index
      %swap3A_1040 = tpu.vector_load %arg5[%swap3A_1038, %swap3A_1039] {strides = array<i32>} : memref<384x16xf32, #tpu.memory_space<vmem>>, vector<1x16xf32>,
      %swap3A_1041 = vector.shape_cast %swap3A_1040 : vector<1x16xf32> to vector<16xf32>
      %swap3A_1042 = vector.shape_cast %select_n3A_970 : vector<16xf32> to vector<1x16xf32>
      tpu.vector_store %arg5[%swap3A_1038, %swap3A_1039], %swap3A_1042 {strides = array<i32>} : memref<384x16xf32, #tpu.memory_space<vmem>>, vector<1x16xf32>,
      %mul3A_1043 = arith.constant 16 : i32
      %mul3A_1044 = arith.muli %scan3A_47, %mul3A_1043 : i32
      %add3A_1045 = arith.constant 5 : i32
      %add3A_1046 = arith.addi %mul3A_1044, %add3A_1045 : i32
      %swap3A_1047 = arith.index_cast %add3A_1046 : i32 to index
      %swap3A_1048 = arith.constant 0 : index
      %swap3A_1049 = tpu.vector_load %arg5[%swap3A_1047, %swap3A_1048] {strides = array<i32>} : memref<384x16xf32, #tpu.memory_space<vmem>>, vector<1x16xf32>,
      %swap3A_1050 = vector.shape_cast %swap3A_1049 : vector<1x16xf32> to vector<16xf32>
      %swap3A_1051 = vector.shape_cast %select_n3A_978 : vector<16xf32> to vector<1x16xf32>
      tpu.vector_store %arg5[%swap3A_1047, %swap3A_1048], %swap3A_1051 {strides = array<i32>} : memref<384x16xf32, #tpu.memory_space<vmem>>, vector<1x16xf32>,
      %mul3A_1052 = arith.constant 16 : i32
      %mul3A_1053 = arith.muli %scan3A_47, %mul3A_1052 : i32
      %add3A_1054 = arith.constant 6 : i32
      %add3A_1055 = arith.addi %mul3A_1053, %add3A_1054 : i32
      %swap3A_1056 = arith.index_cast %add3A_1055 : i32 to index
      %swap3A_1057 = arith.constant 0 : index
      %swap3A_1058 = tpu.vector_load %arg5[%swap3A_1056, %swap3A_1057] {strides = array<i32>} : memref<384x16xf32, #tpu.memory_space<vmem>>, vector<1x16xf32>,
      %swap3A_1059 = vector.shape_cast %swap3A_1058 : vector<1x16xf32> to vector<16xf32>
      %swap3A_1060 = vector.shape_cast %select_n3A_986 : vector<16xf32> to vector<1x16xf32>
      tpu.vector_store %arg5[%swap3A_1056, %swap3A_1057], %swap3A_1060 {strides = array<i32>} : memref<384x16xf32, #tpu.memory_space<vmem>>, vector<1x16xf32>,
      %mul3A_1061 = arith.constant 16 : i32
      %mul3A_1062 = arith.muli %scan3A_47, %mul3A_1061 : i32
      %add3A_1063 = arith.constant 7 : i32
      %add3A_1064 = arith.addi %mul3A_1062, %add3A_1063 : i32
      %swap3A_1065 = arith.index_cast %add3A_1064 : i32 to index
      %swap3A_1066 = arith.constant 0 : index
      %swap3A_1067 = tpu.vector_load %arg5[%swap3A_1065, %swap3A_1066] {strides = array<i32>} : memref<384x16xf32, #tpu.memory_space<vmem>>, vector<1x16xf32>,
      %swap3A_1068 = vector.shape_cast %swap3A_1067 : vector<1x16xf32> to vector<16xf32>
      %swap3A_1069 = vector.shape_cast %select_n3A_994 : vector<16xf32> to vector<1x16xf32>
      tpu.vector_store %arg5[%swap3A_1065, %swap3A_1066], %swap3A_1069 {strides = array<i32>} : memref<384x16xf32, #tpu.memory_space<vmem>>, vector<1x16xf32>,
      %mul3A_1070 = arith.constant 16 : i32
      %mul3A_1071 = arith.muli %scan3A_47, %mul3A_1070 : i32
      %add3A_1072 = arith.constant 8 : i32
      %add3A_1073 = arith.addi %mul3A_1071, %add3A_1072 : i32
      %swap3A_1074 = arith.index_cast %add3A_1073 : i32 to index
      %swap3A_1075 = arith.constant 0 : index
      %swap3A_1076 = tpu.vector_load %arg5[%swap3A_1074, %swap3A_1075] {strides = array<i32>} : memref<384x16xf32, #tpu.memory_space<vmem>>, vector<1x16xf32>,
      %swap3A_1077 = vector.shape_cast %swap3A_1076 : vector<1x16xf32> to vector<16xf32>
      %swap3A_1078 = vector.shape_cast %select_n3A_942 : vector<16xf32> to vector<1x16xf32>
      tpu.vector_store %arg5[%swap3A_1074, %swap3A_1075], %swap3A_1078 {strides = array<i32>} : memref<384x16xf32, #tpu.memory_space<vmem>>, vector<1x16xf32>,
      %mul3A_1079 = arith.constant 16 : i32
      %mul3A_1080 = arith.muli %scan3A_47, %mul3A_1079 : i32
      %add3A_1081 = arith.constant 9 : i32
      %add3A_1082 = arith.addi %mul3A_1080, %add3A_1081 : i32
      %swap3A_1083 = arith.index_cast %add3A_1082 : i32 to index
      %swap3A_1084 = arith.constant 0 : index
      %swap3A_1085 = tpu.vector_load %arg5[%swap3A_1083, %swap3A_1084] {strides = array<i32>} : memref<384x16xf32, #tpu.memory_space<vmem>>, vector<1x16xf32>,
      %swap3A_1086 = vector.shape_cast %swap3A_1085 : vector<1x16xf32> to vector<16xf32>
      %swap3A_1087 = vector.shape_cast %select_n3A_950 : vector<16xf32> to vector<1x16xf32>
      tpu.vector_store %arg5[%swap3A_1083, %swap3A_1084], %swap3A_1087 {strides = array<i32>} : memref<384x16xf32, #tpu.memory_space<vmem>>, vector<1x16xf32>,
      %mul3A_1088 = arith.constant 16 : i32
      %mul3A_1089 = arith.muli %scan3A_47, %mul3A_1088 : i32
      %add3A_1090 = arith.constant 10 : i32
      %add3A_1091 = arith.addi %mul3A_1089, %add3A_1090 : i32
      %swap3A_1092 = arith.index_cast %add3A_1091 : i32 to index
      %swap3A_1093 = arith.constant 0 : index
      %swap3A_1094 = tpu.vector_load %arg5[%swap3A_1092, %swap3A_1093] {strides = array<i32>} : memref<384x16xf32, #tpu.memory_space<vmem>>, vector<1x16xf32>,
      %swap3A_1095 = vector.shape_cast %swap3A_1094 : vector<1x16xf32> to vector<16xf32>
      %swap3A_1096 = vector.shape_cast %select_n3A_958 : vector<16xf32> to vector<1x16xf32>
      tpu.vector_store %arg5[%swap3A_1092, %swap3A_1093], %swap3A_1096 {strides = array<i32>} : memref<384x16xf32, #tpu.memory_space<vmem>>, vector<1x16xf32>,
      %mul3A_1097 = arith.constant 16 : i32
      %mul3A_1098 = arith.muli %scan3A_47, %mul3A_1097 : i32
      %add3A_1099 = arith.constant 11 : i32
      %add3A_1100 = arith.addi %mul3A_1098, %add3A_1099 : i32
      %swap3A_1101 = arith.index_cast %add3A_1100 : i32 to index
      %swap3A_1102 = arith.constant 0 : index
      %swap3A_1103 = tpu.vector_load %arg5[%swap3A_1101, %swap3A_1102] {strides = array<i32>} : memref<384x16xf32, #tpu.memory_space<vmem>>, vector<1x16xf32>,
      %swap3A_1104 = vector.shape_cast %swap3A_1103 : vector<1x16xf32> to vector<16xf32>
      %swap3A_1105 = vector.shape_cast %select_n3A_966 : vector<16xf32> to vector<1x16xf32>
      tpu.vector_store %arg5[%swap3A_1101, %swap3A_1102], %swap3A_1105 {strides = array<i32>} : memref<384x16xf32, #tpu.memory_space<vmem>>, vector<1x16xf32>,
      %mul3A_1106 = arith.constant 16 : i32
      %mul3A_1107 = arith.muli %scan3A_47, %mul3A_1106 : i32
      %add3A_1108 = arith.constant 12 : i32
      %add3A_1109 = arith.addi %mul3A_1107, %add3A_1108 : i32
      %swap3A_1110 = arith.index_cast %add3A_1109 : i32 to index
      %swap3A_1111 = arith.constant 0 : index
      %swap3A_1112 = tpu.vector_load %arg5[%swap3A_1110, %swap3A_1111] {strides = array<i32>} : memref<384x16xf32, #tpu.memory_space<vmem>>, vector<1x16xf32>,
      %swap3A_1113 = vector.shape_cast %swap3A_1112 : vector<1x16xf32> to vector<16xf32>
      %swap3A_1114 = vector.shape_cast %select_n3A_974 : vector<16xf32> to vector<1x16xf32>
      tpu.vector_store %arg5[%swap3A_1110, %swap3A_1111], %swap3A_1114 {strides = array<i32>} : memref<384x16xf32, #tpu.memory_space<vmem>>, vector<1x16xf32>,
      %mul3A_1115 = arith.constant 16 : i32
      %mul3A_1116 = arith.muli %scan3A_47, %mul3A_1115 : i32
      %add3A_1117 = arith.constant 13 : i32
      %add3A_1118 = arith.addi %mul3A_1116, %add3A_1117 : i32
      %swap3A_1119 = arith.index_cast %add3A_1118 : i32 to index
      %swap3A_1120 = arith.constant 0 : index
      %swap3A_1121 = tpu.vector_load %arg5[%swap3A_1119, %swap3A_1120] {strides = array<i32>} : memref<384x16xf32, #tpu.memory_space<vmem>>, vector<1x16xf32>,
      %swap3A_1122 = vector.shape_cast %swap3A_1121 : vector<1x16xf32> to vector<16xf32>
      %swap3A_1123 = vector.shape_cast %select_n3A_982 : vector<16xf32> to vector<1x16xf32>
      tpu.vector_store %arg5[%swap3A_1119, %swap3A_1120], %swap3A_1123 {strides = array<i32>} : memref<384x16xf32, #tpu.memory_space<vmem>>, vector<1x16xf32>,
      %mul3A_1124 = arith.constant 16 : i32
      %mul3A_1125 = arith.muli %scan3A_47, %mul3A_1124 : i32
      %add3A_1126 = arith.constant 14 : i32
      %add3A_1127 = arith.addi %mul3A_1125, %add3A_1126 : i32
      %swap3A_1128 = arith.index_cast %add3A_1127 : i32 to index
      %swap3A_1129 = arith.constant 0 : index
      %swap3A_1130 = tpu.vector_load %arg5[%swap3A_1128, %swap3A_1129] {strides = array<i32>} : memref<384x16xf32, #tpu.memory_space<vmem>>, vector<1x16xf32>,
      %swap3A_1131 = vector.shape_cast %swap3A_1130 : vector<1x16xf32> to vector<16xf32>
      %swap3A_1132 = vector.shape_cast %select_n3A_990 : vector<16xf32> to vector<1x16xf32>
      tpu.vector_store %arg5[%swap3A_1128, %swap3A_1129], %swap3A_1132 {strides = array<i32>} : memref<384x16xf32, #tpu.memory_space<vmem>>, vector<1x16xf32>,
      %mul3A_1133 = arith.constant 16 : i32
      %mul3A_1134 = arith.muli %scan3A_47, %mul3A_1133 : i32
      %add3A_1135 = arith.constant 15 : i32
      %add3A_1136 = arith.addi %mul3A_1134, %add3A_1135 : i32
      %swap3A_1137 = arith.index_cast %add3A_1136 : i32 to index
      %swap3A_1138 = arith.constant 0 : index
      %swap3A_1139 = tpu.vector_load %arg5[%swap3A_1137, %swap3A_1138] {strides = array<i32>} : memref<384x16xf32, #tpu.memory_space<vmem>>, vector<1x16xf32>,
      %swap3A_1140 = vector.shape_cast %swap3A_1139 : vector<1x16xf32> to vector<16xf32>
      %swap3A_1141 = vector.shape_cast %select_n3A_998 : vector<16xf32> to vector<1x16xf32>
      tpu.vector_store %arg5[%swap3A_1137, %swap3A_1138], %swap3A_1141 {strides = array<i32>} : memref<384x16xf32, #tpu.memory_space<vmem>>, vector<1x16xf32>,
      %mul3A_1142 = arith.constant 16 : i32
      %mul3A_1143 = arith.muli %scan3A_47, %mul3A_1142 : i32
      %swap3A_1144 = arith.index_cast %mul3A_1143 : i32 to index
      %swap3A_1145 = tpu.vector_load %arg6[%swap3A_1144] {strides = array<i32>} : memref<768xi32, #tpu.memory_space<vmem>>, vector<16xi32>,
      %swap3A_1146 = vector.shape_cast %swap3A_1145 : vector<16xi32> to vector<16xi32>
      %swap3A_1147 = vector.shape_cast %select_n3A_609 : vector<16xi32> to vector<16xi32>
      tpu.vector_store %arg6[%swap3A_1144], %swap3A_1147 {strides = array<i32>} : memref<768xi32, #tpu.memory_space<vmem>>, vector<16xi32>,
      %mul3A_1148 = arith.constant 16 : i32
      %mul3A_1149 = arith.muli %scan3A_47, %mul3A_1148 : i32
      %add3A_1150 = arith.constant 384 : i32
      %add3A_1151 = arith.addi %add3A_1150, %mul3A_1149 : i32
      %swap3A_1152 = arith.index_cast %add3A_1151 : i32 to index
      %swap3A_1153 = tpu.vector_load %arg6[%swap3A_1152] {strides = array<i32>} : memref<768xi32, #tpu.memory_space<vmem>>, vector<16xi32>,
      %swap3A_1154 = vector.shape_cast %swap3A_1153 : vector<16xi32> to vector<16xi32>
      %swap3A_1155 = vector.shape_cast %select_n3A_605 : vector<16xi32> to vector<16xi32>
      tpu.vector_store %arg6[%swap3A_1152], %swap3A_1155 {strides = array<i32>} : memref<768xi32, #tpu.memory_space<vmem>>, vector<16xi32>,
      %scan3A_1156 = arith.constant 0 : i32
      scf.yield %scan3A_1156 : i32
    }
    %scan3A_44 = arith.constant 24 : i32
    "tpu.region"() ({
      %run_scoped3A = tpu.sem_alloc : memref<!tpu.dma_semaphore, #tpu.memory_space<semaphore_mem>>
      %dma_start3A = arith.constant 0 : i32
      %dma_start3A_47 = tpu.memref_slice %arg3[%mul3A_2, %dma_start3A] : memref<12288x16xf32, #tpu.memory_space<hbm>> -> memref<384x16xf32, #tpu.memory_space<hbm>>
      %dma_start3A_48 = arith.constant 0 : i32
      %dma_start3A_49 = tpu.memref_slice %arg3[%mul3A_2, %dma_start3A_48] : memref<12288x16xf32, #tpu.memory_space<hbm>> -> memref<384x16xf32, #tpu.memory_space<hbm>>
      tpu.enqueue_dma source(%arg5 : memref<384x16xf32, #tpu.memory_space<vmem>>) target(%dma_start3A_49 : memref<384x16xf32, #tpu.memory_space<hbm>>) target_semaphore(%run_scoped3A : memref<!tpu.dma_semaphore, #tpu.memory_space<semaphore_mem>>)
      %dma_wait3A = arith.constant 0 : i32
      %dma_wait3A_50 = tpu.memref_slice %arg3[%mul3A_2, %dma_wait3A] : memref<12288x16xf32, #tpu.memory_space<hbm>> -> memref<384x16xf32, #tpu.memory_space<hbm>>
      %dma_wait3A_51 = arith.constant 0 : i32
      %dma_wait3A_52 = tpu.memref_slice %arg3[%mul3A_2, %dma_wait3A_51] : memref<12288x16xf32, #tpu.memory_space<hbm>> -> memref<384x16xf32, #tpu.memory_space<hbm>>
      tpu.wait_dma2 semaphore(%run_scoped3A : memref<!tpu.dma_semaphore, #tpu.memory_space<semaphore_mem>>) src(%arg5 : memref<384x16xf32, #tpu.memory_space<vmem>>) dst(%dma_wait3A_52 : memref<384x16xf32, #tpu.memory_space<hbm>>)
      tpu.yield
    }) : () -> ()
    %mul3A_45 = arith.constant 2 : i32
    %mul3A_46 = arith.muli %mul3A_2, %mul3A_45 : i32
    "tpu.region"() ({
      %run_scoped3A = tpu.sem_alloc : memref<!tpu.dma_semaphore, #tpu.memory_space<semaphore_mem>>
      %dma_start3A = tpu.memref_slice %arg4[%mul3A_46] : memref<24576xi32, #tpu.memory_space<hbm>> -> memref<768xi32, #tpu.memory_space<hbm>>
      %dma_start3A_47 = tpu.memref_slice %arg4[%mul3A_46] : memref<24576xi32, #tpu.memory_space<hbm>> -> memref<768xi32, #tpu.memory_space<hbm>>
      tpu.enqueue_dma source(%arg6 : memref<768xi32, #tpu.memory_space<vmem>>) target(%dma_start3A_47 : memref<768xi32, #tpu.memory_space<hbm>>) target_semaphore(%run_scoped3A : memref<!tpu.dma_semaphore, #tpu.memory_space<semaphore_mem>>)
      %dma_wait3A = tpu.memref_slice %arg4[%mul3A_46] : memref<24576xi32, #tpu.memory_space<hbm>> -> memref<768xi32, #tpu.memory_space<hbm>>
      %dma_wait3A_48 = tpu.memref_slice %arg4[%mul3A_46] : memref<24576xi32, #tpu.memory_space<hbm>> -> memref<768xi32, #tpu.memory_space<hbm>>
      tpu.wait_dma2 semaphore(%run_scoped3A : memref<!tpu.dma_semaphore, #tpu.memory_space<semaphore_mem>>) src(%arg6 : memref<768xi32, #tpu.memory_space<vmem>>) dst(%dma_wait3A_48 : memref<768xi32, #tpu.memory_space<hbm>>)
      tpu.yield
    }) : () -> ()
    return
  }
}

module attributes {stable_mosaic.version = 14 : i64} {
  func.func @_logits_block(%arg0: i32, %arg1: memref<1024x2048xf32, #tpu.memory_space<vmem>>, %arg2: memref<2048x16xf32, #tpu.memory_space<vmem>>, %arg3: memref<1x16xf32, #tpu.memory_space<vmem>>, %arg4: memref<1024x16xf32, #tpu.memory_space<vmem>>) attributes {dimension_semantics = [#tpu.dimension_semantics<arbitrary>], iteration_bounds = array<i64: 4>, scalar_prefetch = 0 : i64, scratch_operands = 0 : i64, tpu.core_type = #tpu.core_type<tc>, window_params = [{transform_indices = @transform_0, window_bounds = array<i64: 1024, 2048>}, {pipeline_mode = #tpu.pipeline_mode<synchronous>, transform_indices = @transform_1, window_bounds = array<i64: 2048, 16>}, {pipeline_mode = #tpu.pipeline_mode<synchronous>, transform_indices = @transform_2, window_bounds = array<i64: 1, 16>}, {transform_indices = @transform_3, window_bounds = array<i64: 1024, 16>}]} {
    %get3A = arith.constant 0 : index
    %get3A_0 = arith.constant 0 : index
    %get3A_1 = vector.load %arg1[%get3A, %get3A_0] : memref<1024x2048xf32, #tpu.memory_space<vmem>>, vector<1024x2048xf32>
    %get3A_2 = arith.constant 0 : index
    %get3A_3 = arith.constant 0 : index
    %get3A_4 = vector.load %arg2[%get3A_2, %get3A_3] : memref<2048x16xf32, #tpu.memory_space<vmem>>, vector<2048x16xf32>
    %dot_general3A = arith.constant dense<0.000000e+00> : vector<1024x16xf32>
    %dot_general3A_5 = tpu.matmul %get3A_1, %get3A_4, %dot_general3A {dimension_numbers = #tpu.dot_dimension_numbers<[1], [0], [0], [1], [0, 0, 1, 1], [], []>, transpose_lhs_hint = false} : vector<1024x2048xf32>, vector<2048x16xf32>, vector<1024x16xf32> -> vector<1024x16xf32>
    %get3A_6 = arith.constant 0 : index
    %get3A_7 = arith.constant 0 : index
    %get3A_8 = vector.load %arg3[%get3A_6, %get3A_7] : memref<1x16xf32, #tpu.memory_space<vmem>>, vector<1x16xf32>
    %add3A = vector.broadcast %get3A_8 : vector<1x16xf32> to vector<1024x16xf32>
    %add3A_9 = arith.addf %dot_general3A_5, %add3A : vector<1024x16xf32>
    %swap3A = arith.constant 0 : index
    %swap3A_10 = arith.constant 0 : index
    %swap3A_11 = vector.load %arg4[%swap3A, %swap3A_10] : memref<1024x16xf32, #tpu.memory_space<vmem>>, vector<1024x16xf32>
    tpu.vector_store %arg4[%swap3A, %swap3A_10], %add3A_9 {strides = array<i32>} : memref<1024x16xf32, #tpu.memory_space<vmem>>, vector<1024x16xf32>,
    return
  }
  func.func @transform_0(%arg0: i32) -> (i32, i32) {
    %add3A = arith.constant 12 : i32
    %add3A_0 = arith.addi %add3A, %arg0 : i32
    %c0_i32 = arith.constant 0 : i32
    %c0_i32_1 = arith.constant 0 : i32
    return %add3A_0, %c0_i32 : i32, i32
  }
  func.func @transform_1(%arg0: i32) -> (i32, i32) {
    %c0_i32 = arith.constant 0 : i32
    %c0_i32_0 = arith.constant 0 : i32
    %c0_i32_1 = arith.constant 0 : i32
    return %c0_i32, %c0_i32_0 : i32, i32
  }
  func.func @transform_2(%arg0: i32) -> (i32, i32) {
    %c0_i32 = arith.constant 0 : i32
    %c0_i32_0 = arith.constant 0 : i32
    %c0_i32_1 = arith.constant 0 : i32
    return %c0_i32, %c0_i32_0 : i32, i32
  }
  func.func @transform_3(%arg0: i32) -> (i32, i32) {
    %c0_i32 = arith.constant 0 : i32
    %c0_i32_0 = arith.constant 0 : i32
    return %arg0, %c0_i32 : i32, i32
  }
}

module attributes {stable_mosaic.version = 14 : i64} {
  func.func @_logits_block(%arg0: i32, %arg1: memref<1024x2048xf32, #tpu.memory_space<vmem>>, %arg2: memref<2048x16xf32, #tpu.memory_space<vmem>>, %arg3: memref<1x16xf32, #tpu.memory_space<vmem>>, %arg4: memref<1024x16xf32, #tpu.memory_space<vmem>>) attributes {dimension_semantics = [#tpu.dimension_semantics<arbitrary>], iteration_bounds = array<i64: 12>, scalar_prefetch = 0 : i64, scratch_operands = 0 : i64, tpu.core_type = #tpu.core_type<tc>, window_params = [{transform_indices = @transform_0, window_bounds = array<i64: 1024, 2048>}, {pipeline_mode = #tpu.pipeline_mode<synchronous>, transform_indices = @transform_1, window_bounds = array<i64: 2048, 16>}, {pipeline_mode = #tpu.pipeline_mode<synchronous>, transform_indices = @transform_2, window_bounds = array<i64: 1, 16>}, {transform_indices = @transform_3, window_bounds = array<i64: 1024, 16>}]} {
    %get3A = arith.constant 0 : index
    %get3A_0 = arith.constant 0 : index
    %get3A_1 = vector.load %arg1[%get3A, %get3A_0] : memref<1024x2048xf32, #tpu.memory_space<vmem>>, vector<1024x2048xf32>
    %get3A_2 = arith.constant 0 : index
    %get3A_3 = arith.constant 0 : index
    %get3A_4 = vector.load %arg2[%get3A_2, %get3A_3] : memref<2048x16xf32, #tpu.memory_space<vmem>>, vector<2048x16xf32>
    %dot_general3A = arith.constant dense<0.000000e+00> : vector<1024x16xf32>
    %dot_general3A_5 = tpu.matmul %get3A_1, %get3A_4, %dot_general3A {dimension_numbers = #tpu.dot_dimension_numbers<[1], [0], [0], [1], [0, 0, 1, 1], [], []>, transpose_lhs_hint = false} : vector<1024x2048xf32>, vector<2048x16xf32>, vector<1024x16xf32> -> vector<1024x16xf32>
    %get3A_6 = arith.constant 0 : index
    %get3A_7 = arith.constant 0 : index
    %get3A_8 = vector.load %arg3[%get3A_6, %get3A_7] : memref<1x16xf32, #tpu.memory_space<vmem>>, vector<1x16xf32>
    %add3A = vector.broadcast %get3A_8 : vector<1x16xf32> to vector<1024x16xf32>
    %add3A_9 = arith.addf %dot_general3A_5, %add3A : vector<1024x16xf32>
    %swap3A = arith.constant 0 : index
    %swap3A_10 = arith.constant 0 : index
    %swap3A_11 = vector.load %arg4[%swap3A, %swap3A_10] : memref<1024x16xf32, #tpu.memory_space<vmem>>, vector<1024x16xf32>
    tpu.vector_store %arg4[%swap3A, %swap3A_10], %add3A_9 {strides = array<i32>} : memref<1024x16xf32, #tpu.memory_space<vmem>>, vector<1024x16xf32>,
    return
  }
  func.func @transform_0(%arg0: i32) -> (i32, i32) {
    %add3A = arith.constant 0 : i32
    %add3A_0 = arith.addi %add3A, %arg0 : i32
    %c0_i32 = arith.constant 0 : i32
    %c0_i32_1 = arith.constant 0 : i32
    return %add3A_0, %c0_i32 : i32, i32
  }
  func.func @transform_1(%arg0: i32) -> (i32, i32) {
    %c0_i32 = arith.constant 0 : i32
    %c0_i32_0 = arith.constant 0 : i32
    %c0_i32_1 = arith.constant 0 : i32
    return %c0_i32, %c0_i32_0 : i32, i32
  }
  func.func @transform_2(%arg0: i32) -> (i32, i32) {
    %c0_i32 = arith.constant 0 : i32
    %c0_i32_0 = arith.constant 0 : i32
    %c0_i32_1 = arith.constant 0 : i32
    return %c0_i32, %c0_i32_0 : i32, i32
  }
  func.func @transform_3(%arg0: i32) -> (i32, i32) {
    %c0_i32 = arith.constant 0 : i32
    %c0_i32_0 = arith.constant 0 : i32
    return %arg0, %c0_i32 : i32, i32
  }
}

</mosaic_0001>

<sc_bundles>
// kernel: kernel.6.cloned.1.call-start
scs
__scs_entry_jumppad:
0x0: {  	(pc) =	sbr.rel $0x88, $3  }
0x1: {  	(tag) =	ssettag $0x0;
	lr =	simm.s32 $0x1  }
0x2: {  	[smem:$0x3F9E] =	sst lr;
	_ =	strace $0xD0000000  }
0x3: {  	_ = 	snop  }
0x4: {  	_ = 	snop  }
0x5: {  	_ = 	snop  }
0x6: {  	_ = 	snop  }
0x7: {  	_ = 	snop  }
__scs_overlays_trampoline_lowered:
0x8: {  	[smem:$0x3FAD] =	sst s0  }
0x9: {  	[smem:$0x3FAE] =	sst s1  }
0xa: {  	[smem:$0x3FAF] =	sst s2  }
0xb: {  	[smem:$0x3FB0] =	sst s3  }
0xc: {  	[smem:$0x3FB1] =	sst s4  }
0xd: {  	[smem:$0x3FB2] =	sst s5  }
0xe: {  	[smem:$0x3FB3] =	sst s6  }
0xf: {  	[smem:$0x3FB4] =	sst s7  }
0x10: {  	[smem:$0x3FB5] =	sst s8  }
0x11: {  	[smem:$0x3FB6] =	sst s9;
	s0 =	simm.s32 @!p0 $0x0  }
0x12: {  	s1 =	sld [smem:$0x3F9C];
	s0 =	simm.s32 @p0 $0x1  }
0x13: {  	[smem:$0x3FB7] =	sst s0;
	s0 =	simm.s32 @!p1 $0x0  }
0x14: {  	s2 =	sld [smem:$0x3F9B];
	s0 =	simm.s32 @p1 $0x1  }
0x15: {  	[smem:$0x3FB8] =	sst s0;
	s0 =	simm.s32 @!p2 $0x0  }
0x16: {  	s3 =	sld [smem:$0x3FDB];
	s0 =	simm.s32 @p2 $0x1  }
0x17: {  	s4 =	simm.s32 $0x1BF5;
	[smem:$0x3FBA] =	sst s0  }
0x18: {  	s0 =	sld [smem:$0x3F9D];
	_ =	swait.ge [sflag:s4], $0x0  }
0x19: {  	s7 =	sld [smem:$0x3F9E]  }
0x1a: {  	s8 =	sadd.s32 $0xFFFFE003, lr  }
0x1b: {  	s9 =	sadd.s32 $0xFFFFFEF7, lr;
	s5 =	simm.s32 $0xFFFFFFFF;
	p2 =	slt.u32 s8, $0xFFFFF086  }
0x1c: {  	p1 =	slt.u32 s9, $0xF7A;
	s5 =	simm.s32 @!p2 $0x0  }
0x1d: {  	s5 =	simm.s32 @p1 $0x1;
	p0 =	seq.s32 s7, s2  }
0x1e: {  	s7 =	smul.u32 @!p0 $0xF7A, s2;
	p2 =	seq.s32 @!p0 s5, $0x0  }
0x1f: {  	s9 =	smul.u32 $0xF7A, s1;
	s8 =	simm.s32 @!p0 $0x1BF5;
	p2 =	por !p2, p0  }
0x20: {  	[sflag:s8] =	ssyncset.s32 @!p0 $0xFFFFF086;
	s6 =	sadd.s32 @!p0 s3, s7;
	s7 =	simm.s32 @!p0 $0x108  }
0x21: {  	s3 =	sadd.s32 s3, s9;
	s6 =	sadd.s32 @!p0 $0x88, s6;
	s7 =	simm.s32 @p2 $0x1082  }
0x22: {  	[simem:s7], [sflag:s8] =	dma.local @!p0 [hbm:s6], $0xF7A  }
0x23: {  	s9 =	sor.u32 $0xD0000000, s2;
	s6 =	simm.s32 $0x108;
	_ =	swait.ge @!p0 [sflag:s8], $0x0  }
0x24: {  	s3 =	sadd.s32 $0x88, s3;
	s6 =	simm.s32 @!p1 $0x1082;
	[sflag:s4] =	ssyncset.s32 $0xFFFFF086  }
0x25: {  	[simem:s6], [sflag:s4] =	dma.local [hbm:s3], $0xF7A  }
0x26: {  	[smem:$0x3F9E] =	sst s1;
	(tag) =	ssettag s2;
	_ =	strace s9  }
0x27: {  	s1 =	sld [smem:$0x3FAE]  }
0x28: {  	s2 =	sld [smem:$0x3FAF]  }
0x29: {  	s4 =	sld [smem:$0x3FB1]  }
0x2a: {  	p0 =	seq.s32 s5, $0x0;
	s5 =	sld [smem:$0x3FB2]  }
0x2b: {  	s6 =	sld [smem:$0x3FB3]  }
0x2c: {  	s7 =	sld [smem:$0x3FB4]  }
0x2d: {  	s3 =	simm.s32 $0x108;
	s8 =	sld [smem:$0x3FB5]  }
0x2e: {  	s3 =	simm.s32 @!p0 $0x1082;
	s9 =	sld [smem:$0x3FB6]  }
0x2f: {  	lr =	sadd.s32 s0, s3;
	s0 =	sld [smem:$0x3FAD]  }
0x30: {  	s3 =	sld [smem:$0x3FB0]  }
0x31: {  	[smem:$0x3FB9] =	sst s10  }
0x32: {  	s10 =	sld [smem:$0x3FB7];
	_ =	sdelay $0x3  }
0x33: {  	p0 =	seq.s32 s10, $0x1;
	s10 =	sld [smem:$0x3FB9];
	_ =	sdelay $0x3  }
0x34: {  	[smem:$0x3FB9] =	sst s10  }
0x35: {  	s10 =	sld [smem:$0x3FB8];
	_ =	sdelay $0x3  }
0x36: {  	p1 =	seq.s32 s10, $0x1;
	s10 =	sld [smem:$0x3FB9];
	_ =	sdelay $0x3  }
0x37: {  	[smem:$0x3FB9] =	sst s10  }
0x38: {  	s10 =	sld [smem:$0x3FBA]  }
0x39: {  	_ = 	snop;
	(pc) =	sbr.ind lr, $3  }
0x3a: {  	_ = 	snop  }
0x3b: {  	_ = 	snop  }
0x3c: {  	p2 =	seq.s32 s10, $0x1;
	s10 =	sld [smem:$0x3FB9]  }
0x3d: {  	_ =	shalt  }
0x3e: {  	_ =	shalt  }
0x3f: {  	_ =	shalt  }
0x40: {  	_ =	shalt  }
0x41: {  	_ =	shalt  }
0x42: {  	_ =	shalt  }
0x43: {  	_ =	shalt  }
0x44: {  	_ =	shalt  }
0x45: {  	_ =	shalt  }
0x46: {  	_ =	shalt  }
0x47: {  	_ =	shalt  }
0x48: {  	_ =	shalt  }
0x49: {  	_ =	shalt  }
0x4a: {  	_ =	shalt  }
0x4b: {  	_ =	shalt  }
0x4c: {  	_ =	shalt  }
0x4d: {  	_ =	shalt  }
0x4e: {  	_ =	shalt  }
0x4f: {  	_ =	shalt  }
0x50: {  	_ =	shalt  }
0x51: {  	_ =	shalt  }
0x52: {  	_ =	shalt  }
0x53: {  	_ =	shalt  }
0x54: {  	_ =	shalt  }
0x55: {  	_ =	shalt  }
0x56: {  	_ =	shalt  }
0x57: {  	_ =	shalt  }
0x58: {  	_ =	shalt  }
0x59: {  	_ =	shalt  }
0x5a: {  	_ =	shalt  }
0x5b: {  	_ =	shalt  }
0x5c: {  	_ =	shalt  }
0x5d: {  	_ =	shalt  }
0x5e: {  	_ =	shalt  }
0x5f: {  	_ =	shalt  }
0x60: {  	_ =	shalt  }
0x61: {  	_ =	shalt  }
0x62: {  	_ =	shalt  }
0x63: {  	_ =	shalt  }
0x64: {  	_ =	shalt  }
0x65: {  	_ =	shalt  }
0x66: {  	_ =	shalt  }
0x67: {  	_ =	shalt  }
0x68: {  	_ =	shalt  }
0x69: {  	_ =	shalt  }
0x6a: {  	_ =	shalt  }
0x6b: {  	_ =	shalt  }
0x6c: {  	_ =	shalt  }
0x6d: {  	_ =	shalt  }
0x6e: {  	_ =	shalt  }
0x6f: {  	_ =	shalt  }
0x70: {  	_ =	shalt  }
0x71: {  	_ =	shalt  }
0x72: {  	_ =	shalt  }
0x73: {  	_ =	shalt  }
0x74: {  	_ =	shalt  }
0x75: {  	_ =	shalt  }
0x76: {  	_ =	shalt  }
0x77: {  	_ =	shalt  }
0x78: {  	_ =	shalt  }
0x79: {  	_ =	shalt  }
0x7a: {  	_ =	shalt  }
0x7b: {  	_ =	shalt  }
0x7c: {  	_ =	shalt  }
0x7d: {  	_ =	shalt  }
0x7e: {  	_ =	shalt  }
0x7f: {  	_ =	shalt  }
0x80: {  	_ =	shalt  }
0x81: {  	_ =	shalt  }
0x82: {  	_ =	shalt  }
0x83: {  	_ =	shalt  }
0x84: {  	_ =	shalt  }
0x85: {  	_ =	shalt  }
0x86: {  	_ =	shalt  }
0x87: {  	_ =	shalt  }
.Lfunc_end0:
.L_simem_size_0:
called_computation_lowered:
.L_overlay_start_0:
0x88: {  	s2 =	sld [smem:$0x3FD9]  }
0x89: {  	s3 =	sld [smem:$0x3FFE];
	_ =	sdelay $0x1  }
0x8a: {  	s1 =	srdreg.scid  }
0x8b: {  	s0 =	sand.u32 $0x1, s1  }
0x8c: {  	s15 =	sshll.u32 s0, $0xA;
	s2 =	sadd.s32 s3, s2  }
0x8d: {  	s2 =	sadd.s32 s2, s15  }
0x8e: {  	[smem:$0x3FC5] =	sst s2  }
0x8f: {  	_ = 	snop  }
0x90: {  	s2 =	sld [smem:$0x3FD0];
	_ =	sdelay $0x2  }
0x91: {  	s16 =	simm.s32 $0xB;
	s4 =	simm.s32 $0x10  }
0x92: {  	[smem:s4], [sflag:s16] =	dma.local [hbm:s2], $0x1  }
0x93: {  	_ =	swait.eq [sflag:s16], $0x1  }
0x94: {  	[sflag:s16] =	ssyncset.done $0x0  }
0x95: {  	[sflag:s16] =	ssyncadd.s32 $0xFFFFFFFF  }
0x96: {  	s17 =	sld [smem:$0x11];
	(tm) =	ssettm $0x1  }
0x97: {  	s18 =	sld [smem:$0x3FFB];
	_ =	sdelay $0x3  }
0x98: {  	_ =	strace s18  }
0x99: {  	s2 =	sld [smem:$0x3FFC];
	_ =	sdelay $0x3  }
0x9a: {  	_ =	strace s2  }
0x9b: {  	s2 =	sld [smem:$0x3FFD];
	_ =	sdelay $0x3  }
0x9c: {  	_ =	strace s2  }
0x9d: {  	_ =	strace $0x8FFFFFFF  }
0x9e: {  	s19 =	sld [smem:$0x3FDB];
	_ =	sdelay $0x1  }
0x9f: {  	s20 =	simm.s32 $_scs_section_size  }
0xa0: {  	s5 =	simm.s32 $_size__tile_overlayer_lowered;
	s6 =	simm.s32 $_tile_overlayer_lowered  }
0xa1: {  	s7 =	simm.s32 $0x1BFF;
	s21 =	sshll.u32 s6, $0x1;
	s4 =	sadd.s32 s20, s19  }
0xa2: {  	s22 =	simm.s32 $0x0;
	s5 =	sshll.u32 s5, $0x1;
	s6 =	sadd.s32 s21, s4  }
0xa3: {  	[timem:s22], [sflag:s7] =	dma.local [hbm:s6], s5  }
0xa4: {  	_ =	swait.ge [sflag:s7], s5  }
0xa5: {  	s5 =	ssub.s32 $0x0, s5;
	[sflag:s7] =	ssyncset.done $0x0  }
0xa6: {  	[sflag:s7] =	ssyncadd.s32 s5;
	_ =	sdelay $0x1  }
0xa7: {  	s23 =	simm.s32 $0x1B8B  }
0xa8: {  	_ =	swait.ge [sflag:s23], $0x1  }
0xa9: {  	[sflag:s23] =	ssyncset.done $0x0  }
0xaa: {  	[sflag:s23] =	ssyncadd.s32 $0xFFFFFFFF  }
0xab: {  	s5 =	sld [smem:$0x0]  }
0xac: {  	s6 =	sand.u32 $0xFFFFFFFE, s1  }
0xad: {  	p0 =	sne.s32 s1, s6  }
0xae: {  	s6 =	sshll.u32 @p0 s6, $0xE  }
0xaf: {  	s6 =	sadd.s32 @p0 $0x11B8D, s6;
	s7 =	sshll.u32 @p0 s5, $0x11  }
0xb0: {  	s6 =	sor.u32 @p0 s7, s6  }
0xb1: {  	[sflag:s6] =	ssyncadd.remote.s32 @p0 $0x1;
	_ =	sdelay $0x1  }
0xb2: {  	s6 =	simm.s32 @p0 $0x1B8D  }
0xb3: {  	_ =	swait.eq @p0 [sflag:s6], $0x1  }
0xb4: {  	[sflag:s6] =	ssyncadd.s32 @p0 $0xFFFFFFFF  }
0xb5: {  	s7 =	sshll.u32 @!p0 s1, $0xE  }
0xb6: {  	s7 =	sor.u32 @!p0 $0x4000, s7;
	s6 =	simm.s32 @!p0 $0x1B8D  }
0xb7: {  	s5 =	sshll.u32 @!p0 s5, $0x11;
	s7 =	sadd.s32 @!p0 $0x11B8D, s7;
	_ =	swait.eq @!p0 [sflag:s6], $0x1  }
0xb8: {  	s5 =	sor.u32 @!p0 s5, s7;
	[sflag:s6] =	ssyncadd.s32 @!p0 $0xFFFFFFFF  }
0xb9: {  	s25 =	simm.s32 $0x1B8E;
	s24 =	sld [smem:$0x3FFE];
	[sflag:s5] =	ssyncadd.remote.s32 @!p0 $0x1  }
0xba: {  	s26 =	simm.s32 $execute0_lowered;
	[smem:$0x3FD2] =	sst s25  }
0xbb: {  	s6 =	sshll.u32 s26, $0x1;
	_ =	strace $0x80000049;
	[dreg:$0x1] =	wrdreg $0xFFFFFFFF  }
0xbc: {  	s28 =	simm.s32 $_size_execute0_lowered;
	s4 =	sadd.s32 s4, s6;
	[dreg:$0x0] =	wrdreg $0x0  }
0xbd: {  	s6 =	sshll.u32 s28, $0x1;
	[dreg:$0x2] =	wrdreg s4  }
0xbe: {  	[dreg:$0x3] =	wrdreg s6  }
0xbf: {  	[dreg:$0x4] =	wrdreg $0xC0  }
0xc0: {  	_ =	task [dreg:s22], $0x5FFFF  }
0xc1: {  	[dreg:$0x1] =	wrdreg $0xFFFFFFFF  }
0xc2: {  	[dreg:$0x0] =	wrdreg $0x60  }
0xc3: {  	[dreg:$0x2] =	wrdreg s24  }
0xc4: {  	[dreg:$0x3] =	wrdreg s17  }
0xc5: {  	[dreg:$0x4] =	wrdreg $0x9  }
0xc6: {  	_ =	task.clear_ibuf [dreg:s22], $0x5FFFF;
	_ =	strace $0x90000049  }
0xc7: {  	s29 =	simm.s32 $0x9;
	_ =	strace $0x8000004B  }
0xc8: {  	_ =	swait.ge [sflag:s29], $0x1  }
0xc9: {  	[sflag:s29] =	ssyncadd.s32 $0xFFFFFFFF  }
0xca: {  	_ =	strace $0x9000004B  }
0xcb: {  	_ =	sfence  }
0xcc: {  	s30 =	sld [smem:$0x0];
	_ =	sdelay $0x2  }
0xcd: {  	s31 =	sshll.u32 s1, $0xD;
	s1 =	sshrl.u32 s1, $0x2  }
0xce: {  	s4 =	sand.u32 $0x4000, s31;
	s1 =	sadd.s32 s1, s30  }
0xcf: {  	s0 =	sor.u32 s4, s0;
	s1 =	sshll.u32 s1, $0x11  }
0xd0: {  	s0 =	sor.u32 s1, s0  }
0xd1: {  	s0 =	sadd.s32 $0x8F2B, s0  }
0xd2: {  	[sflag:s0] =	ssyncadd.remote.s32 $0x1  }
0xd3: {  	_ =	sfence.sel $0xFFFF  }
0xd4: {  	[dreg:$0x0] =	wrdreg $0xFFFFFFFF;
	(pc) =	sbr.abs _section_cstart, $3  }
0xd5: {  	[dreg:$0x1] =	wrdreg $0xFFFFFFFF  }
0xd6: {  	_ =	task.clear_ibuf [dreg:s22], $0x2FFFF;
	_ =	strace $0x9FFFFFFF  }
0xd7: {  	(tm) =	ssettm $0x7FFFFFFF  }
tec
execute0_lowered:
.L_overlay_start_1:
0x0: {  	(tag) =	ssettag $0x1  }
0x1: {  	v0 =	vimm.s32 $0xEFCDAB89;
	v1 =	vimm.s32 $0x67452301  }
0x2: {  	vm0 =	vcmask $0xB08;
	vm1 =	vcmask $0x300;
	v2 =	vimm.s32 $0x54761032  }
0x3: {  	v3 =	vimm.s32 $0xBA98FEDC;
	v4 =	vimm.s32 $0x32107654;
	v0 =	vunpack.c.l.s4.s8 v0  }
0x4: {  	v1 =	vunpack.c.l.s4.s8 v1;
	vm0 =	vmor vm1, vm0;
	vm1 =	vcmask $0x1310  }
0x5: {  	vm2 =	vcmask $0xF00;
	v2 =	vunpack.c.l.s4.s8 v2;
	vm0 =	vmor vm0, vm1  }
0x6: {  	vm1 =	vcmask $0x1B18;
	v0 =	vunpack.c.0.s8.s32 v0;
	v1 =	vunpack.c.0.s8.s32 v1  }
0x7: {  	v3 =	vunpack.c.l.s4.s8 v3;
	v4 =	vunpack.c.l.s4.s8 v4;
	vm0 =	vmor vm0, vm1  }
0x8: {  	vm1 =	vcmask $0x2320;
	v0 =	vcombine.low v1, v0;
	v1 =	vimm.s32 $0xDCFE98BA  }
0x9: {  	vm0 =	vmor vm0, vm1;
	vm1 =	vcmask $0x2B28;
	v1 =	vunpack.c.l.s4.s8 v1  }
0xa: {  	v2 =	vunpack.c.0.s8.s32 v2;
	vm0 =	vmor vm0, vm1;
	vm1 =	vcmask $0x3330  }
0xb: {  	vm0 =	vmor vm0, vm1;
	vm1 =	vcmask $0x3B38;
	v1 =	vunpack.c.0.s8.s32 v1  }
0xc: {  	s1 =	srdreg.scid;
	vm3 =	vmmov $0xff;
	v0 =	vand.u32 $0xF, v0;
	vm13 =	vmor vm0, vm1  }
0xd: {  	s0 =	stileid.u32;
	s3 =	rddreg [dreg:$0x0];
	v1 =	vcombine.low v2, v1;
	v2 =	vunpack.c.0.s8.s32 v3;
	v3 =	vunpack.c.0.s8.s32 v4  }
0xe: {  	s5 =	rddreg [dreg:$0x1];
	s4 =	sand.u32 $0x1, s1;
	s30 =	sshll.u32 s0, $0x1;
	vm0 =	vcmask $0x1710;
	vm1 =	vcmask $0x700;
	v4 =	vimm.s32 $0xFEDCBA98  }
0xf: {  	s2 =	simm.s32 $0x0;
	s9 =	simm.s32 $0x0;
	s6 =	sor.u32 s4, s30;
	v4 =	vunpack.c.l.s4.s8 v4;
	v2 =	vcombine.low v3, v2;
	v3 =	vimm.s32 $0x76543210  }
0x10: {  	s1 =	rddreg [dreg:$0x2];
	s4 =	ssub.s32 $0x2, s4;
	s7 =	smul.u32 $0x1800, s6;
	vm0 =	vmor vm1, vm0;
	vm1 =	vcmask $0x2720;
	v3 =	vunpack.c.l.s4.s8 v3  }
0x11: {  	[smem:$0x7FF] =	sst s2;
	s31 =	sshrl.u32 s4, $0x1;
	s6 =	smul.u32 $0x60, s6;
	vm0 =	vmor vm0, vm1;
	vm1 =	vcmask $0x3730;
	v4 =	vunpack.c.0.s8.s32 v4  }
0x12: {  	_ =	strace $0x8000004A;
	s8 =	ssub.s32 s4, s31;
	s7 =	sadd.s32 s7, s3;
	vm1 =	vmor vm0, vm1;
	vm0 =	vcmask $0x2F20;
	v3 =	vunpack.c.0.s8.s32 v3  }
0x13: {  	s5 =	sadd.s32 s5, s6;
	s6 =	smax.u32 s8, $0x1;
	s8 =	simm.s32 $0xC000;
	vm2 =	vmor vm2, vm0;
	v1 =	vand.u32 $0xF, v1;
	v4 =	vand.u32 $0xF, v4  }
0x14: {  	s3 =	sadd.s32 $0x22000, s7;
	s4 =	sadd.s32 $0x52000, s7;
	s7 =	simm.s32 $0x1;
	v2 =	vand.u32 $0xF, v2;
	v3 =	vcombine.low v4, v3;
	v4 =	vimm.s32 $0x0  }
.LBB2_1:
0x15: {  	[tilespmem:s2], [sflag:$0x1] =	stream.linear.gather [hbm4b:s3+s2], $0xC000, $0x38;
	[tilespmem:$0xC300] =	vst v63  }
0x16: {  	_ =	swait.ge [sflag:s7], $0xC000  }
0x17: {  	s10 =	simm.s32 $0x400;
	[sflag:s7] =	ssyncset.done $0x0  }
0x18: {  	s11 =	simm.s32 $0xC000;
	s12 =	simm.s32 $0x0;
	[sflag:s7] =	ssyncadd.s32 $0xFFFF4000  }
.LBB2_2:
0x19: {  	v5 =	vld [tilespmem:s10+$0xFFFFFC00]  }
0x1a: {  	v6 =	vld [tilespmem:s10+$0xFFFFFC80]  }
0x1b: {  	v7 =	vld [tilespmem:s10+$0xFFFFFD00]  }
0x1c: {  	v8 =	vld [tilespmem:s10+$0xFFFFFD80]  }
0x1d: {  	v9 =	vld [tilespmem:s10+$0xFFFFFE00]  }
0x1e: {  	v10 =	vld [tilespmem:s10+$0xFFFFFE80]  }
0x1f: {  	v11 =	vld [tilespmem:s10+$0xFFFFFF00]  }
0x20: {  	v12 =	vld [tilespmem:s10+$0xFFFFFF80]  }
0x21: {  	v13 =	vld [tilespmem:s10+$0x0]  }
0x22: {  	v14 =	vld [tilespmem:s10+$0x80]  }
0x23: {  	v16 =	vld [tilespmem:s10+$0x100]  }
0x24: {  	v18 =	vld [tilespmem:s10+$0x180]  }
0x25: {  	v19 =	vld [tilespmem:s10+$0x280];
	v15 =	vperm.xlane v6, v0  }
0x26: {  	v21 =	vld [tilespmem:s10+$0x200];
	v17 =	vperm.xlane v5, v0;
	v55 =	vperm.xlane v8, v0  }
0x27: {  	v23 =	vld [tilespmem:s10+$0x380];
	v56 =	vperm.xlane v7, v0;
	v20 =	vperm.xlane v10, v0  }
0x28: {  	v59 =	vld [tilespmem:s10+$0x300];
	v57 =	vperm.xlane v9, v0;
	v22 =	vperm.xlane v12, v0  }
0x29: {  	v58 =	vperm.xlane v11, v0;
	v60 =	vperm.xlane v14, v0  }
0x2a: {  	v61 =	vperm.xlane v13, v0;
	v62 =	vperm.xlane v18, v0  }
0x2b: {  	v63 =	vperm.xlane v16, v0;
	v24 =	vperm.xlane v19, v0  }
0x2c: {  	v27 =	vperm.xlane v21, v0;
	v29 =	vperm.xlane v23, v0  }
0x2d: {  	v30 =	vperm.xlane v59, v0;
	v5 =	vsel vm13, v5, v15;
	v6 =	vsel vm13, v17, v6  }
0x2e: {  	v7 =	vsel vm13, v7, v55;
	v8 =	vsel vm13, v56, v8;
	v9 =	vsel vm13, v9, v20  }
0x2f: {  	v10 =	vsel vm13, v57, v10;
	v11 =	vsel vm13, v11, v22;
	v12 =	vsel vm13, v58, v12  }
0x30: {  	v13 =	vsel vm13, v13, v60;
	v14 =	vsel vm13, v61, v14;
	v16 =	vsel vm13, v16, v62  }
0x31: {  	v15 =	vsel vm13, v63, v18;
	v28 =	vsel vm13, v21, v24;
	v31 =	vperm.xlane v7, v1  }
0x32: {  	v17 =	vsel vm13, v27, v19;
	v32 =	vperm.xlane v5, v1;
	v33 =	vperm.xlane v8, v1  }
0x33: {  	v20 =	vsel vm13, v59, v29;
	v34 =	vperm.xlane v6, v1;
	v35 =	vperm.xlane v11, v1  }
0x34: {  	v19 =	vsel vm13, v30, v23;
	v36 =	vperm.xlane v9, v1;
	v37 =	vperm.xlane v12, v1  }
0x35: {  	v29 =	vimm.s32 $0x0;
	v38 =	vperm.xlane v10, v1;
	v39 =	vperm.xlane v16, v1  }
0x36: {  	v60 =	vimm.s32 $0x0;
	v40 =	vperm.xlane v13, v1;
	v41 =	vperm.xlane v15, v1  }
0x37: {  	v61 =	vimm.s32 $0x0;
	v42 =	vperm.xlane v14, v1;
	v43 =	vperm.xlane v20, v1  }
0x38: {  	v63 =	vimm.s32 $0x0;
	v44 =	vperm.xlane v28, v1;
	v45 =	vperm.xlane v19, v1  }
0x39: {  	v46 =	vperm.xlane v17, v1;
	v5 =	vsel vm1, v5, v31;
	v7 =	vsel vm1, v32, v7  }
0x3a: {  	v6 =	vsel vm1, v6, v33;
	v8 =	vsel vm1, v34, v8;
	v9 =	vsel vm1, v9, v35  }
0x3b: {  	v11 =	vsel vm1, v36, v11;
	v10 =	vsel vm1, v10, v37;
	v12 =	vsel vm1, v38, v12  }
0x3c: {  	v13 =	vsel vm1, v13, v39;
	v16 =	vsel vm1, v40, v16;
	v14 =	vsel vm1, v14, v41  }
0x3d: {  	v15 =	vsel vm1, v42, v15;
	v18 =	vsel vm1, v28, v43;
	v20 =	vsel vm1, v44, v20  }
0x3e: {  	v17 =	vsel vm1, v17, v45;
	v19 =	vsel vm1, v46, v19;
	v47 =	vperm.xlane v9, v2  }
0x3f: {  	v32 =	vimm.s32 $0x0;
	v48 =	vperm.xlane v5, v2;
	v49 =	vperm.xlane v10, v2  }
0x40: {  	v36 =	vimm.s32 $0x0;
	v50 =	vperm.xlane v6, v2;
	v51 =	vperm.xlane v11, v2  }
0x41: {  	v37 =	vimm.s32 $0x0;
	v52 =	vperm.xlane v17, v2;
	v54 =	vperm.xlane v18, v2  }
0x42: {  	v40 =	vimm.s32 $0x0;
	v55 =	vperm.xlane v12, v2;
	v25 =	vperm.xlane v20, v2  }
0x43: {  	v44 =	vimm.s32 $0x0;
	v56 =	vperm.xlane v13, v2;
	v27 =	vperm.xlane v19, v2  }
0x44: {  	v5 =	vsel vm2, v5, v47;
	v9 =	vsel vm2, v48, v9;
	v6 =	vsel vm2, v6, v49  }
0x45: {  	v53 =	vsel vm2, v7, v51;
	v7 =	vperm.xlane v7, v2;
	v22 =	vsel vm2, v14, v52  }
0x46: {  	v23 =	vsel vm2, v13, v54;
	v25 =	vsel vm2, v16, v25;
	v14 =	vperm.xlane v14, v2  }
0x47: {  	v27 =	vsel vm2, v15, v27;
	v16 =	vperm.xlane v16, v2;
	v15 =	vperm.xlane v15, v2  }
0x48: {  	v24 =	vsel vm2, v8, v55;
	v8 =	vperm.xlane v8, v2;
	v26 =	vperm.xlane v22, v3  }
0x49: {  	v10 =	vsel vm2, v50, v10;
	v57 =	vperm.xlane v23, v3;
	v28 =	vperm.xlane v25, v3  }
0x4a: {  	v59 =	vperm.xlane v27, v3;
	v7 =	vsel vm2, v7, v11;
	v26 =	vsel vm3, v6, v26  }
0x4b: {  	v13 =	vsel vm3, v5, v57;
	vm0 =	vlt.f32 v26, $-Inf;
	vm4 =	vgt.f32 v26, $-Inf  }
0x4c: {  	v11 =	vsel vm2, v56, v18;
	vm5 =	vgt.f32 v26, v13;
	vm9 =	vmor vm4, vm0  }
0x4d: {  	v14 =	vsel vm2, v14, v17;
	vm10 =	vmneg vm5;
	v58 =	vnsel vm9, $0xFF800000, v26  }
0x4e: {  	v28 =	vsel vm3, v53, v28;
	v62 =	vperm.xlane v11, v3;
	v18 =	vsel vm10, v58, v13  }
0x4f: {  	v29 =	vsel vm5, $0xFFFFFFFF, v29;
	v13 =	vsel vm10, v13, v26;
	vm4 =	vgt.f32 v28, v18  }
0x50: {  	v26 =	vsel vm3, v24, v59;
	vm0 =	vgt.f32 v28, v13;
	v18 =	vsel vm4, v28, v18  }
0x51: {  	[tilespmem:$0x1FEE0] =	vst v29;
	v29 =	vsel vm4, $0xFFFFFFFF, v60;
	v18 =	vsel vm0, v13, v18;
	v13 =	vsel vm0, v28, v13  }
0x52: {  	[tilespmem:$0x1FEF0] =	vst v29;
	v29 =	vsel vm0, $0xFFFFFFFF, v61;
	vm4 =	vgt.f32 v26, v18;
	vm0 =	vgt.f32 v26, v13  }
0x53: {  	v16 =	vsel vm2, v16, v20;
	v17 =	vsel vm0, $0xFFFFFFFF, v32;
	v33 =	vsel vm4, v26, v18  }
0x54: {  	v35 =	vperm.xlane v14, v3;
	v34 =	vsel vm3, v9, v62;
	[tilespmem:$0x1FF20] =	vst v17;
	v17 =	vsel vm0, v13, v33  }
0x55: {  	[tilespmem:$0x1FF00] =	vst v29;
	v29 =	vsel vm4, $0xFFFFFFFF, v63;
	v13 =	vsel vm0, v26, v13;
	vm4 =	vgt.f32 v34, v17  }
0x56: {  	v15 =	vsel vm2, v15, v19;
	vm0 =	vgt.f32 v34, v13;
	v17 =	vsel vm4, v34, v17  }
0x57: {  	v39 =	vperm.xlane v16, v3;
	v38 =	vsel vm3, v10, v35;
	v17 =	vsel vm0, v13, v17  }
0x58: {  	v20 =	vsel vm0, $0xFFFFFFFF, v37;
	v13 =	vsel vm0, v34, v13;
	vm0 =	vgt.f32 v38, v17  }
0x59: {  	v28 =	vsel vm4, $0xFFFFFFFF, v36;
	vm4 =	vgt.f32 v38, v13;
	v17 =	vsel vm0, v38, v17  }
0x5a: {  	v43 =	vperm.xlane v15, v3;
	v41 =	vsel vm3, v7, v39;
	v17 =	vsel vm4, v13, v17  }
0x5b: {  	v18 =	vsel vm0, $0xFFFFFFFF, v40;
	v13 =	vsel vm4, v38, v13;
	vm0 =	vgt.f32 v41, v17  }
0x5c: {  	v8 =	vsel vm2, v8, v12;
	vm15 =	vgt.f32 v41, v13;
	v45 =	vsel vm0, v41, v17  }
0x5d: {  	v5 =	vperm.xlane v5, v3;
	v46 =	vsel vm3, v8, v43;
	v12 =	vsel vm15, v13, v45  }
0x5e: {  	[tilespmem:$0x1FF40] =	vst v20;
	v20 =	vsel vm0, $0xFFFFFFFF, v44;
	v13 =	vsel vm15, v41, v13;
	vm0 =	vgt.f32 v46, v12  }
0x5f: {  	v47 =	vimm.s32 $0x0;
	vm8 =	vgt.f32 v46, v13;
	v12 =	vsel vm0, v46, v12  }
0x60: {  	v6 =	vperm.xlane v6, v3;
	v5 =	vsel vm3, v5, v23;
	v12 =	vsel vm8, v13, v12  }
0x61: {  	[tilespmem:$0x1FF50] =	vst v18;
	v18 =	vsel vm0, $0xFFFFFFFF, v47;
	v13 =	vsel vm8, v46, v13;
	vm0 =	vgt.f32 v5, v12  }
0x62: {  	v48 =	vimm.s32 $0x0;
	vm7 =	vgt.f32 v5, v13;
	v12 =	vsel vm0, v5, v12  }
0x63: {  	v49 =	vperm.xlane v53, v3;
	v6 =	vsel vm3, v6, v22;
	v12 =	vsel vm7, v13, v12  }
0x64: {  	v17 =	vsel vm0, $0xFFFFFFFF, v48;
	v5 =	vsel vm7, v5, v13;
	vm0 =	vgt.f32 v6, v12  }
0x65: {  	v50 =	vimm.s32 $0x0;
	vm6 =	vgt.f32 v6, v5;
	v12 =	vsel vm0, v6, v12  }
0x66: {  	v51 =	vsel vm3, v49, v25;
	v13 =	vsel vm0, $0xFFFFFFFF, v50;
	v12 =	vsel vm6, v5, v12  }
0x67: {  	v5 =	vsel vm6, v6, v5;
	v6 =	vimm.s32 $0x0;
	vm0 =	vgt.f32 v51, v12  }
0x68: {  	v42 =	vimm.s32 $0x0;
	v52 =	vperm.xlane v24, v3;
	v6 =	vsel vm0, $0xFFFFFFFF, v6  }
0x69: {  	v54 =	vimm.s32 $0x0;
	vm5 =	vgt.f32 v51, v5;
	[tilespmem:$0x1FFB0] =	vst v6;
	v6 =	vsel vm0, v51, v12  }
0x6a: {  	v55 =	vimm.s32 $0x0;
	v53 =	vsel vm3, v52, v27;
	v6 =	vsel vm5, v5, v6  }
0x6b: {  	v9 =	vperm.xlane v9, v3;
	v5 =	vsel vm5, v51, v5;
	vm0 =	vgt.f32 v53, v6  }
0x6c: {  	v19 =	vsel vm4, $0xFFFFFFFF, v42;
	vm4 =	vgt.f32 v53, v5;
	v6 =	vsel vm0, v53, v6  }
0x6d: {  	v10 =	vperm.xlane v10, v3;
	v9 =	vsel vm3, v9, v11;
	v6 =	vsel vm4, v5, v6  }
0x6e: {  	[tilespmem:$0x1FFA0] =	vst v13;
	v13 =	vsel vm0, $0xFFFFFFFF, v54;
	v5 =	vsel vm4, v53, v5;
	vm0 =	vgt.f32 v9, v6  }
0x6f: {  	v11 =	vsel vm0, $0xFFFFFFFF, v55;
	v6 =	vsel vm0, v9, v6;
	vm0 =	vgt.f32 v9, v5  }
0x70: {  	v56 =	vimm.s32 $0x0;
	v10 =	vsel vm3, v10, v14;
	v6 =	vsel vm0, v5, v6  }
0x71: {  	v7 =	vperm.xlane v7, v3;
	v5 =	vsel vm0, v9, v5;
	vm12 =	vgt.f32 v10, v6  }
0x72: {  	v57 =	vimm.s32 $0x0;
	vm14 =	vgt.f32 v10, v5;
	v6 =	vsel vm12, v10, v6  }
0x73: {  	v8 =	vperm.xlane v8, v3;
	v7 =	vsel vm3, v7, v16;
	v6 =	vsel vm14, v5, v6  }
0x74: {  	v9 =	vsel vm12, $0xFFFFFFFF, v56;
	v5 =	vsel vm14, v10, v5;
	vm12 =	vgt.f32 v7, v6  }
0x75: {  	[tilespmem:$0x1FFE0] =	vst v9;
	v9 =	vsel vm12, $0xFFFFFFFF, v57;
	v6 =	vsel vm12, v7, v6;
	vm12 =	vgt.f32 v7, v5  }
0x76: {  	v8 =	vsel vm3, v8, v15;
	v6 =	vsel vm12, v5, v6  }
0x77: {  	v5 =	vsel vm12, v7, v5;
	vm11 =	vgt.f32 v8, v6  }
0x78: {  	vm9 =	vmand vm10, vm9;
	v58 =	vld [tilespmem:$0x1FEE0];
	vm10 =	vgt.f32 v8, v5;
	v6 =	vsel vm11, v8, v6  }
0x79: {  	v59 =	vld [tilespmem:$0x1FEF0];
	v6 =	vsel vm10, v5, v6;
	v5 =	vsel vm10, v8, v5  }
0x7a: {  	[tilespmem:$0x1FF10] =	vst v29;
	v5 =	vsub.f32 v6, v5;
	v6 =	vld [tilespmem:$0x1FF00]  }
0x7b: {  	v60 =	vld [tilespmem:$0x1FF10]  }
0x7c: {  	v61 =	vld [tilespmem:$0x1FF20];
	[tilespmem:$0x1FF30] =	vst v28;
	v5 =	vmul.f32 $1.442695020e+00, v5  }
0x7d: {  	v62 =	vld [tilespmem:$0x1FF30];
	v7 =	vsel vm9, $0x1, v4;
	vm9 =	vnez.u8 v58  }
0x7e: {  	v8 =	vsel vm9, $0x1, v4;
	vm9 =	vnez.u8 v59;
	(erf) = vpow2.f32 v5;
	v5 =	vld [tilespmem:$0x1FF40]  }
0x7f: {  	v7 =	vsel vm9, $0x2, v7;
	vm9 =	vnez.u8 v6  }
0x80: {  	v6 =	vsel vm9, v8, v7;
	v7 =	vsel vm9, $0x2, v8;
	vm9 =	vnez.u8 v60  }
0x81: {  	v6 =	vsel vm9, $0x3, v6;
	vm9 =	vnez.u8 v61  }
0x82: {  	v6 =	vsel vm9, v7, v6;
	v7 =	vsel vm9, $0x3, v7;
	vm9 =	vnez.u8 v62  }
0x83: {  	v6 =	vsel vm9, $0x4, v6;
	vm9 =	vnez.u8 v5  }
0x84: {  	v5 =	vsel vm9, v7, v6;
	v6 =	vsel vm9, $0x4, v7;
	v7 =	vld [tilespmem:$0x1FF50];
	_ =	sdelay $0x3  }
0x85: {  	[tilespmem:$0x1FF60] =	vst v19  }
0x86: {  	vm9 =	vnez.u8 v7;
	v7 =	vld [tilespmem:$0x1FF60];
	_ =	sdelay $0x3  }
0x87: {  	[tilespmem:$0x1FF70] =	vst v20  }
0x88: {  	v5 =	vsel vm9, $0x5, v5;
	vm9 =	vnez.u8 v7;
	v7 =	vld [tilespmem:$0x1FF70];
	_ =	sdelay $0x3  }
0x89: {  	[tilespmem:$0x1FF80] =	vst v18  }
0x8a: {  	v5 =	vsel vm9, v6, v5;
	v6 =	vsel vm9, $0x5, v6;
	vm9 =	vnez.u8 v7;
	v7 =	vld [tilespmem:$0x1FF80];
	_ =	sdelay $0x3  }
0x8b: {  	[tilespmem:$0x1FF90] =	vst v17  }
0x8c: {  	v5 =	vsel vm9, $0x6, v5;
	vm9 =	vnez.u8 v7;
	v7 =	vld [tilespmem:$0x1FF90];
	_ =	sdelay $0x1  }
0x8d: {  	v63 =	vld [tilespmem:$0x1FFA0]  }
0x8e: {  	v5 =	vsel vm15, v6, v5  }
0x8f: {  	[tilespmem:$0x1FFC0] =	vst v13;
	v13 =	vld [tilespmem:$0x1FFB0];
	v6 =	vsel vm15, $0x6, v6;
	v5 =	vsel vm9, $0x7, v5  }
0x90: {  	v5 =	vsel vm8, v6, v5;
	v6 =	vsel vm8, $0x7, v6;
	vm8 =	vnez.u8 v7  }
0x91: {  	v14 =	vld [tilespmem:$0x1FFC0];
	v7 =	vpop (erf);
	v5 =	vsel vm8, $0x8, v5  }
0x92: {  	[tilespmem:$0x1FFD0] =	vst v11;
	vm9 =	vnez.u8 v63;
	v12 =	vadd.f32 $1.000000000e+00, v7;
	v5 =	vsel vm7, v6, v5  }
0x93: {  	v15 =	vld [tilespmem:$0x1FFD0];
	v6 =	vsel vm7, $0x8, v6;
	v5 =	vsel vm9, $0x9, v5  }
0x94: {  	vm9 =	vnez.u8 v13;
	(erf) = vrcp.f32 v12;
	v5 =	vsel vm6, v6, v5  }
0x95: {  	v16 =	vld [tilespmem:$0x1FFE0];
	v6 =	vsel vm6, $0x9, v6;
	v5 =	vsel vm9, $0xA, v5  }
0x96: {  	[tilespmem:$0x1FFF0] =	vst v9;
	v5 =	vsel vm5, v6, v5;
	v6 =	vsel vm5, $0xA, v6;
	vm5 =	vnez.u8 v14  }
0x97: {  	v17 =	vld [tilespmem:$0x1FFF0];
	v5 =	vsel vm5, $0xB, v5  }
0x98: {  	v5 =	vsel vm4, v6, v5;
	v6 =	vsel vm4, $0xB, v6;
	vm4 =	vnez.u8 v15  }
0x99: {  	v5 =	vsel vm4, $0xC, v5  }
0x9a: {  	v5 =	vsel vm0, v6, v5;
	v6 =	vsel vm0, $0xC, v6;
	vm0 =	vnez.u8 v16  }
0x9b: {  	v5 =	vsel vm0, $0xD, v5  }
0x9c: {  	vm0 =	vnez.u8 v17;
	v5 =	vsel vm14, v6, v5  }
0x9d: {  	v6 =	vsel vm14, $0xD, v6;
	v18 =	vpop (erf);
	v5 =	vsel vm0, $0xE, v5  }
0x9e: {  	v7 =	vmul.f32 v18, v7;
	v5 =	vsel vm12, v6, v5  }
0x9f: {  	v6 =	vsel vm12, $0xE, v6;
	v5 =	vsel vm11, $0xF, v5  }
0xa0: {  	v8 =	vsub.f32 $1.000000000e+00, v7;
	v5 =	vsel vm10, v6, v5;
	v6 =	vsel vm10, $0xF, v6  }
0xa1: {  	vm0 =	veq.s32 v5, $0x0;
	vm4 =	veq.s32 v6, $0x0;
	vm5 =	veq.s32 v5, $0x3  }
0xa2: {  	vm10 =	veq.s32 v5, $0x4;
	vm11 =	veq.s32 v5, $0xA;
	v19 =	vnsel vm0, $0x0, v7  }
0xa3: {  	vm0 =	veq.s32 v5, $0x1;
	v22 =	vnsel vm5, $0x0, v7;
	vm5 =	veq.s32 v6, $0x4  }
0xa4: {  	v23 =	vnsel vm10, $0x0, v7;
	v29 =	vnsel vm11, $0x0, v7;
	v9 =	vsel vm4, v8, v19  }
0xa5: {  	vm4 =	veq.s32 v6, $0x1;
	v20 =	vnsel vm0, $0x0, v7;
	vm0 =	veq.s32 v5, $0x2  }
0xa6: {  	v13 =	vsel vm5, v8, v23;
	vm5 =	veq.s32 v5, $0x6;
	v10 =	vsel vm4, v8, v20  }
0xa7: {  	vm4 =	veq.s32 v6, $0x2;
	v21 =	vnsel vm0, $0x0, v7;
	vm0 =	veq.s32 v6, $0x3  }
0xa8: {  	v25 =	vnsel vm5, $0x0, v7;
	vm5 =	veq.s32 v5, $0x9;
	v35 =	vperm.xlane v9, v0  }
0xa9: {  	v40 =	vperm.xlane v13, v0;
	v11 =	vsel vm4, v8, v21;
	v12 =	vsel vm0, v8, v22  }
0xaa: {  	vm0 =	veq.s32 v6, $0x5;
	vm4 =	veq.s32 v5, $0x5;
	v28 =	vnsel vm5, $0x0, v7  }
0xab: {  	vm5 =	veq.s32 v6, $0xA;
	v34 =	vperm.xlane v10, v0;
	v24 =	vnsel vm4, $0x0, v7  }
0xac: {  	vm4 =	veq.s32 v6, $0x6;
	v19 =	vsel vm5, v8, v29;
	vm5 =	veq.s32 v5, $0xC  }
0xad: {  	v36 =	vperm.xlane v12, v0;
	v37 =	vperm.xlane v11, v0;
	v10 =	vsel vm13, v35, v10  }
0xae: {  	v14 =	vsel vm0, v8, v24;
	v15 =	vsel vm4, v8, v25;
	vm0 =	veq.s32 v5, $0x7  }
0xaf: {  	vm4 =	veq.s32 v6, $0x7;
	v31 =	vnsel vm5, $0x0, v7;
	v9 =	vsel vm13, v9, v34  }
0xb0: {  	v47 =	vperm.xlane v19, v0;
	v55 =	vperm.xlane v10, v1;
	v26 =	vnsel vm0, $0x0, v7  }
0xb1: {  	vm0 =	veq.s32 v5, $0x8;
	v38 =	vperm.xlane v14, v0;
	v39 =	vsel vm13, v37, v12  }
0xb2: {  	v42 =	vperm.xlane v15, v0;
	v12 =	vsel vm13, v40, v14;
	v53 =	vperm.xlane v9, v1  }
0xb3: {  	v16 =	vsel vm4, v8, v26;
	vm4 =	veq.s32 v6, $0x8;
	v27 =	vnsel vm0, $0x0, v7  }
0xb4: {  	vm0 =	veq.s32 v6, $0x9;
	v54 =	vperm.xlane v39, v1;
	v59 =	vperm.xlane v12, v1  }
0xb5: {  	v17 =	vsel vm4, v8, v27;
	v18 =	vsel vm0, v8, v28;
	vm0 =	veq.s32 v6, $0xB  }
0xb6: {  	vm4 =	veq.s32 v5, $0xB;
	v13 =	vsel vm13, v13, v38;
	v41 =	vperm.xlane v16, v0  }
0xb7: {  	v16 =	vsel vm13, v42, v16;
	v30 =	vnsel vm4, $0x0, v7;
	v43 =	vperm.xlane v18, v0  }
0xb8: {  	vm4 =	veq.s32 v6, $0xC;
	v44 =	vperm.xlane v17, v0;
	v57 =	vperm.xlane v13, v1  }
0xb9: {  	v10 =	vsel vm1, v10, v54;
	v58 =	vperm.xlane v16, v1;
	v16 =	vsel vm1, v59, v16  }
0xba: {  	v20 =	vsel vm0, v8, v30;
	v21 =	vsel vm4, v8, v31;
	vm0 =	veq.s32 v5, $0xD  }
0xbb: {  	vm4 =	veq.s32 v6, $0xD;
	v15 =	vsel vm13, v15, v41;
	v35 =	vperm.xlane v10, v2  }
0xbc: {  	v32 =	vnsel vm0, $0x0, v7;
	vm0 =	veq.s32 v5, $0xE;
	v45 =	vperm.xlane v20, v0  }
0xbd: {  	v14 =	vsel vm13, v17, v43;
	v46 =	vsel vm13, v44, v18;
	v49 =	vperm.xlane v21, v0  }
0xbe: {  	v18 =	vsel vm13, v47, v20;
	v56 =	vperm.xlane v15, v1;
	v15 =	vsel vm1, v57, v15  }
0xbf: {  	v12 =	vsel vm1, v12, v58;
	v22 =	vsel vm4, v8, v32;
	vm4 =	veq.s32 v6, $0xE  }
0xc0: {  	v33 =	vnsel vm0, $0x0, v7;
	v61 =	vperm.xlane v14, v1;
	v62 =	vperm.xlane v18, v1  }
0xc1: {  	vm0 =	veq.s32 v6, $0xF;
	v63 =	vperm.xlane v46, v1;
	v34 =	vperm.xlane v12, v2  }
0xc2: {  	v12 =	vsel vm2, v35, v12;
	v23 =	vsel vm4, v8, v33;
	vm4 =	veq.s32 v5, $0xF  }
0xc3: {  	v19 =	vsel vm13, v19, v45;
	v48 =	vperm.xlane v22, v0;
	v22 =	vsel vm13, v49, v22  }
0xc4: {  	v13 =	vsel vm1, v13, v56;
	v7 =	vnsel vm4, $0x0, v7;
	v51 =	vperm.xlane v23, v0  }
0xc5: {  	v60 =	vperm.xlane v19, v1;
	v19 =	vsel vm1, v61, v19;
	v17 =	vsel vm1, v46, v62  }
0xc6: {  	v18 =	vsel vm1, v63, v18;
	v31 =	vperm.xlane v22, v1;
	v32 =	vperm.xlane v13, v2  }
0xc7: {  	v10 =	vsel vm2, v10, v34;
	v46 =	vperm.xlane v16, v2;
	v7 =	vsel vm0, v8, v7  }
0xc8: {  	v8 =	vsel vm13, v11, v36;
	v36 =	vperm.xlane v15, v2;
	v40 =	vperm.xlane v17, v2  }
0xc9: {  	v21 =	vsel vm13, v21, v48;
	v42 =	vperm.xlane v19, v2;
	v44 =	vperm.xlane v18, v2  }
0xca: {  	v11 =	vsel vm1, v55, v39;
	v50 =	vperm.xlane v7, v0;
	v52 =	vperm.xlane v8, v1  }
0xcb: {  	v7 =	vsel vm13, v51, v7;
	v8 =	vsel vm1, v53, v8;
	v14 =	vsel vm1, v14, v60  }
0xcc: {  	v29 =	vperm.xlane v21, v1;
	v27 =	vsel vm2, v11, v46;
	v11 =	vperm.xlane v11, v2  }
0xcd: {  	v30 =	vperm.xlane v7, v1;
	v7 =	vsel vm1, v31, v7;
	v38 =	vperm.xlane v14, v2  }
0xce: {  	v24 =	vsel vm2, v8, v36;
	v8 =	vperm.xlane v8, v2;
	v59 =	vperm.xlane v27, v3  }
0xcf: {  	v20 =	vsel vm13, v23, v50;
	v9 =	vsel vm1, v9, v52;
	v43 =	vperm.xlane v7, v2  }
0xd0: {  	v7 =	vsel vm2, v44, v7;
	v11 =	vsel vm2, v11, v16;
	v28 =	vperm.xlane v20, v1  }
0xd1: {  	v20 =	vsel vm1, v29, v20;
	v22 =	vsel vm1, v22, v30;
	v55 =	vperm.xlane v7, v3  }
0xd2: {  	v39 =	vperm.xlane v22, v2;
	v41 =	vperm.xlane v20, v2;
	v18 =	vsel vm2, v18, v43  }
0xd3: {  	v22 =	vsel vm2, v40, v22;
	v50 =	vperm.xlane v18, v3;
	v57 =	vsel vm3, v11, v55  }
0xd4: {  	v20 =	vsel vm2, v42, v20;
	v52 =	vperm.xlane v22, v3;
	v61 =	vsel vm3, v59, v18;
	[tilespmem:s10+$0xFFFFFF80] =	vst v57  }
0xd5: {  	v58 =	vperm.xlane v24, v3;
	v53 =	vperm.xlane v20, v3;
	[tilespmem:s10+$0x180] =	vst v61;
	v23 =	vsel vm3, v27, v50  }
0xd6: {  	v8 =	vsel vm2, v8, v15;
	v11 =	vperm.xlane v11, v3;
	v54 =	vsel vm3, v12, v52;
	[tilespmem:s10+$0xFFFFFD80] =	vst v23  }
0xd7: {  	v17 =	vsel vm2, v17, v39;
	v19 =	vsel vm2, v19, v41;
	v56 =	vsel vm3, v8, v53;
	[tilespmem:s10+$0xFFFFFE80] =	vst v54  }
0xd8: {  	v33 =	vperm.xlane v9, v2;
	v47 =	vperm.xlane v17, v3;
	v60 =	vsel vm3, v58, v19;
	[tilespmem:s10+$0xFFFFFF00] =	vst v56  }
0xd9: {  	v21 =	vsel vm1, v21, v28;
	v49 =	vperm.xlane v19, v3;
	v7 =	vsel vm3, v11, v7;
	[tilespmem:s10+$0x100] =	vst v60  }
0xda: {  	v37 =	vperm.xlane v21, v2;
	v12 =	vperm.xlane v12, v3;
	[tilespmem:s10+$0x380] =	vst v7;
	v25 =	vsel vm3, v10, v47  }
0xdb: {  	v21 =	vsel vm2, v38, v21;
	v8 =	vperm.xlane v8, v3;
	v26 =	vsel vm3, v24, v49;
	[tilespmem:s10+$0xFFFFFC80] =	vst v25  }
0xdc: {  	v51 =	vperm.xlane v21, v3;
	v14 =	vsel vm2, v14, v37;
	v63 =	vsel vm3, v12, v22;
	[tilespmem:s10+$0xFFFFFD00] =	vst v26  }
0xdd: {  	v13 =	vsel vm2, v33, v13;
	v45 =	vperm.xlane v14, v3;
	v8 =	vsel vm3, v8, v20;
	[tilespmem:s10+$0x280] =	vst v63  }
0xde: {  	v9 =	vsel vm2, v9, v32;
	v10 =	vperm.xlane v10, v3;
	v25 =	vsel vm3, v13, v51;
	[tilespmem:s10+$0x300] =	vst v8  }
0xdf: {  	v13 =	vperm.xlane v13, v3;
	v48 =	vsel vm3, v9, v45;
	[tilespmem:s10+$0xFFFFFE00] =	vst v25  }
0xe0: {  	p0 =	sne.s32 s12, $0x170;
	v9 =	vperm.xlane v9, v3;
	v10 =	vsel vm3, v10, v17;
	[tilespmem:s10+$0xFFFFFC00] =	vst v48  }
.Ltmp0:
0xe1: {  	[tilespmem:s10+$0x80] =	vst v10;
	v62 =	vsel vm3, v13, v21;
	(pc) =	sbr.rel @p0 .LBB2_2-.Ltmp0, $4  }
0xe2: {  	v9 =	vsel vm3, v9, v14;
	[tilespmem:s10+$0x200] =	vst v62  }
0xe3: {  	[tilespmem:s10+$0x0] =	vst v9  }
0xe4: {  	s13 =	sand.u32 $0x1F0, s12;
	[tilespmem:s11+$0x0] =	vst v6  }
0xe5: {  	s12 =	sadd.s32 $0x10, s12;
	s10 =	sadd.s32 $0x800, s10;
	s11 =	sadd.s32 $0x10, s11;
	[tilespmem:s13+$0xC180] =	vst v5  }
0xe6: {  	[hbm4b:s4+s2] =	stream.linear.scatter [tilespmem:s2], [sflag:$0x1], $0xC000, $0x38;
	[tilespmem:$0xC300] =	vst v63  }
0xe7: {  	s9 =	sadd.s32 $0x1, s9;
	_ =	swait.ge [sflag:s7], $0xC000  }
0xe8: {  	p0 =	sne.s32 s9, s6;
	[sflag:s7] =	ssyncset.done $0x0  }
.Ltmp1:
0xe9: {  	[sflag:s7] =	ssyncadd.s32 $0xFFFF4000;
	(pc) =	sbr.rel @p0 .LBB2_1-.Ltmp1, $4  }
0xea: {  	[hbm4b:s5+s2] =	stream.linear.scatter [tilespmem:s8], [sflag:$0x1], $0x300, $0x38;
	[tilespmem:$0xC300] =	vst v63  }
0xeb: {  	_ =	swait.ge [sflag:s7], $0x300  }
0xec: {  	[sflag:s7] =	ssyncset.done $0x0  }
0xed: {  	[sflag:s7] =	ssyncadd.s32 $0xFFFFFD00  }
0xee: {  	_ =	sfence.sel $0x180000  }
0xef: {  	[bflag:$0x0] =	sbarrier.arrive $0xFFFF  }
0xf0: {  	p0 =	sne.s32 s0, $0x0;
	_ =	strace $0x9000004A  }
0xf1: {  	s0 =	sadd.s32 @!p0 $0x100000, s1;
	[bflag:$0x2] =	sbarrier.arrive $0xFFFF  }
0xf2: {  	[sflag:s0] =	ssyncadd.tile.s32 @!p0 $0x1;
	_ =	shalt  }
.Lfunc_end2:
_tile_overlayer_lowered:
.L_overlay_start_2:
0xf3: {  	(tag) =	ssettag $0x2  }
0xf4: {  	s0 =	rddreg [dreg:$0x0];
	s2 =	stileid.u32  }
0xf5: {  	s1 =	rddreg [dreg:$0x1];
	p0 =	sne.s32 s2, $0x0  }
0xf6: {  	s3 =	rddreg [dreg:$0x2];
	[bflag:$0x3] =	sbarrier.arrive $0xFFFF;
	s2 =	simm.s32 @!p0 $0x1C01  }
0xf7: {  	[timem:s3], [sflag:s2] =	dma.local @!p0 [hbm:s0], s1  }
0xf8: {  	s0 =	simm.s32 @!p0 $0x1  }
0xf9: {  	_ =	swait.ge @!p0 [sflag:s0], s1  }
0xfa: {  	s1 =	ssub.s32 @!p0 $0x0, s1;
	[sflag:s0] =	ssyncset.done @!p0 $0x0  }
0xfb: {  	[sflag:s0] =	ssyncadd.s32 @!p0 s1  }
0xfc: {  	[bflag:$0x3] =	sbarrier.arrive $0xFFFF  }
0xfd: {  	_ =	shalt  }

// kernel: kernel.9.cloned.1.call-start
scs
__scs_entry_jumppad:
0x0: {  	(pc) =	sbr.rel $0x88, $3  }
0x1: {  	(tag) =	ssettag $0x0;
	lr =	simm.s32 $0x1  }
0x2: {  	[smem:$0x3F9E] =	sst lr;
	_ =	strace $0xD0000000  }
0x3: {  	_ = 	snop  }
0x4: {  	_ = 	snop  }
0x5: {  	_ = 	snop  }
0x6: {  	_ = 	snop  }
0x7: {  	_ = 	snop  }
__scs_overlays_trampoline_lowered:
0x8: {  	[smem:$0x3FAD] =	sst s0  }
0x9: {  	[smem:$0x3FAE] =	sst s1  }
0xa: {  	[smem:$0x3FAF] =	sst s2  }
0xb: {  	[smem:$0x3FB0] =	sst s3  }
0xc: {  	[smem:$0x3FB1] =	sst s4  }
0xd: {  	[smem:$0x3FB2] =	sst s5  }
0xe: {  	[smem:$0x3FB3] =	sst s6  }
0xf: {  	[smem:$0x3FB4] =	sst s7  }
0x10: {  	[smem:$0x3FB5] =	sst s8  }
0x11: {  	[smem:$0x3FB6] =	sst s9;
	s0 =	simm.s32 @!p0 $0x0  }
0x12: {  	s1 =	sld [smem:$0x3F9C];
	s0 =	simm.s32 @p0 $0x1  }
0x13: {  	[smem:$0x3FB7] =	sst s0;
	s0 =	simm.s32 @!p1 $0x0  }
0x14: {  	s2 =	sld [smem:$0x3F9B];
	s0 =	simm.s32 @p1 $0x1  }
0x15: {  	[smem:$0x3FB8] =	sst s0;
	s0 =	simm.s32 @!p2 $0x0  }
0x16: {  	s3 =	sld [smem:$0x3FDB];
	s0 =	simm.s32 @p2 $0x1  }
0x17: {  	s4 =	simm.s32 $0x1BF5;
	[smem:$0x3FBA] =	sst s0  }
0x18: {  	s0 =	sld [smem:$0x3F9D];
	_ =	swait.ge [sflag:s4], $0x0  }
0x19: {  	s7 =	sld [smem:$0x3F9E]  }
0x1a: {  	s8 =	sadd.s32 $0xFFFFE003, lr  }
0x1b: {  	s9 =	sadd.s32 $0xFFFFFEF7, lr;
	s5 =	simm.s32 $0xFFFFFFFF;
	p2 =	slt.u32 s8, $0xFFFFF086  }
0x1c: {  	p1 =	slt.u32 s9, $0xF7A;
	s5 =	simm.s32 @!p2 $0x0  }
0x1d: {  	s5 =	simm.s32 @p1 $0x1;
	p0 =	seq.s32 s7, s2  }
0x1e: {  	s7 =	smul.u32 @!p0 $0xF7A, s2;
	p2 =	seq.s32 @!p0 s5, $0x0  }
0x1f: {  	s9 =	smul.u32 $0xF7A, s1;
	s8 =	simm.s32 @!p0 $0x1BF5;
	p2 =	por !p2, p0  }
0x20: {  	[sflag:s8] =	ssyncset.s32 @!p0 $0xFFFFF086;
	s6 =	sadd.s32 @!p0 s3, s7;
	s7 =	simm.s32 @!p0 $0x108  }
0x21: {  	s3 =	sadd.s32 s3, s9;
	s6 =	sadd.s32 @!p0 $0x88, s6;
	s7 =	simm.s32 @p2 $0x1082  }
0x22: {  	[simem:s7], [sflag:s8] =	dma.local @!p0 [hbm:s6], $0xF7A  }
0x23: {  	s9 =	sor.u32 $0xD0000000, s2;
	s6 =	simm.s32 $0x108;
	_ =	swait.ge @!p0 [sflag:s8], $0x0  }
0x24: {  	s3 =	sadd.s32 $0x88, s3;
	s6 =	simm.s32 @!p1 $0x1082;
	[sflag:s4] =	ssyncset.s32 $0xFFFFF086  }
0x25: {  	[simem:s6], [sflag:s4] =	dma.local [hbm:s3], $0xF7A  }
0x26: {  	[smem:$0x3F9E] =	sst s1;
	(tag) =	ssettag s2;
	_ =	strace s9  }
0x27: {  	s1 =	sld [smem:$0x3FAE]  }
0x28: {  	s2 =	sld [smem:$0x3FAF]  }
0x29: {  	s4 =	sld [smem:$0x3FB1]  }
0x2a: {  	p0 =	seq.s32 s5, $0x0;
	s5 =	sld [smem:$0x3FB2]  }
0x2b: {  	s6 =	sld [smem:$0x3FB3]  }
0x2c: {  	s7 =	sld [smem:$0x3FB4]  }
0x2d: {  	s3 =	simm.s32 $0x108;
	s8 =	sld [smem:$0x3FB5]  }
0x2e: {  	s3 =	simm.s32 @!p0 $0x1082;
	s9 =	sld [smem:$0x3FB6]  }
0x2f: {  	lr =	sadd.s32 s0, s3;
	s0 =	sld [smem:$0x3FAD]  }
0x30: {  	s3 =	sld [smem:$0x3FB0]  }
0x31: {  	[smem:$0x3FB9] =	sst s10  }
0x32: {  	s10 =	sld [smem:$0x3FB7];
	_ =	sdelay $0x3  }
0x33: {  	p0 =	seq.s32 s10, $0x1;
	s10 =	sld [smem:$0x3FB9];
	_ =	sdelay $0x3  }
0x34: {  	[smem:$0x3FB9] =	sst s10  }
0x35: {  	s10 =	sld [smem:$0x3FB8];
	_ =	sdelay $0x3  }
0x36: {  	p1 =	seq.s32 s10, $0x1;
	s10 =	sld [smem:$0x3FB9];
	_ =	sdelay $0x3  }
0x37: {  	[smem:$0x3FB9] =	sst s10  }
0x38: {  	s10 =	sld [smem:$0x3FBA]  }
0x39: {  	_ = 	snop;
	(pc) =	sbr.ind lr, $3  }
0x3a: {  	_ = 	snop  }
0x3b: {  	_ = 	snop  }
0x3c: {  	p2 =	seq.s32 s10, $0x1;
	s10 =	sld [smem:$0x3FB9]  }
0x3d: {  	_ =	shalt  }
0x3e: {  	_ =	shalt  }
0x3f: {  	_ =	shalt  }
0x40: {  	_ =	shalt  }
0x41: {  	_ =	shalt  }
0x42: {  	_ =	shalt  }
0x43: {  	_ =	shalt  }
0x44: {  	_ =	shalt  }
0x45: {  	_ =	shalt  }
0x46: {  	_ =	shalt  }
0x47: {  	_ =	shalt  }
0x48: {  	_ =	shalt  }
0x49: {  	_ =	shalt  }
0x4a: {  	_ =	shalt  }
0x4b: {  	_ =	shalt  }
0x4c: {  	_ =	shalt  }
0x4d: {  	_ =	shalt  }
0x4e: {  	_ =	shalt  }
0x4f: {  	_ =	shalt  }
0x50: {  	_ =	shalt  }
0x51: {  	_ =	shalt  }
0x52: {  	_ =	shalt  }
0x53: {  	_ =	shalt  }
0x54: {  	_ =	shalt  }
0x55: {  	_ =	shalt  }
0x56: {  	_ =	shalt  }
0x57: {  	_ =	shalt  }
0x58: {  	_ =	shalt  }
0x59: {  	_ =	shalt  }
0x5a: {  	_ =	shalt  }
0x5b: {  	_ =	shalt  }
0x5c: {  	_ =	shalt  }
0x5d: {  	_ =	shalt  }
0x5e: {  	_ =	shalt  }
0x5f: {  	_ =	shalt  }
0x60: {  	_ =	shalt  }
0x61: {  	_ =	shalt  }
0x62: {  	_ =	shalt  }
0x63: {  	_ =	shalt  }
0x64: {  	_ =	shalt  }
0x65: {  	_ =	shalt  }
0x66: {  	_ =	shalt  }
0x67: {  	_ =	shalt  }
0x68: {  	_ =	shalt  }
0x69: {  	_ =	shalt  }
0x6a: {  	_ =	shalt  }
0x6b: {  	_ =	shalt  }
0x6c: {  	_ =	shalt  }
0x6d: {  	_ =	shalt  }
0x6e: {  	_ =	shalt  }
0x6f: {  	_ =	shalt  }
0x70: {  	_ =	shalt  }
0x71: {  	_ =	shalt  }
0x72: {  	_ =	shalt  }
0x73: {  	_ =	shalt  }
0x74: {  	_ =	shalt  }
0x75: {  	_ =	shalt  }
0x76: {  	_ =	shalt  }
0x77: {  	_ =	shalt  }
0x78: {  	_ =	shalt  }
0x79: {  	_ =	shalt  }
0x7a: {  	_ =	shalt  }
0x7b: {  	_ =	shalt  }
0x7c: {  	_ =	shalt  }
0x7d: {  	_ =	shalt  }
0x7e: {  	_ =	shalt  }
0x7f: {  	_ =	shalt  }
0x80: {  	_ =	shalt  }
0x81: {  	_ =	shalt  }
0x82: {  	_ =	shalt  }
0x83: {  	_ =	shalt  }
0x84: {  	_ =	shalt  }
0x85: {  	_ =	shalt  }
0x86: {  	_ =	shalt  }
0x87: {  	_ =	shalt  }
.Lfunc_end0:
.L_simem_size_0:
called_computation.1_lowered:
.L_overlay_start_0:
0x88: {  	s2 =	sld [smem:$0x3FD9]  }
0x89: {  	s3 =	sld [smem:$0x3FFE];
	_ =	sdelay $0x1  }
0x8a: {  	s1 =	srdreg.scid  }
0x8b: {  	s0 =	sand.u32 $0x1, s1  }
0x8c: {  	s16 =	sshll.u32 s0, $0xA;
	s2 =	sadd.s32 s3, s2  }
0x8d: {  	s2 =	sadd.s32 s2, s16  }
0x8e: {  	[smem:$0x3FC5] =	sst s2  }
0x8f: {  	_ = 	snop  }
0x90: {  	(tm) =	ssettm $0x1  }
0x91: {  	s17 =	sld [smem:$0x3FFB];
	_ =	sdelay $0x3  }
0x92: {  	_ =	strace s17  }
0x93: {  	s2 =	sld [smem:$0x3FFC];
	_ =	sdelay $0x3  }
0x94: {  	_ =	strace s2  }
0x95: {  	s2 =	sld [smem:$0x3FFD];
	_ =	sdelay $0x3  }
0x96: {  	_ =	strace s2  }
0x97: {  	_ =	strace $0x8FFFFFFF  }
0x98: {  	s18 =	sld [smem:$0x3FDB];
	_ =	sdelay $0x1  }
0x99: {  	s19 =	simm.s32 $_scs_section_size  }
0x9a: {  	s4 =	simm.s32 $_size__tile_overlayer_lowered;
	s5 =	simm.s32 $_tile_overlayer_lowered  }
0x9b: {  	s22 =	simm.s32 $0x1BFF;
	s21 =	sshll.u32 s5, $0x1;
	s2 =	sadd.s32 s19, s18  }
0x9c: {  	s6 =	simm.s32 $0x0;
	s20 =	sshll.u32 s4, $0x1;
	s4 =	sadd.s32 s21, s2  }
0x9d: {  	[timem:s6], [sflag:s22] =	dma.local [hbm:s4], s20  }
0x9e: {  	_ =	swait.ge [sflag:s22], s20  }
0x9f: {  	s3 =	ssub.s32 $0x0, s20;
	[sflag:s22] =	ssyncset.done $0x0  }
0xa0: {  	[sflag:s22] =	ssyncadd.s32 s3;
	_ =	sdelay $0x1  }
0xa1: {  	s23 =	simm.s32 $0x1B8B  }
0xa2: {  	_ =	swait.ge [sflag:s23], $0x1  }
0xa3: {  	[sflag:s23] =	ssyncset.done $0x0  }
0xa4: {  	s25 =	simm.s32 $0x1B8E;
	s24 =	sld [smem:$0x3FFE];
	[sflag:s23] =	ssyncadd.s32 $0xFFFFFFFF  }
0xa5: {  	s26 =	simm.s32 $execute0_lowered;
	[smem:$0x3FD2] =	sst s25  }
0xa6: {  	s4 =	sshll.u32 s26, $0x1;
	_ =	strace $0x80000046;
	[dreg:$0x1] =	wrdreg $0xFFFFFFFF  }
0xa7: {  	s28 =	simm.s32 $_size_execute0_lowered;
	s2 =	sadd.s32 s2, s4;
	[dreg:$0x0] =	wrdreg $0x0  }
0xa8: {  	s4 =	sshll.u32 s28, $0x1;
	[dreg:$0x2] =	wrdreg s2  }
0xa9: {  	[dreg:$0x3] =	wrdreg s4  }
0xaa: {  	[dreg:$0x4] =	wrdreg $0xC0  }
0xab: {  	_ =	task [dreg:s6], $0x5FFFF  }
0xac: {  	[dreg:$0x1] =	wrdreg $0xFFFFFFFF  }
0xad: {  	[dreg:$0x0] =	wrdreg $0x60  }
0xae: {  	[dreg:$0x2] =	wrdreg s24  }
0xaf: {  	[dreg:$0x3] =	wrdreg $0xA  }
0xb0: {  	_ =	task.clear_ibuf [dreg:s6], $0x4FFFF;
	_ =	strace $0x90000046  }
0xb1: {  	s29 =	simm.s32 $0xA;
	_ =	strace $0x80000048  }
0xb2: {  	_ =	swait.ge [sflag:s29], $0x1  }
0xb3: {  	[sflag:s29] =	ssyncadd.s32 $0xFFFFFFFF  }
0xb4: {  	_ =	strace $0x90000048  }
0xb5: {  	_ =	sfence  }
0xb6: {  	s30 =	sld [smem:$0x0];
	_ =	sdelay $0x2  }
0xb7: {  	s31 =	sshll.u32 s1, $0xD;
	s1 =	sshrl.u32 s1, $0x2  }
0xb8: {  	s3 =	sand.u32 $0x4000, s31;
	s1 =	sadd.s32 s1, s30  }
0xb9: {  	s0 =	sor.u32 s3, s0;
	s1 =	sshll.u32 s1, $0x11  }
0xba: {  	s0 =	sor.u32 s1, s0  }
0xbb: {  	s0 =	sadd.s32 $0x8F2B, s0  }
0xbc: {  	[sflag:s0] =	ssyncadd.remote.s32 $0x1  }
0xbd: {  	_ =	sfence.sel $0xFFFF  }
0xbe: {  	[dreg:$0x0] =	wrdreg $0xFFFFFFFF;
	(pc) =	sbr.abs _section_cstart, $3  }
0xbf: {  	[dreg:$0x1] =	wrdreg $0xFFFFFFFF  }
0xc0: {  	_ =	task.clear_ibuf [dreg:s6], $0x2FFFF;
	_ =	strace $0x9FFFFFFF  }
0xc1: {  	(tm) =	ssettm $0x7FFFFFFF  }
tec
execute0_lowered:
.L_overlay_start_1:
0x0: {  	(tag) =	ssettag $0x1  }
0x1: {  	v0 =	vimm.s32 $0xEFCDAB89;
	v1 =	vimm.s32 $0x67452301  }
0x2: {  	vm0 =	vcmask $0xB08;
	vm1 =	vcmask $0x300;
	v2 =	vimm.s32 $0x54761032  }
0x3: {  	v3 =	vimm.s32 $0xBA98FEDC;
	v4 =	vimm.s32 $0x32107654;
	v0 =	vunpack.c.l.s4.s8 v0  }
0x4: {  	v1 =	vunpack.c.l.s4.s8 v1;
	vm0 =	vmor vm1, vm0;
	vm1 =	vcmask $0x1310  }
0x5: {  	vm2 =	vcmask $0xF00;
	v2 =	vunpack.c.l.s4.s8 v2;
	vm0 =	vmor vm0, vm1  }
0x6: {  	vm1 =	vcmask $0x1B18;
	v0 =	vunpack.c.0.s8.s32 v0;
	v1 =	vunpack.c.0.s8.s32 v1  }
0x7: {  	v3 =	vunpack.c.l.s4.s8 v3;
	v4 =	vunpack.c.l.s4.s8 v4;
	vm0 =	vmor vm0, vm1  }
0x8: {  	vm1 =	vcmask $0x2320;
	v0 =	vcombine.low v1, v0;
	v1 =	vimm.s32 $0xDCFE98BA  }
0x9: {  	vm0 =	vmor vm0, vm1;
	vm1 =	vcmask $0x2B28;
	v1 =	vunpack.c.l.s4.s8 v1  }
0xa: {  	v2 =	vunpack.c.0.s8.s32 v2;
	vm0 =	vmor vm0, vm1;
	vm1 =	vcmask $0x3330  }
0xb: {  	vm0 =	vmor vm0, vm1;
	vm1 =	vcmask $0x3B38;
	v1 =	vunpack.c.0.s8.s32 v1  }
0xc: {  	s3 =	rddreg [dreg:$0x0];
	vm3 =	vmmov $0xff;
	v0 =	vand.u32 $0xF, v0;
	vm13 =	vmor vm0, vm1  }
0xd: {  	s0 =	rddreg [dreg:$0x1];
	s4 =	srdreg.scid;
	v1 =	vcombine.low v2, v1;
	v2 =	vunpack.c.0.s8.s32 v3;
	v3 =	vunpack.c.0.s8.s32 v4  }
0xe: {  	s1 =	stileid.u32;
	s2 =	simm.s32 $0x0;
	s8 =	simm.s32 $0x4000;
	vm0 =	vcmask $0x1710;
	vm1 =	vcmask $0x700;
	v4 =	vimm.s32 $0xFEDCBA98  }
0xf: {  	s4 =	sand.u32 $0x1, s4;
	s5 =	sshll.u32 s1, $0x1;
	[smem:$0x7FF] =	sst s2;
	v4 =	vunpack.c.l.s4.s8 v4;
	v2 =	vcombine.low v3, v2;
	v3 =	vimm.s32 $0x76543210  }
0x10: {  	s9 =	simm.s32 $0x0;
	s5 =	sor.u32 s4, s5;
	_ =	strace $0x80000047;
	vm0 =	vmor vm1, vm0;
	vm1 =	vcmask $0x2720;
	v3 =	vunpack.c.l.s4.s8 v3  }
0x11: {  	s4 =	ssub.s32 $0x2, s4;
	s6 =	sshll.u32 s5, $0xB;
	s5 =	sshll.u32 s5, $0x5;
	vm0 =	vmor vm0, vm1;
	vm1 =	vcmask $0x3730;
	v4 =	vunpack.c.0.s8.s32 v4  }
0x12: {  	s7 =	sshrl.u32 s4, $0x1;
	s6 =	sadd.s32 s6, s3;
	s5 =	sadd.s32 s5, s3;
	vm1 =	vmor vm0, vm1;
	vm0 =	vcmask $0x2F20;
	v3 =	vunpack.c.0.s8.s32 v3  }
0x13: {  	s7 =	ssub.s32 s4, s7;
	s3 =	sadd.s32 $0x1C00, s6;
	s4 =	sadd.s32 $0x11C00, s6;
	vm2 =	vmor vm2, vm0;
	v1 =	vand.u32 $0xF, v1;
	v4 =	vand.u32 $0xF, v4  }
0x14: {  	s5 =	sadd.s32 $0x21C00, s5;
	s6 =	smax.u32 s7, $0x1;
	s7 =	simm.s32 $0x1;
	v2 =	vand.u32 $0xF, v2;
	v3 =	vcombine.low v4, v3;
	v4 =	vimm.s32 $0x0  }
.LBB2_1:
0x15: {  	[tilespmem:s2], [sflag:$0x1] =	stream.linear.gather [hbm4b:s3+s2], $0x4000, $0x38;
	[tilespmem:$0x4100] =	vst v63  }
0x16: {  	_ =	swait.ge [sflag:s7], $0x4000  }
0x17: {  	[sflag:s7] =	ssyncset.done $0x0  }
0x18: {  	s10 =	simm.s32 $0x400;
	s11 =	simm.s32 $0x0;
	[sflag:s7] =	ssyncadd.s32 $0xFFFFC000  }
.LBB2_2:
0x19: {  	v5 =	vld [tilespmem:s10+$0xFFFFFC00]  }
0x1a: {  	v6 =	vld [tilespmem:s10+$0xFFFFFC80]  }
0x1b: {  	v7 =	vld [tilespmem:s10+$0xFFFFFD00]  }
0x1c: {  	v8 =	vld [tilespmem:s10+$0xFFFFFD80]  }
0x1d: {  	v9 =	vld [tilespmem:s10+$0xFFFFFE00]  }
0x1e: {  	v10 =	vld [tilespmem:s10+$0xFFFFFE80]  }
0x1f: {  	v11 =	vld [tilespmem:s10+$0xFFFFFF00]  }
0x20: {  	v12 =	vld [tilespmem:s10+$0xFFFFFF80]  }
0x21: {  	v13 =	vld [tilespmem:s10+$0x0]  }
0x22: {  	v14 =	vld [tilespmem:s10+$0x80]  }
0x23: {  	v16 =	vld [tilespmem:s10+$0x100]  }
0x24: {  	v18 =	vld [tilespmem:s10+$0x180]  }
0x25: {  	v19 =	vld [tilespmem:s10+$0x280];
	v15 =	vperm.xlane v6, v0  }
0x26: {  	v21 =	vld [tilespmem:s10+$0x200];
	v17 =	vperm.xlane v5, v0;
	v55 =	vperm.xlane v8, v0  }
0x27: {  	v23 =	vld [tilespmem:s10+$0x380];
	v56 =	vperm.xlane v7, v0;
	v20 =	vperm.xlane v10, v0  }
0x28: {  	v59 =	vld [tilespmem:s10+$0x300];
	v57 =	vperm.xlane v9, v0;
	v22 =	vperm.xlane v12, v0  }
0x29: {  	v58 =	vperm.xlane v11, v0;
	v60 =	vperm.xlane v14, v0  }
0x2a: {  	v61 =	vperm.xlane v13, v0;
	v62 =	vperm.xlane v18, v0  }
0x2b: {  	v63 =	vperm.xlane v16, v0;
	v24 =	vperm.xlane v19, v0  }
0x2c: {  	v27 =	vperm.xlane v21, v0;
	v29 =	vperm.xlane v23, v0  }
0x2d: {  	v30 =	vperm.xlane v59, v0;
	v5 =	vsel vm13, v5, v15;
	v6 =	vsel vm13, v17, v6  }
0x2e: {  	v7 =	vsel vm13, v7, v55;
	v8 =	vsel vm13, v56, v8;
	v9 =	vsel vm13, v9, v20  }
0x2f: {  	v10 =	vsel vm13, v57, v10;
	v11 =	vsel vm13, v11, v22;
	v12 =	vsel vm13, v58, v12  }
0x30: {  	v13 =	vsel vm13, v13, v60;
	v14 =	vsel vm13, v61, v14;
	v16 =	vsel vm13, v16, v62  }
0x31: {  	v15 =	vsel vm13, v63, v18;
	v28 =	vsel vm13, v21, v24;
	v31 =	vperm.xlane v7, v1  }
0x32: {  	v17 =	vsel vm13, v27, v19;
	v32 =	vperm.xlane v5, v1;
	v33 =	vperm.xlane v8, v1  }
0x33: {  	v20 =	vsel vm13, v59, v29;
	v34 =	vperm.xlane v6, v1;
	v35 =	vperm.xlane v11, v1  }
0x34: {  	v19 =	vsel vm13, v30, v23;
	v36 =	vperm.xlane v9, v1;
	v37 =	vperm.xlane v12, v1  }
0x35: {  	v29 =	vimm.s32 $0x0;
	v38 =	vperm.xlane v10, v1;
	v39 =	vperm.xlane v16, v1  }
0x36: {  	v60 =	vimm.s32 $0x0;
	v40 =	vperm.xlane v13, v1;
	v41 =	vperm.xlane v15, v1  }
0x37: {  	v61 =	vimm.s32 $0x0;
	v42 =	vperm.xlane v14, v1;
	v43 =	vperm.xlane v20, v1  }
0x38: {  	v63 =	vimm.s32 $0x0;
	v44 =	vperm.xlane v28, v1;
	v45 =	vperm.xlane v19, v1  }
0x39: {  	v46 =	vperm.xlane v17, v1;
	v5 =	vsel vm1, v5, v31;
	v7 =	vsel vm1, v32, v7  }
0x3a: {  	v6 =	vsel vm1, v6, v33;
	v8 =	vsel vm1, v34, v8;
	v9 =	vsel vm1, v9, v35  }
0x3b: {  	v11 =	vsel vm1, v36, v11;
	v10 =	vsel vm1, v10, v37;
	v12 =	vsel vm1, v38, v12  }
0x3c: {  	v13 =	vsel vm1, v13, v39;
	v16 =	vsel vm1, v40, v16;
	v14 =	vsel vm1, v14, v41  }
0x3d: {  	v15 =	vsel vm1, v42, v15;
	v18 =	vsel vm1, v28, v43;
	v20 =	vsel vm1, v44, v20  }
0x3e: {  	v17 =	vsel vm1, v17, v45;
	v19 =	vsel vm1, v46, v19;
	v47 =	vperm.xlane v9, v2  }
0x3f: {  	v32 =	vimm.s32 $0x0;
	v48 =	vperm.xlane v5, v2;
	v49 =	vperm.xlane v10, v2  }
0x40: {  	v36 =	vimm.s32 $0x0;
	v50 =	vperm.xlane v6, v2;
	v51 =	vperm.xlane v11, v2  }
0x41: {  	v37 =	vimm.s32 $0x0;
	v52 =	vperm.xlane v17, v2;
	v54 =	vperm.xlane v18, v2  }
0x42: {  	v40 =	vimm.s32 $0x0;
	v55 =	vperm.xlane v12, v2;
	v25 =	vperm.xlane v20, v2  }
0x43: {  	v44 =	vimm.s32 $0x0;
	v56 =	vperm.xlane v13, v2;
	v27 =	vperm.xlane v19, v2  }
0x44: {  	v5 =	vsel vm2, v5, v47;
	v9 =	vsel vm2, v48, v9;
	v6 =	vsel vm2, v6, v49  }
0x45: {  	v53 =	vsel vm2, v7, v51;
	v7 =	vperm.xlane v7, v2;
	v22 =	vsel vm2, v14, v52  }
0x46: {  	v23 =	vsel vm2, v13, v54;
	v25 =	vsel vm2, v16, v25;
	v14 =	vperm.xlane v14, v2  }
0x47: {  	v27 =	vsel vm2, v15, v27;
	v16 =	vperm.xlane v16, v2;
	v15 =	vperm.xlane v15, v2  }
0x48: {  	v24 =	vsel vm2, v8, v55;
	v8 =	vperm.xlane v8, v2;
	v26 =	vperm.xlane v22, v3  }
0x49: {  	v10 =	vsel vm2, v50, v10;
	v57 =	vperm.xlane v23, v3;
	v28 =	vperm.xlane v25, v3  }
0x4a: {  	v59 =	vperm.xlane v27, v3;
	v7 =	vsel vm2, v7, v11;
	v26 =	vsel vm3, v6, v26  }
0x4b: {  	v13 =	vsel vm3, v5, v57;
	vm0 =	vlt.f32 v26, $-Inf;
	vm4 =	vgt.f32 v26, $-Inf  }
0x4c: {  	v11 =	vsel vm2, v56, v18;
	vm5 =	vgt.f32 v26, v13;
	vm9 =	vmor vm4, vm0  }
0x4d: {  	v14 =	vsel vm2, v14, v17;
	vm10 =	vmneg vm5;
	v58 =	vnsel vm9, $0xFF800000, v26  }
0x4e: {  	v28 =	vsel vm3, v53, v28;
	v62 =	vperm.xlane v11, v3;
	v18 =	vsel vm10, v58, v13  }
0x4f: {  	v29 =	vsel vm5, $0xFFFFFFFF, v29;
	v13 =	vsel vm10, v13, v26;
	vm4 =	vgt.f32 v28, v18  }
0x50: {  	v26 =	vsel vm3, v24, v59;
	vm0 =	vgt.f32 v28, v13;
	v18 =	vsel vm4, v28, v18  }
0x51: {  	[tilespmem:$0x1FEE0] =	vst v29;
	v29 =	vsel vm4, $0xFFFFFFFF, v60;
	v18 =	vsel vm0, v13, v18;
	v13 =	vsel vm0, v28, v13  }
0x52: {  	[tilespmem:$0x1FEF0] =	vst v29;
	v29 =	vsel vm0, $0xFFFFFFFF, v61;
	vm4 =	vgt.f32 v26, v18;
	vm0 =	vgt.f32 v26, v13  }
0x53: {  	v16 =	vsel vm2, v16, v20;
	v17 =	vsel vm0, $0xFFFFFFFF, v32;
	v33 =	vsel vm4, v26, v18  }
0x54: {  	v35 =	vperm.xlane v14, v3;
	v34 =	vsel vm3, v9, v62;
	[tilespmem:$0x1FF20] =	vst v17;
	v17 =	vsel vm0, v13, v33  }
0x55: {  	[tilespmem:$0x1FF00] =	vst v29;
	v29 =	vsel vm4, $0xFFFFFFFF, v63;
	v13 =	vsel vm0, v26, v13;
	vm4 =	vgt.f32 v34, v17  }
0x56: {  	v15 =	vsel vm2, v15, v19;
	vm0 =	vgt.f32 v34, v13;
	v17 =	vsel vm4, v34, v17  }
0x57: {  	v39 =	vperm.xlane v16, v3;
	v38 =	vsel vm3, v10, v35;
	v17 =	vsel vm0, v13, v17  }
0x58: {  	v20 =	vsel vm0, $0xFFFFFFFF, v37;
	v13 =	vsel vm0, v34, v13;
	vm0 =	vgt.f32 v38, v17  }
0x59: {  	v28 =	vsel vm4, $0xFFFFFFFF, v36;
	vm4 =	vgt.f32 v38, v13;
	v17 =	vsel vm0, v38, v17  }
0x5a: {  	v43 =	vperm.xlane v15, v3;
	v41 =	vsel vm3, v7, v39;
	v17 =	vsel vm4, v13, v17  }
0x5b: {  	v18 =	vsel vm0, $0xFFFFFFFF, v40;
	v13 =	vsel vm4, v38, v13;
	vm0 =	vgt.f32 v41, v17  }
0x5c: {  	v8 =	vsel vm2, v8, v12;
	vm15 =	vgt.f32 v41, v13;
	v45 =	vsel vm0, v41, v17  }
0x5d: {  	v5 =	vperm.xlane v5, v3;
	v46 =	vsel vm3, v8, v43;
	v12 =	vsel vm15, v13, v45  }
0x5e: {  	[tilespmem:$0x1FF40] =	vst v20;
	v20 =	vsel vm0, $0xFFFFFFFF, v44;
	v13 =	vsel vm15, v41, v13;
	vm0 =	vgt.f32 v46, v12  }
0x5f: {  	v47 =	vimm.s32 $0x0;
	vm8 =	vgt.f32 v46, v13;
	v12 =	vsel vm0, v46, v12  }
0x60: {  	v6 =	vperm.xlane v6, v3;
	v5 =	vsel vm3, v5, v23;
	v12 =	vsel vm8, v13, v12  }
0x61: {  	[tilespmem:$0x1FF50] =	vst v18;
	v18 =	vsel vm0, $0xFFFFFFFF, v47;
	v13 =	vsel vm8, v46, v13;
	vm0 =	vgt.f32 v5, v12  }
0x62: {  	v48 =	vimm.s32 $0x0;
	vm7 =	vgt.f32 v5, v13;
	v12 =	vsel vm0, v5, v12  }
0x63: {  	v49 =	vperm.xlane v53, v3;
	v6 =	vsel vm3, v6, v22;
	v12 =	vsel vm7, v13, v12  }
0x64: {  	v17 =	vsel vm0, $0xFFFFFFFF, v48;
	v5 =	vsel vm7, v5, v13;
	vm0 =	vgt.f32 v6, v12  }
0x65: {  	v50 =	vimm.s32 $0x0;
	vm6 =	vgt.f32 v6, v5;
	v12 =	vsel vm0, v6, v12  }
0x66: {  	v51 =	vsel vm3, v49, v25;
	v13 =	vsel vm0, $0xFFFFFFFF, v50;
	v12 =	vsel vm6, v5, v12  }
0x67: {  	v5 =	vsel vm6, v6, v5;
	v6 =	vimm.s32 $0x0;
	vm0 =	vgt.f32 v51, v12  }
0x68: {  	v42 =	vimm.s32 $0x0;
	v52 =	vperm.xlane v24, v3;
	v6 =	vsel vm0, $0xFFFFFFFF, v6  }
0x69: {  	v54 =	vimm.s32 $0x0;
	vm5 =	vgt.f32 v51, v5;
	[tilespmem:$0x1FFB0] =	vst v6;
	v6 =	vsel vm0, v51, v12  }
0x6a: {  	v55 =	vimm.s32 $0x0;
	v53 =	vsel vm3, v52, v27;
	v6 =	vsel vm5, v5, v6  }
0x6b: {  	v9 =	vperm.xlane v9, v3;
	v5 =	vsel vm5, v51, v5;
	vm0 =	vgt.f32 v53, v6  }
0x6c: {  	v19 =	vsel vm4, $0xFFFFFFFF, v42;
	vm4 =	vgt.f32 v53, v5;
	v6 =	vsel vm0, v53, v6  }
0x6d: {  	v10 =	vperm.xlane v10, v3;
	v9 =	vsel vm3, v9, v11;
	v6 =	vsel vm4, v5, v6  }
0x6e: {  	[tilespmem:$0x1FFA0] =	vst v13;
	v13 =	vsel vm0, $0xFFFFFFFF, v54;
	v5 =	vsel vm4, v53, v5;
	vm0 =	vgt.f32 v9, v6  }
0x6f: {  	v11 =	vsel vm0, $0xFFFFFFFF, v55;
	v6 =	vsel vm0, v9, v6;
	vm0 =	vgt.f32 v9, v5  }
0x70: {  	v56 =	vimm.s32 $0x0;
	v10 =	vsel vm3, v10, v14;
	v6 =	vsel vm0, v5, v6  }
0x71: {  	v7 =	vperm.xlane v7, v3;
	v5 =	vsel vm0, v9, v5;
	vm12 =	vgt.f32 v10, v6  }
0x72: {  	v57 =	vimm.s32 $0x0;
	vm14 =	vgt.f32 v10, v5;
	v6 =	vsel vm12, v10, v6  }
0x73: {  	v8 =	vperm.xlane v8, v3;
	v7 =	vsel vm3, v7, v16;
	v6 =	vsel vm14, v5, v6  }
0x74: {  	v9 =	vsel vm12, $0xFFFFFFFF, v56;
	v5 =	vsel vm14, v10, v5;
	vm12 =	vgt.f32 v7, v6  }
0x75: {  	[tilespmem:$0x1FFE0] =	vst v9;
	v9 =	vsel vm12, $0xFFFFFFFF, v57;
	v6 =	vsel vm12, v7, v6;
	vm12 =	vgt.f32 v7, v5  }
0x76: {  	v8 =	vsel vm3, v8, v15;
	v6 =	vsel vm12, v5, v6  }
0x77: {  	v5 =	vsel vm12, v7, v5;
	vm11 =	vgt.f32 v8, v6  }
0x78: {  	vm9 =	vmand vm10, vm9;
	v58 =	vld [tilespmem:$0x1FEE0];
	vm10 =	vgt.f32 v8, v5;
	v6 =	vsel vm11, v8, v6  }
0x79: {  	v59 =	vld [tilespmem:$0x1FEF0];
	v6 =	vsel vm10, v5, v6;
	v5 =	vsel vm10, v8, v5  }
0x7a: {  	[tilespmem:$0x1FF10] =	vst v29;
	v5 =	vsub.f32 v6, v5;
	v6 =	vld [tilespmem:$0x1FF00]  }
0x7b: {  	v60 =	vld [tilespmem:$0x1FF10]  }
0x7c: {  	v61 =	vld [tilespmem:$0x1FF20];
	[tilespmem:$0x1FF30] =	vst v28;
	v5 =	vmul.f32 $1.442695020e+00, v5  }
0x7d: {  	v62 =	vld [tilespmem:$0x1FF30];
	v7 =	vsel vm9, $0x1, v4;
	vm9 =	vnez.u8 v58  }
0x7e: {  	v8 =	vsel vm9, $0x1, v4;
	vm9 =	vnez.u8 v59;
	(erf) = vpow2.f32 v5;
	v5 =	vld [tilespmem:$0x1FF40]  }
0x7f: {  	v7 =	vsel vm9, $0x2, v7;
	vm9 =	vnez.u8 v6  }
0x80: {  	v6 =	vsel vm9, v8, v7;
	v7 =	vsel vm9, $0x2, v8;
	vm9 =	vnez.u8 v60  }
0x81: {  	v6 =	vsel vm9, $0x3, v6;
	vm9 =	vnez.u8 v61  }
0x82: {  	v6 =	vsel vm9, v7, v6;
	v7 =	vsel vm9, $0x3, v7;
	vm9 =	vnez.u8 v62  }
0x83: {  	v6 =	vsel vm9, $0x4, v6;
	vm9 =	vnez.u8 v5  }
0x84: {  	v5 =	vsel vm9, v7, v6;
	v6 =	vsel vm9, $0x4, v7;
	v7 =	vld [tilespmem:$0x1FF50];
	_ =	sdelay $0x3  }
0x85: {  	[tilespmem:$0x1FF60] =	vst v19  }
0x86: {  	vm9 =	vnez.u8 v7;
	v7 =	vld [tilespmem:$0x1FF60];
	_ =	sdelay $0x3  }
0x87: {  	[tilespmem:$0x1FF70] =	vst v20  }
0x88: {  	v5 =	vsel vm9, $0x5, v5;
	vm9 =	vnez.u8 v7;
	v7 =	vld [tilespmem:$0x1FF70];
	_ =	sdelay $0x3  }
0x89: {  	[tilespmem:$0x1FF80] =	vst v18  }
0x8a: {  	v5 =	vsel vm9, v6, v5;
	v6 =	vsel vm9, $0x5, v6;
	vm9 =	vnez.u8 v7;
	v7 =	vld [tilespmem:$0x1FF80];
	_ =	sdelay $0x3  }
0x8b: {  	[tilespmem:$0x1FF90] =	vst v17  }
0x8c: {  	v5 =	vsel vm9, $0x6, v5;
	vm9 =	vnez.u8 v7;
	v7 =	vld [tilespmem:$0x1FF90];
	_ =	sdelay $0x1  }
0x8d: {  	v63 =	vld [tilespmem:$0x1FFA0]  }
0x8e: {  	v5 =	vsel vm15, v6, v5  }
0x8f: {  	[tilespmem:$0x1FFC0] =	vst v13;
	v13 =	vld [tilespmem:$0x1FFB0];
	v6 =	vsel vm15, $0x6, v6;
	v5 =	vsel vm9, $0x7, v5  }
0x90: {  	v5 =	vsel vm8, v6, v5;
	v6 =	vsel vm8, $0x7, v6;
	vm8 =	vnez.u8 v7  }
0x91: {  	v14 =	vld [tilespmem:$0x1FFC0];
	v7 =	vpop (erf);
	v5 =	vsel vm8, $0x8, v5  }
0x92: {  	[tilespmem:$0x1FFD0] =	vst v11;
	vm9 =	vnez.u8 v63;
	v12 =	vadd.f32 $1.000000000e+00, v7;
	v5 =	vsel vm7, v6, v5  }
0x93: {  	v15 =	vld [tilespmem:$0x1FFD0];
	v6 =	vsel vm7, $0x8, v6;
	v5 =	vsel vm9, $0x9, v5  }
0x94: {  	vm9 =	vnez.u8 v13;
	(erf) = vrcp.f32 v12;
	v5 =	vsel vm6, v6, v5  }
0x95: {  	v16 =	vld [tilespmem:$0x1FFE0];
	v6 =	vsel vm6, $0x9, v6;
	v5 =	vsel vm9, $0xA, v5  }
0x96: {  	[tilespmem:$0x1FFF0] =	vst v9;
	v5 =	vsel vm5, v6, v5;
	v6 =	vsel vm5, $0xA, v6;
	vm5 =	vnez.u8 v14  }
0x97: {  	v17 =	vld [tilespmem:$0x1FFF0];
	v5 =	vsel vm5, $0xB, v5  }
0x98: {  	v5 =	vsel vm4, v6, v5;
	v6 =	vsel vm4, $0xB, v6;
	vm4 =	vnez.u8 v15  }
0x99: {  	v5 =	vsel vm4, $0xC, v5  }
0x9a: {  	v5 =	vsel vm0, v6, v5;
	v6 =	vsel vm0, $0xC, v6;
	vm0 =	vnez.u8 v16  }
0x9b: {  	v5 =	vsel vm0, $0xD, v5  }
0x9c: {  	vm0 =	vnez.u8 v17;
	v5 =	vsel vm14, v6, v5  }
0x9d: {  	v6 =	vsel vm14, $0xD, v6;
	v18 =	vpop (erf);
	v5 =	vsel vm0, $0xE, v5  }
0x9e: {  	v7 =	vmul.f32 v18, v7;
	v5 =	vsel vm12, v6, v5  }
0x9f: {  	v6 =	vsel vm12, $0xE, v6;
	v5 =	vsel vm11, $0xF, v5  }
0xa0: {  	v8 =	vsub.f32 $1.000000000e+00, v7;
	v5 =	vsel vm10, v6, v5;
	v6 =	vsel vm10, $0xF, v6  }
0xa1: {  	vm0 =	veq.s32 v5, $0x0;
	vm4 =	veq.s32 v6, $0x0;
	vm5 =	veq.s32 v5, $0x3  }
0xa2: {  	vm10 =	veq.s32 v5, $0x4;
	vm11 =	veq.s32 v5, $0xA;
	v19 =	vnsel vm0, $0x0, v7  }
0xa3: {  	vm0 =	veq.s32 v5, $0x1;
	v22 =	vnsel vm5, $0x0, v7;
	vm5 =	veq.s32 v6, $0x4  }
0xa4: {  	v23 =	vnsel vm10, $0x0, v7;
	v29 =	vnsel vm11, $0x0, v7;
	v9 =	vsel vm4, v8, v19  }
0xa5: {  	vm4 =	veq.s32 v6, $0x1;
	v20 =	vnsel vm0, $0x0, v7;
	vm0 =	veq.s32 v5, $0x2  }
0xa6: {  	v13 =	vsel vm5, v8, v23;
	vm5 =	veq.s32 v5, $0x6;
	v10 =	vsel vm4, v8, v20  }
0xa7: {  	vm4 =	veq.s32 v6, $0x2;
	v21 =	vnsel vm0, $0x0, v7;
	vm0 =	veq.s32 v6, $0x3  }
0xa8: {  	v25 =	vnsel vm5, $0x0, v7;
	vm5 =	veq.s32 v5, $0x9;
	v35 =	vperm.xlane v9, v0  }
0xa9: {  	v40 =	vperm.xlane v13, v0;
	v11 =	vsel vm4, v8, v21;
	v12 =	vsel vm0, v8, v22  }
0xaa: {  	vm0 =	veq.s32 v6, $0x5;
	vm4 =	veq.s32 v5, $0x5;
	v28 =	vnsel vm5, $0x0, v7  }
0xab: {  	vm5 =	veq.s32 v6, $0xA;
	v34 =	vperm.xlane v10, v0;
	v24 =	vnsel vm4, $0x0, v7  }
0xac: {  	vm4 =	veq.s32 v6, $0x6;
	v19 =	vsel vm5, v8, v29;
	vm5 =	veq.s32 v5, $0xC  }
0xad: {  	v36 =	vperm.xlane v12, v0;
	v37 =	vperm.xlane v11, v0;
	v10 =	vsel vm13, v35, v10  }
0xae: {  	v14 =	vsel vm0, v8, v24;
	v15 =	vsel vm4, v8, v25;
	vm0 =	veq.s32 v5, $0x7  }
0xaf: {  	vm4 =	veq.s32 v6, $0x7;
	v31 =	vnsel vm5, $0x0, v7;
	v9 =	vsel vm13, v9, v34  }
0xb0: {  	v47 =	vperm.xlane v19, v0;
	v55 =	vperm.xlane v10, v1;
	v26 =	vnsel vm0, $0x0, v7  }
0xb1: {  	vm0 =	veq.s32 v5, $0x8;
	v38 =	vperm.xlane v14, v0;
	v39 =	vsel vm13, v37, v12  }
0xb2: {  	v42 =	vperm.xlane v15, v0;
	v12 =	vsel vm13, v40, v14;
	v53 =	vperm.xlane v9, v1  }
0xb3: {  	v16 =	vsel vm4, v8, v26;
	vm4 =	veq.s32 v6, $0x8;
	v27 =	vnsel vm0, $0x0, v7  }
0xb4: {  	vm0 =	veq.s32 v6, $0x9;
	v54 =	vperm.xlane v39, v1;
	v59 =	vperm.xlane v12, v1  }
0xb5: {  	v17 =	vsel vm4, v8, v27;
	v18 =	vsel vm0, v8, v28;
	vm0 =	veq.s32 v6, $0xB  }
0xb6: {  	vm4 =	veq.s32 v5, $0xB;
	v13 =	vsel vm13, v13, v38;
	v41 =	vperm.xlane v16, v0  }
0xb7: {  	v16 =	vsel vm13, v42, v16;
	v30 =	vnsel vm4, $0x0, v7;
	v43 =	vperm.xlane v18, v0  }
0xb8: {  	vm4 =	veq.s32 v6, $0xC;
	v44 =	vperm.xlane v17, v0;
	v57 =	vperm.xlane v13, v1  }
0xb9: {  	v10 =	vsel vm1, v10, v54;
	v58 =	vperm.xlane v16, v1;
	v16 =	vsel vm1, v59, v16  }
0xba: {  	v20 =	vsel vm0, v8, v30;
	v21 =	vsel vm4, v8, v31;
	vm0 =	veq.s32 v5, $0xD  }
0xbb: {  	vm4 =	veq.s32 v6, $0xD;
	v15 =	vsel vm13, v15, v41;
	v35 =	vperm.xlane v10, v2  }
0xbc: {  	v32 =	vnsel vm0, $0x0, v7;
	vm0 =	veq.s32 v5, $0xE;
	v45 =	vperm.xlane v20, v0  }
0xbd: {  	v14 =	vsel vm13, v17, v43;
	v46 =	vsel vm13, v44, v18;
	v49 =	vperm.xlane v21, v0  }
0xbe: {  	v18 =	vsel vm13, v47, v20;
	v56 =	vperm.xlane v15, v1;
	v15 =	vsel vm1, v57, v15  }
0xbf: {  	v12 =	vsel vm1, v12, v58;
	v22 =	vsel vm4, v8, v32;
	vm4 =	veq.s32 v6, $0xE  }
0xc0: {  	v33 =	vnsel vm0, $0x0, v7;
	v61 =	vperm.xlane v14, v1;
	v62 =	vperm.xlane v18, v1  }
0xc1: {  	vm0 =	veq.s32 v6, $0xF;
	v63 =	vperm.xlane v46, v1;
	v34 =	vperm.xlane v12, v2  }
0xc2: {  	v12 =	vsel vm2, v35, v12;
	v23 =	vsel vm4, v8, v33;
	vm4 =	veq.s32 v5, $0xF  }
0xc3: {  	v19 =	vsel vm13, v19, v45;
	v48 =	vperm.xlane v22, v0;
	v22 =	vsel vm13, v49, v22  }
0xc4: {  	v13 =	vsel vm1, v13, v56;
	v7 =	vnsel vm4, $0x0, v7;
	v51 =	vperm.xlane v23, v0  }
0xc5: {  	v60 =	vperm.xlane v19, v1;
	v19 =	vsel vm1, v61, v19;
	v17 =	vsel vm1, v46, v62  }
0xc6: {  	v18 =	vsel vm1, v63, v18;
	v31 =	vperm.xlane v22, v1;
	v32 =	vperm.xlane v13, v2  }
0xc7: {  	v10 =	vsel vm2, v10, v34;
	v46 =	vperm.xlane v16, v2;
	v7 =	vsel vm0, v8, v7  }
0xc8: {  	v8 =	vsel vm13, v11, v36;
	v36 =	vperm.xlane v15, v2;
	v40 =	vperm.xlane v17, v2  }
0xc9: {  	v21 =	vsel vm13, v21, v48;
	v42 =	vperm.xlane v19, v2;
	v44 =	vperm.xlane v18, v2  }
0xca: {  	v11 =	vsel vm1, v55, v39;
	v50 =	vperm.xlane v7, v0;
	v52 =	vperm.xlane v8, v1  }
0xcb: {  	v7 =	vsel vm13, v51, v7;
	v8 =	vsel vm1, v53, v8;
	v14 =	vsel vm1, v14, v60  }
0xcc: {  	v29 =	vperm.xlane v21, v1;
	v27 =	vsel vm2, v11, v46;
	v11 =	vperm.xlane v11, v2  }
0xcd: {  	v30 =	vperm.xlane v7, v1;
	v7 =	vsel vm1, v31, v7;
	v38 =	vperm.xlane v14, v2  }
0xce: {  	v24 =	vsel vm2, v8, v36;
	v8 =	vperm.xlane v8, v2;
	v59 =	vperm.xlane v27, v3  }
0xcf: {  	v20 =	vsel vm13, v23, v50;
	v9 =	vsel vm1, v9, v52;
	v43 =	vperm.xlane v7, v2  }
0xd0: {  	v7 =	vsel vm2, v44, v7;
	v11 =	vsel vm2, v11, v16;
	v28 =	vperm.xlane v20, v1  }
0xd1: {  	v20 =	vsel vm1, v29, v20;
	v22 =	vsel vm1, v22, v30;
	v55 =	vperm.xlane v7, v3  }
0xd2: {  	v39 =	vperm.xlane v22, v2;
	v41 =	vperm.xlane v20, v2;
	v18 =	vsel vm2, v18, v43  }
0xd3: {  	v22 =	vsel vm2, v40, v22;
	v50 =	vperm.xlane v18, v3;
	v57 =	vsel vm3, v11, v55  }
0xd4: {  	v20 =	vsel vm2, v42, v20;
	v52 =	vperm.xlane v22, v3;
	v61 =	vsel vm3, v59, v18;
	[tilespmem:s10+$0xFFFFFF80] =	vst v57  }
0xd5: {  	v58 =	vperm.xlane v24, v3;
	v53 =	vperm.xlane v20, v3;
	[tilespmem:s10+$0x180] =	vst v61;
	v23 =	vsel vm3, v27, v50  }
0xd6: {  	v8 =	vsel vm2, v8, v15;
	v11 =	vperm.xlane v11, v3;
	v54 =	vsel vm3, v12, v52;
	[tilespmem:s10+$0xFFFFFD80] =	vst v23  }
0xd7: {  	v17 =	vsel vm2, v17, v39;
	v19 =	vsel vm2, v19, v41;
	v56 =	vsel vm3, v8, v53;
	[tilespmem:s10+$0xFFFFFE80] =	vst v54  }
0xd8: {  	v33 =	vperm.xlane v9, v2;
	v47 =	vperm.xlane v17, v3;
	v60 =	vsel vm3, v58, v19;
	[tilespmem:s10+$0xFFFFFF00] =	vst v56  }
0xd9: {  	v21 =	vsel vm1, v21, v28;
	v49 =	vperm.xlane v19, v3;
	v7 =	vsel vm3, v11, v7;
	[tilespmem:s10+$0x100] =	vst v60  }
0xda: {  	v37 =	vperm.xlane v21, v2;
	v12 =	vperm.xlane v12, v3;
	[tilespmem:s10+$0x380] =	vst v7;
	v25 =	vsel vm3, v10, v47  }
0xdb: {  	v21 =	vsel vm2, v38, v21;
	v8 =	vperm.xlane v8, v3;
	v26 =	vsel vm3, v24, v49;
	[tilespmem:s10+$0xFFFFFC80] =	vst v25  }
0xdc: {  	v51 =	vperm.xlane v21, v3;
	v14 =	vsel vm2, v14, v37;
	v63 =	vsel vm3, v12, v22;
	[tilespmem:s10+$0xFFFFFD00] =	vst v26  }
0xdd: {  	v13 =	vsel vm2, v33, v13;
	v45 =	vperm.xlane v14, v3;
	v8 =	vsel vm3, v8, v20;
	[tilespmem:s10+$0x280] =	vst v63  }
0xde: {  	v9 =	vsel vm2, v9, v32;
	v10 =	vperm.xlane v10, v3;
	v25 =	vsel vm3, v13, v51;
	[tilespmem:s10+$0x300] =	vst v8  }
0xdf: {  	v13 =	vperm.xlane v13, v3;
	v48 =	vsel vm3, v9, v45;
	[tilespmem:s10+$0xFFFFFE00] =	vst v25  }
0xe0: {  	p0 =	sne.s32 s11, $0x1C0;
	v9 =	vperm.xlane v9, v3;
	v10 =	vsel vm3, v10, v17;
	[tilespmem:s10+$0xFFFFFC00] =	vst v48  }
.Ltmp0:
0xe1: {  	[tilespmem:s10+$0x80] =	vst v10;
	v62 =	vsel vm3, v13, v21;
	(pc) =	sbr.rel @p0 .LBB2_2-.Ltmp0, $4  }
0xe2: {  	v9 =	vsel vm3, v9, v14;
	[tilespmem:s10+$0x200] =	vst v62  }
0xe3: {  	s12 =	sshra.s32 s11, $0x2;
	[tilespmem:s10+$0x0] =	vst v9  }
0xe4: {  	[tilespmem:s12+$0x4000] =	vst v6  }
0xe5: {  	s11 =	sadd.s32 $0x40, s11;
	s10 =	sadd.s32 $0x800, s10;
	[tilespmem:s12+$0x4080] =	vst v5  }
0xe6: {  	[hbm4b:s4+s2] =	stream.linear.scatter [tilespmem:s2], [sflag:$0x1], $0x4000, $0x38;
	[tilespmem:$0x4100] =	vst v63  }
0xe7: {  	s9 =	sadd.s32 $0x1, s9;
	_ =	swait.ge [sflag:s7], $0x4000  }
0xe8: {  	p0 =	sne.s32 s9, s6;
	[sflag:s7] =	ssyncset.done $0x0  }
.Ltmp1:
0xe9: {  	[sflag:s7] =	ssyncadd.s32 $0xFFFFC000;
	(pc) =	sbr.rel @p0 .LBB2_1-.Ltmp1, $4  }
0xea: {  	[hbm4b:s5+s2] =	stream.linear.scatter [tilespmem:s8], [sflag:$0x1], $0x100, $0x38;
	[tilespmem:$0x4100] =	vst v63  }
0xeb: {  	_ =	swait.ge [sflag:s7], $0x100  }
0xec: {  	[sflag:s7] =	ssyncset.done $0x0  }
0xed: {  	[sflag:s7] =	ssyncadd.s32 $0xFFFFFF00  }
0xee: {  	_ =	sfence.sel $0x180000  }
0xef: {  	[bflag:$0x0] =	sbarrier.arrive $0xFFFF  }
0xf0: {  	p0 =	sne.s32 s1, $0x0;
	_ =	strace $0x90000047  }
0xf1: {  	s0 =	sadd.s32 @!p0 $0x100000, s0;
	[bflag:$0x2] =	sbarrier.arrive $0xFFFF  }
0xf2: {  	[sflag:s0] =	ssyncadd.tile.s32 @!p0 $0x1;
	_ =	shalt  }
.Lfunc_end2:
_tile_overlayer_lowered:
.L_overlay_start_2:
0xf3: {  	(tag) =	ssettag $0x2  }
0xf4: {  	s0 =	rddreg [dreg:$0x0];
	s2 =	stileid.u32  }
0xf5: {  	s1 =	rddreg [dreg:$0x1];
	p0 =	sne.s32 s2, $0x0  }
0xf6: {  	s3 =	rddreg [dreg:$0x2];
	[bflag:$0x3] =	sbarrier.arrive $0xFFFF;
	s2 =	simm.s32 @!p0 $0x1C01  }
0xf7: {  	[timem:s3], [sflag:s2] =	dma.local @!p0 [hbm:s0], s1  }
0xf8: {  	s0 =	simm.s32 @!p0 $0x1  }
0xf9: {  	_ =	swait.ge @!p0 [sflag:s0], s1  }
0xfa: {  	s1 =	ssub.s32 @!p0 $0x0, s1;
	[sflag:s0] =	ssyncset.done @!p0 $0x0  }
0xfb: {  	[sflag:s0] =	ssyncadd.s32 @!p0 s1  }
0xfc: {  	[bflag:$0x3] =	sbarrier.arrive $0xFFFF  }
0xfd: {  	_ =	shalt  }

</sc_bundles>
